<compile_context>
chip_gen: v7x
topology: tpu7x:2x2x1
jax: 0.10.2.dev20260603
libtpu: 0.0.44.dev20260713+nightly
codegen_flags: <defaults>
</compile_context>

<pallas_src>
import functools

import jax
import jax.numpy as jnp
from jax import lax
from jax.experimental import pallas as pl
from jax.experimental.pallas import tpu as pltpu
from jax.experimental.pallas import tpu_sc as plsc



def _rank_body(seg_len, chunk, s_ref, bg_ref):
    seg = pl.program_id(0)
    offset = seg * seg_len
    nch = seg_len // chunk
    sB = s_ref[...]
    sT = jnp.transpose(sB, (1, 0))
    r_iota = lax.broadcasted_iota(jnp.int32, (chunk, chunk), 0)
    lane = lax.broadcasted_iota(jnp.int32, (chunk, chunk), 1)
    accs = [jnp.zeros((1, chunk), jnp.int32) for _ in range(nch)]
    for a in range(nch):
        s_i = sB[a:a + 1, :]
        s_j = sT[:, a:a + 1]
        before = (s_j > s_i) | ((s_j == s_i) & (r_iota < lane))
        accs[a] = accs[a] + jnp.sum(before.astype(jnp.int32), axis=0,
                                    keepdims=True)
    for a in range(nch):
        for b in range(a + 1, nch):
            hi_beats_lo = sT[:, b:b + 1] > sB[a:a + 1, :]
            lo_beats_hi = sT[:, a:a + 1] >= sB[b:b + 1, :]
            accs[a] = accs[a] + jnp.sum(hi_beats_lo.astype(jnp.int32),
                                        axis=0, keepdims=True)
            accs[b] = accs[b] + jnp.sum(lo_beats_hi.astype(jnp.int32),
                                        axis=0, keepdims=True)
    for a in range(nch):
        bg_ref[a:a + 1, :] = accs[a] + offset


def _tc_rank(s, num_seg, chunk):
    n = s.shape[0]
    seg_len = n // num_seg
    nch = seg_len // chunk
    body = functools.partial(_rank_body, seg_len, chunk)
    s28 = s[:, 0].reshape(num_seg * nch, chunk)
    return pl.pallas_call(
        body,
        grid=(num_seg,),
        in_specs=[pl.BlockSpec((nch, chunk), lambda k: (k, 0))],
        out_specs=pl.BlockSpec((nch, chunk), lambda k: (k, 0)),
        out_shape=jax.ShapeDtypeStruct((num_seg * nch, chunk), jnp.int32),
    )(s28)



def _make_sc_scatter(n, f, n_workers, chunk):
    rows_per_w = n // n_workers
    nch = rows_per_w // chunk
    mesh = plsc.VectorSubcoreMesh(core_axis_name="c", subcore_axis_name="s")
    nc = mesh.num_cores

    @functools.partial(
        pl.kernel,
        out_type=jax.ShapeDtypeStruct((n, 2 * f), jnp.float32),
        mesh=mesh,
        scratch_types=[
            pltpu.VMEM((nch, chunk), jnp.int32),
            pltpu.VMEM((nch, chunk), jnp.int32),
            pltpu.VMEM((3, chunk, f), jnp.float32),
        ] + [pltpu.SemaphoreType.DMA] * 8,
    )
    def sc_scatter(features_hbm, nbr_hbm, bgr_hbm, out_hbm,
                   bg_v, nbr_v, ring,
                   sem_ib, sem_in, g0, g1, g2, s0, s1, s2):
        wid = lax.axis_index("s") * nc + lax.axis_index("c")
        base = wid * rows_per_w
        gsem = (g0, g1, g2)
        ssem = (s0, s1, s2)

        cps_bg = [pltpu.async_copy(
            bgr_hbm.at[pl.ds((base + t * chunk) // 256, 1),
                       pl.ds((t * chunk) % 256, chunk)],
            bg_v.at[pl.ds(t, 1)], sem_ib) for t in range(nch)]
        cp_nb = pltpu.async_copy(
            nbr_hbm.at[pl.ds(wid * nch, nch)], nbr_v, sem_in)
        cp_nb.wait()

        ntr = 2 * nch
        g_d = [None] * ntr
        s_d = [None] * ntr

        def fire_gather(k):
            b = k % 3
            t = k >> 1
            if k & 1:
                src = features_hbm.at[nbr_v.at[t]]
            else:
                src = features_hbm.at[pl.ds(base + t * chunk, chunk)]
            g_d[k] = pltpu.async_copy(src, ring.at[b], gsem[b])

        def fire_scatter(k):
            b = k % 3
            t = k >> 1
            half = f if (k & 1) else 0
            s_d[k] = pltpu.async_copy(
                ring.at[b], out_hbm.at[bg_v.at[t], pl.ds(half, f)], ssem[b])

        fire_gather(0)
        fire_gather(1)
        fire_gather(2)
        for cp in cps_bg:
            cp.wait()
        for k in range(ntr):
            g_d[k].wait()
            fire_scatter(k)
            if k + 3 < ntr:
                s_d[k].wait()
                fire_gather(k + 3)
        for k in range(max(0, ntr - 3), ntr):
            s_d[k].wait()

    return sc_scatter



def kernel(features, score, distances, nidxs, row_splits, tidxs):
    n, f = features.shape
    num_seg = row_splits.shape[0] - 1

    s = jax.nn.sigmoid(score)
    bg64 = _tc_rank(s, num_seg, 256)
    backgather = bg64.reshape(n, 1)

    chunk = 128
    nbr_c = nidxs[:, 1].reshape(n // chunk, chunk)
    sc = _make_sc_scatter(n, f, n_workers=32, chunk=chunk)
    out_features = sc(features, nbr_c, bg64)

    return out_features, row_splits, backgather

# --- scband reference (transcript-rebuilt; emitter-appended) ---
"""Pipeline reference for scband-lnc-70781061038823 (READ-ONLY COPY).

The authoritative reference and input builder live on the scoring server;
editing this copy changes nothing except your own understanding.
"""

import jax, jax.numpy as jnp
import numpy as np

N = 16384
F = 256
K = 32
B = 8

def setup_inputs(seed: int = 0) -> dict:
    key = jax.random.key(seed)
    k1, k2, k3, k4, k5 = jax.random.split(key, 5)
    features = jax.random.normal(k1, (N, F), dtype=jnp.float32)
    score = jax.random.normal(k2, (N, 1), dtype=jnp.float32)
    distances = jax.random.uniform(k3, (N, K), dtype=jnp.float32)
    nidxs = jax.random.randint(k4, (N, K), 0, N).astype(jnp.int32)
    # neighbour indices must contain 'self' in column 0
    nidxs = nidxs.at[:, 0].set(jnp.arange(N, dtype=jnp.int32))
    row_splits = jnp.arange(0, N + 1, N // B, dtype=jnp.int32)
    tidxs = jax.random.randint(k5, (N, 1), -1, 1000).astype(jnp.int32)
    return {"features": features, "score": score, "distances": distances,
            "nidxs": nidxs, "row_splits": row_splits, "tidxs": tidxs}

def reference(features, score, distances, nidxs, row_splits, tidxs):
    # LNC forward, loss_enabled=False so loss branches are skipped.
    s = jax.nn.sigmoid(score)
    num_segments = row_splits.shape[0] - 1
    seg_len = s.shape[0] // num_segments
    segs = s[:, 0].reshape(num_segments, seg_len)
    # argsort descending within each row-split segment
    a = jnp.argsort(-segs, axis=1)
    offsets = row_splits[:-1][:, None]
    hierarchy_idxs = (a + offsets).astype(jnp.int32).reshape(-1)
    # select/reorder points by clustering hierarchy (SelectFromIndices-style gather)
    f_self = jnp.take(features, hierarchy_idxs, axis=0)
    nbr = jnp.take(nidxs, hierarchy_idxs, axis=0)
    # pair each point with its first non-self neighbour and concatenate features -> (N, 2F)
    f_nn = jnp.take(features, nbr[:, 1], axis=0)
    out_features = jnp.concatenate([f_self, f_nn], axis=-1)
    # backgather indices: inverse permutation mapping clustered order back to original
    backgather = jnp.argsort(hierarchy_idxs).astype(jnp.int32)[:, None]
    new_row_splits = row_splits
    return out_features, new_row_splits, backgather

if __name__ == "__main__":
    import jax
    _d = setup_inputs()
    print(jax.jit(kernel)(*tuple(_d.values())))

</pallas_src>

<mosaic_0001>
#map = affine_map<(d0, d1) -> (0, 0)>
module attributes {stable_mosaic.version = 14 : i64} {
  func.func @sc_scatter(%arg0: i32, %arg1: i32, %arg2: memref<16384x256xf32, #tpu.memory_space<hbm>>, %arg3: memref<128x128xi32, #tpu.memory_space<hbm>>, %arg4: memref<64x256xi32, #tpu.memory_space<hbm>>, %arg5: memref<16384x512xf32, #tpu.memory_space<hbm>>, %arg6: memref<4x128xi32, #tpu.memory_space<vmem>>, %arg7: memref<4x128xi32, #tpu.memory_space<vmem>>, %arg8: memref<3x128x256xf32, #tpu.memory_space<vmem>>, %arg9: memref<!tpu.dma_semaphore, #tpu.memory_space<semaphore_mem>>, %arg10: memref<!tpu.dma_semaphore, #tpu.memory_space<semaphore_mem>>, %arg11: memref<!tpu.dma_semaphore, #tpu.memory_space<semaphore_mem>>, %arg12: memref<!tpu.dma_semaphore, #tpu.memory_space<semaphore_mem>>, %arg13: memref<!tpu.dma_semaphore, #tpu.memory_space<semaphore_mem>>, %arg14: memref<!tpu.dma_semaphore, #tpu.memory_space<semaphore_mem>>, %arg15: memref<!tpu.dma_semaphore, #tpu.memory_space<semaphore_mem>>, %arg16: memref<!tpu.dma_semaphore, #tpu.memory_space<semaphore_mem>>) attributes {dimension_semantics = [#tpu.dimension_semantics<core_parallel>, #tpu.dimension_semantics<subcore_parallel>], iteration_bounds = array<i64: 2, 16>, scalar_prefetch = 0 : i64, scratch_operands = 11 : i64, tpu.core_type = #tpu.core_type<sc_vector_subcore>, window_params = [{transform_indices = #map}, {transform_indices = #map}, {transform_indices = #map}, {transform_indices = #map}]} {
    %mul3A = arith.constant 2 : i32
    %mul3A_0 = arith.muli %arg1, %mul3A : i32
    %add3A = arith.addi %mul3A_0, %arg0 : i32
    %mul3A_1 = arith.constant 512 : i32
    %mul3A_2 = arith.muli %add3A, %mul3A_1 : i32
    %add3A_3 = arith.constant 0 : i32
    %add3A_4 = arith.addi %mul3A_2, %add3A_3 : i32
    %jit3A = arith.constant 256 : i32
    %div3A = arith.divsi %add3A_4, %jit3A : i32
    %sign3A = arith.constant 0 : i32
    %sign3A_5 = arith.cmpi sgt, %add3A_4, %sign3A : i32
    %sign3A_6 = arith.extui %sign3A_5 : i1 to i32
    %sign3A_7 = arith.constant 0 : i32
    %sign3A_8 = arith.cmpi slt, %add3A_4, %sign3A_7 : i32
    %sign3A_9 = arith.extui %sign3A_8 : i1 to i32
    %sign3A_10 = arith.subi %sign3A_6, %sign3A_9 : i32
    %sign3A_11 = arith.constant 0 : i32
    %sign3A_12 = arith.cmpi sgt, %jit3A, %sign3A_11 : i32
    %sign3A_13 = arith.extui %sign3A_12 : i1 to i32
    %sign3A_14 = arith.constant 0 : i32
    %sign3A_15 = arith.cmpi slt, %jit3A, %sign3A_14 : i32
    %sign3A_16 = arith.extui %sign3A_15 : i1 to i32
    %sign3A_17 = arith.subi %sign3A_13, %sign3A_16 : i32
    %ne3A = arith.cmpi ne, %sign3A_10, %sign3A_17 : i32
    %rem3A = arith.remsi %add3A_4, %jit3A : i32
    %ne3A_18 = arith.constant 0 : i32
    %ne3A_19 = arith.cmpi ne, %rem3A, %ne3A_18 : i32
    %and3A = arith.andi %ne3A, %ne3A_19 : i1
    %sub3A = arith.constant 1 : i32
    %sub3A_20 = arith.subi %div3A, %sub3A : i32
    %select_n3A = arith.select %and3A, %sub3A_20, %div3A : i32
    %dma_start3A = arith.constant 0 : i32
    %dma_start3A_21 = arith.constant 0 : i32
    %dma_start3A_22 = tpu.memref_slice %arg6[%dma_start3A, %dma_start3A_21] : memref<4x128xi32, #tpu.memory_space<vmem>> -> memref<1x128xi32, #tpu.memory_space<vmem>>
    %dma_start3A_23 = arith.constant 0 : i32
    %dma_start3A_24 = tpu.memref_slice %arg4[%select_n3A, %dma_start3A_23] : memref<64x256xi32, #tpu.memory_space<hbm>> -> memref<1x128xi32, #tpu.memory_space<hbm>>
    %dma_start3A_25 = arith.constant 0 : i32
    %dma_start3A_26 = arith.constant 0 : i32
    %dma_start3A_27 = tpu.memref_slice %arg6[%dma_start3A_25, %dma_start3A_26] : memref<4x128xi32, #tpu.memory_space<vmem>> -> memref<1x128xi32, #tpu.memory_space<vmem>>
    %dma_start3A_28 = arith.constant 0 : i32
    %dma_start3A_29 = tpu.memref_slice %arg4[%select_n3A, %dma_start3A_28] : memref<64x256xi32, #tpu.memory_space<hbm>> -> memref<1x128xi32, #tpu.memory_space<hbm>>
    tpu.enqueue_dma source(%dma_start3A_29 : memref<1x128xi32, #tpu.memory_space<hbm>>) target(%dma_start3A_27 : memref<1x128xi32, #tpu.memory_space<vmem>>) target_semaphore(%arg9 : memref<!tpu.dma_semaphore, #tpu.memory_space<semaphore_mem>>)
    %add3A_30 = arith.constant 128 : i32
    %add3A_31 = arith.addi %mul3A_2, %add3A_30 : i32
    %jit3A_32 = arith.constant 256 : i32
    %div3A_33 = arith.divsi %add3A_31, %jit3A_32 : i32
    %sign3A_34 = arith.constant 0 : i32
    %sign3A_35 = arith.cmpi sgt, %add3A_31, %sign3A_34 : i32
    %sign3A_36 = arith.extui %sign3A_35 : i1 to i32
    %sign3A_37 = arith.constant 0 : i32
    %sign3A_38 = arith.cmpi slt, %add3A_31, %sign3A_37 : i32
    %sign3A_39 = arith.extui %sign3A_38 : i1 to i32
    %sign3A_40 = arith.subi %sign3A_36, %sign3A_39 : i32
    %sign3A_41 = arith.constant 0 : i32
    %sign3A_42 = arith.cmpi sgt, %jit3A_32, %sign3A_41 : i32
    %sign3A_43 = arith.extui %sign3A_42 : i1 to i32
    %sign3A_44 = arith.constant 0 : i32
    %sign3A_45 = arith.cmpi slt, %jit3A_32, %sign3A_44 : i32
    %sign3A_46 = arith.extui %sign3A_45 : i1 to i32
    %sign3A_47 = arith.subi %sign3A_43, %sign3A_46 : i32
    %ne3A_48 = arith.cmpi ne, %sign3A_40, %sign3A_47 : i32
    %rem3A_49 = arith.remsi %add3A_31, %jit3A_32 : i32
    %ne3A_50 = arith.constant 0 : i32
    %ne3A_51 = arith.cmpi ne, %rem3A_49, %ne3A_50 : i32
    %and3A_52 = arith.andi %ne3A_48, %ne3A_51 : i1
    %sub3A_53 = arith.constant 1 : i32
    %sub3A_54 = arith.subi %div3A_33, %sub3A_53 : i32
    %select_n3A_55 = arith.select %and3A_52, %sub3A_54, %div3A_33 : i32
    %dma_start3A_56 = arith.constant 1 : i32
    %dma_start3A_57 = arith.constant 0 : i32
    %dma_start3A_58 = tpu.memref_slice %arg6[%dma_start3A_56, %dma_start3A_57] : memref<4x128xi32, #tpu.memory_space<vmem>> -> memref<1x128xi32, #tpu.memory_space<vmem>>
    %dma_start3A_59 = arith.constant 128 : i32
    %dma_start3A_60 = tpu.memref_slice %arg4[%select_n3A_55, %dma_start3A_59] : memref<64x256xi32, #tpu.memory_space<hbm>> -> memref<1x128xi32, #tpu.memory_space<hbm>>
    %dma_start3A_61 = arith.constant 1 : i32
    %dma_start3A_62 = arith.constant 0 : i32
    %dma_start3A_63 = tpu.memref_slice %arg6[%dma_start3A_61, %dma_start3A_62] : memref<4x128xi32, #tpu.memory_space<vmem>> -> memref<1x128xi32, #tpu.memory_space<vmem>>
    %dma_start3A_64 = arith.constant 128 : i32
    %dma_start3A_65 = tpu.memref_slice %arg4[%select_n3A_55, %dma_start3A_64] : memref<64x256xi32, #tpu.memory_space<hbm>> -> memref<1x128xi32, #tpu.memory_space<hbm>>
    tpu.enqueue_dma source(%dma_start3A_65 : memref<1x128xi32, #tpu.memory_space<hbm>>) target(%dma_start3A_63 : memref<1x128xi32, #tpu.memory_space<vmem>>) target_semaphore(%arg9 : memref<!tpu.dma_semaphore, #tpu.memory_space<semaphore_mem>>)
    %add3A_66 = arith.constant 256 : i32
    %add3A_67 = arith.addi %mul3A_2, %add3A_66 : i32
    %jit3A_68 = arith.constant 256 : i32
    %div3A_69 = arith.divsi %add3A_67, %jit3A_68 : i32
    %sign3A_70 = arith.constant 0 : i32
    %sign3A_71 = arith.cmpi sgt, %add3A_67, %sign3A_70 : i32
    %sign3A_72 = arith.extui %sign3A_71 : i1 to i32
    %sign3A_73 = arith.constant 0 : i32
    %sign3A_74 = arith.cmpi slt, %add3A_67, %sign3A_73 : i32
    %sign3A_75 = arith.extui %sign3A_74 : i1 to i32
    %sign3A_76 = arith.subi %sign3A_72, %sign3A_75 : i32
    %sign3A_77 = arith.constant 0 : i32
    %sign3A_78 = arith.cmpi sgt, %jit3A_68, %sign3A_77 : i32
    %sign3A_79 = arith.extui %sign3A_78 : i1 to i32
    %sign3A_80 = arith.constant 0 : i32
    %sign3A_81 = arith.cmpi slt, %jit3A_68, %sign3A_80 : i32
    %sign3A_82 = arith.extui %sign3A_81 : i1 to i32
    %sign3A_83 = arith.subi %sign3A_79, %sign3A_82 : i32
    %ne3A_84 = arith.cmpi ne, %sign3A_76, %sign3A_83 : i32
    %rem3A_85 = arith.remsi %add3A_67, %jit3A_68 : i32
    %ne3A_86 = arith.constant 0 : i32
    %ne3A_87 = arith.cmpi ne, %rem3A_85, %ne3A_86 : i32
    %and3A_88 = arith.andi %ne3A_84, %ne3A_87 : i1
    %sub3A_89 = arith.constant 1 : i32
    %sub3A_90 = arith.subi %div3A_69, %sub3A_89 : i32
    %select_n3A_91 = arith.select %and3A_88, %sub3A_90, %div3A_69 : i32
    %dma_start3A_92 = arith.constant 2 : i32
    %dma_start3A_93 = arith.constant 0 : i32
    %dma_start3A_94 = tpu.memref_slice %arg6[%dma_start3A_92, %dma_start3A_93] : memref<4x128xi32, #tpu.memory_space<vmem>> -> memref<1x128xi32, #tpu.memory_space<vmem>>
    %dma_start3A_95 = arith.constant 0 : i32
    %dma_start3A_96 = tpu.memref_slice %arg4[%select_n3A_91, %dma_start3A_95] : memref<64x256xi32, #tpu.memory_space<hbm>> -> memref<1x128xi32, #tpu.memory_space<hbm>>
    %dma_start3A_97 = arith.constant 2 : i32
    %dma_start3A_98 = arith.constant 0 : i32
    %dma_start3A_99 = tpu.memref_slice %arg6[%dma_start3A_97, %dma_start3A_98] : memref<4x128xi32, #tpu.memory_space<vmem>> -> memref<1x128xi32, #tpu.memory_space<vmem>>
    %dma_start3A_100 = arith.constant 0 : i32
    %dma_start3A_101 = tpu.memref_slice %arg4[%select_n3A_91, %dma_start3A_100] : memref<64x256xi32, #tpu.memory_space<hbm>> -> memref<1x128xi32, #tpu.memory_space<hbm>>
    tpu.enqueue_dma source(%dma_start3A_101 : memref<1x128xi32, #tpu.memory_space<hbm>>) target(%dma_start3A_99 : memref<1x128xi32, #tpu.memory_space<vmem>>) target_semaphore(%arg9 : memref<!tpu.dma_semaphore, #tpu.memory_space<semaphore_mem>>)
    %add3A_102 = arith.constant 384 : i32
    %add3A_103 = arith.addi %mul3A_2, %add3A_102 : i32
    %jit3A_104 = arith.constant 256 : i32
    %div3A_105 = arith.divsi %add3A_103, %jit3A_104 : i32
    %sign3A_106 = arith.constant 0 : i32
    %sign3A_107 = arith.cmpi sgt, %add3A_103, %sign3A_106 : i32
    %sign3A_108 = arith.extui %sign3A_107 : i1 to i32
    %sign3A_109 = arith.constant 0 : i32
    %sign3A_110 = arith.cmpi slt, %add3A_103, %sign3A_109 : i32
    %sign3A_111 = arith.extui %sign3A_110 : i1 to i32
    %sign3A_112 = arith.subi %sign3A_108, %sign3A_111 : i32
    %sign3A_113 = arith.constant 0 : i32
    %sign3A_114 = arith.cmpi sgt, %jit3A_104, %sign3A_113 : i32
    %sign3A_115 = arith.extui %sign3A_114 : i1 to i32
    %sign3A_116 = arith.constant 0 : i32
    %sign3A_117 = arith.cmpi slt, %jit3A_104, %sign3A_116 : i32
    %sign3A_118 = arith.extui %sign3A_117 : i1 to i32
    %sign3A_119 = arith.subi %sign3A_115, %sign3A_118 : i32
    %ne3A_120 = arith.cmpi ne, %sign3A_112, %sign3A_119 : i32
    %rem3A_121 = arith.remsi %add3A_103, %jit3A_104 : i32
    %ne3A_122 = arith.constant 0 : i32
    %ne3A_123 = arith.cmpi ne, %rem3A_121, %ne3A_122 : i32
    %and3A_124 = arith.andi %ne3A_120, %ne3A_123 : i1
    %sub3A_125 = arith.constant 1 : i32
    %sub3A_126 = arith.subi %div3A_105, %sub3A_125 : i32
    %select_n3A_127 = arith.select %and3A_124, %sub3A_126, %div3A_105 : i32
    %dma_start3A_128 = arith.constant 3 : i32
    %dma_start3A_129 = arith.constant 0 : i32
    %dma_start3A_130 = tpu.memref_slice %arg6[%dma_start3A_128, %dma_start3A_129] : memref<4x128xi32, #tpu.memory_space<vmem>> -> memref<1x128xi32, #tpu.memory_space<vmem>>
    %dma_start3A_131 = arith.constant 128 : i32
    %dma_start3A_132 = tpu.memref_slice %arg4[%select_n3A_127, %dma_start3A_131] : memref<64x256xi32, #tpu.memory_space<hbm>> -> memref<1x128xi32, #tpu.memory_space<hbm>>
    %dma_start3A_133 = arith.constant 3 : i32
    %dma_start3A_134 = arith.constant 0 : i32
    %dma_start3A_135 = tpu.memref_slice %arg6[%dma_start3A_133, %dma_start3A_134] : memref<4x128xi32, #tpu.memory_space<vmem>> -> memref<1x128xi32, #tpu.memory_space<vmem>>
    %dma_start3A_136 = arith.constant 128 : i32
    %dma_start3A_137 = tpu.memref_slice %arg4[%select_n3A_127, %dma_start3A_136] : memref<64x256xi32, #tpu.memory_space<hbm>> -> memref<1x128xi32, #tpu.memory_space<hbm>>
    tpu.enqueue_dma source(%dma_start3A_137 : memref<1x128xi32, #tpu.memory_space<hbm>>) target(%dma_start3A_135 : memref<1x128xi32, #tpu.memory_space<vmem>>) target_semaphore(%arg9 : memref<!tpu.dma_semaphore, #tpu.memory_space<semaphore_mem>>)
    %mul3A_138 = arith.constant 4 : i32
    %mul3A_139 = arith.muli %add3A, %mul3A_138 : i32
    %dma_start3A_140 = arith.constant 0 : i32
    %dma_start3A_141 = tpu.memref_slice %arg3[%mul3A_139, %dma_start3A_140] : memref<128x128xi32, #tpu.memory_space<hbm>> -> memref<4x128xi32, #tpu.memory_space<hbm>>
    %dma_start3A_142 = arith.constant 0 : i32
    %dma_start3A_143 = tpu.memref_slice %arg3[%mul3A_139, %dma_start3A_142] : memref<128x128xi32, #tpu.memory_space<hbm>> -> memref<4x128xi32, #tpu.memory_space<hbm>>
    tpu.enqueue_dma source(%dma_start3A_143 : memref<4x128xi32, #tpu.memory_space<hbm>>) target(%arg7 : memref<4x128xi32, #tpu.memory_space<vmem>>) target_semaphore(%arg10 : memref<!tpu.dma_semaphore, #tpu.memory_space<semaphore_mem>>)
    %dma_wait3A = arith.constant 0 : i32
    %dma_wait3A_144 = tpu.memref_slice %arg3[%mul3A_139, %dma_wait3A] : memref<128x128xi32, #tpu.memory_space<hbm>> -> memref<4x128xi32, #tpu.memory_space<hbm>>
    %dma_wait3A_145 = arith.constant 0 : i32
    %dma_wait3A_146 = tpu.memref_slice %arg3[%mul3A_139, %dma_wait3A_145] : memref<128x128xi32, #tpu.memory_space<hbm>> -> memref<4x128xi32, #tpu.memory_space<hbm>>
    tpu.wait_dma2 semaphore(%arg10 : memref<!tpu.dma_semaphore, #tpu.memory_space<semaphore_mem>>) src(%dma_wait3A_146 : memref<4x128xi32, #tpu.memory_space<hbm>>) dst(%arg7 : memref<4x128xi32, #tpu.memory_space<vmem>>)
    %add3A_147 = arith.constant 0 : i32
    %add3A_148 = arith.addi %mul3A_2, %add3A_147 : i32
    %dma_start3A_149 = arith.constant 0 : i32
    %dma_start3A_150 = arith.constant 0 : i32
    %dma_start3A_151 = arith.constant 0 : i32
    %dma_start3A_152 = tpu.memref_slice %arg8[%dma_start3A_149, %dma_start3A_150, %dma_start3A_151] : memref<3x128x256xf32, #tpu.memory_space<vmem>> -> memref<1x128x256xf32, #tpu.memory_space<vmem>>
    %dma_start3A_153 = tpu.memref_squeeze %dma_start3A_152 : memref<1x128x256xf32, #tpu.memory_space<vmem>> -> memref<128x256xf32, #tpu.memory_space<vmem>>
    %dma_start3A_154 = arith.constant 0 : i32
    %dma_start3A_155 = tpu.memref_slice %arg2[%add3A_148, %dma_start3A_154] : memref<16384x256xf32, #tpu.memory_space<hbm>> -> memref<128x256xf32, #tpu.memory_space<hbm>>
    %dma_start3A_156 = arith.constant 0 : i32
    %dma_start3A_157 = arith.constant 0 : i32
    %dma_start3A_158 = tpu.memref_slice %arg8[%dma_start3A_149, %dma_start3A_156, %dma_start3A_157] : memref<3x128x256xf32, #tpu.memory_space<vmem>> -> memref<1x128x256xf32, #tpu.memory_space<vmem>>
    %dma_start3A_159 = tpu.memref_squeeze %dma_start3A_158 : memref<1x128x256xf32, #tpu.memory_space<vmem>> -> memref<128x256xf32, #tpu.memory_space<vmem>>
    %dma_start3A_160 = arith.constant 0 : i32
    %dma_start3A_161 = tpu.memref_slice %arg2[%add3A_148, %dma_start3A_160] : memref<16384x256xf32, #tpu.memory_space<hbm>> -> memref<128x256xf32, #tpu.memory_space<hbm>>
    tpu.enqueue_dma source(%dma_start3A_161 : memref<128x256xf32, #tpu.memory_space<hbm>>) target(%dma_start3A_159 : memref<128x256xf32, #tpu.memory_space<vmem>>) target_semaphore(%arg11 : memref<!tpu.dma_semaphore, #tpu.memory_space<semaphore_mem>>)
    %dma_start3A_162 = arith.constant 0 : i32
    %dma_start3A_163 = arith.constant 1 : i32
    %dma_start3A_164 = arith.constant 0 : i32
    %dma_start3A_165 = arith.constant 0 : i32
    %dma_start3A_166 = tpu.memref_slice %arg8[%dma_start3A_163, %dma_start3A_164, %dma_start3A_165] : memref<3x128x256xf32, #tpu.memory_space<vmem>> -> memref<1x128x256xf32, #tpu.memory_space<vmem>>
    %dma_start3A_167 = tpu.memref_squeeze %dma_start3A_166 : memref<1x128x256xf32, #tpu.memory_space<vmem>> -> memref<128x256xf32, #tpu.memory_space<vmem>>
    %dma_start3A_168 = arith.constant 0 : i32
    %dma_start3A_169 = tpu.memref_slice %arg7[%dma_start3A_162, %dma_start3A_168] : memref<4x128xi32, #tpu.memory_space<vmem>> -> memref<1x128xi32, #tpu.memory_space<vmem>>
    %dma_start3A_170 = tpu.memref_squeeze %dma_start3A_169 : memref<1x128xi32, #tpu.memory_space<vmem>> -> memref<128xi32, #tpu.memory_space<vmem>>
    %dma_start3A_171 = arith.constant 0 : i32
    %dma_start3A_172 = arith.constant 0 : i32
    %dma_start3A_173 = tpu.memref_slice %arg2[%dma_start3A_171, %dma_start3A_172] : memref<16384x256xf32, #tpu.memory_space<hbm>> -> memref<16384x256xf32, #tpu.memory_space<hbm>>
    tpu.enqueue_indirect_dma source(%dma_start3A_173 : memref<16384x256xf32, #tpu.memory_space<hbm>>) target(%dma_start3A_167 : memref<128x256xf32, #tpu.memory_space<vmem>>) offsets(%dma_start3A_170 : memref<128xi32, #tpu.memory_space<vmem>>) semaphore(%arg12 : memref<!tpu.dma_semaphore, #tpu.memory_space<semaphore_mem>>)
    %add3A_174 = arith.constant 128 : i32
    %add3A_175 = arith.addi %mul3A_2, %add3A_174 : i32
    %dma_start3A_176 = arith.constant 2 : i32
    %dma_start3A_177 = arith.constant 0 : i32
    %dma_start3A_178 = arith.constant 0 : i32
    %dma_start3A_179 = tpu.memref_slice %arg8[%dma_start3A_176, %dma_start3A_177, %dma_start3A_178] : memref<3x128x256xf32, #tpu.memory_space<vmem>> -> memref<1x128x256xf32, #tpu.memory_space<vmem>>
    %dma_start3A_180 = tpu.memref_squeeze %dma_start3A_179 : memref<1x128x256xf32, #tpu.memory_space<vmem>> -> memref<128x256xf32, #tpu.memory_space<vmem>>
    %dma_start3A_181 = arith.constant 0 : i32
    %dma_start3A_182 = tpu.memref_slice %arg2[%add3A_175, %dma_start3A_181] : memref<16384x256xf32, #tpu.memory_space<hbm>> -> memref<128x256xf32, #tpu.memory_space<hbm>>
    %dma_start3A_183 = arith.constant 0 : i32
    %dma_start3A_184 = arith.constant 0 : i32
    %dma_start3A_185 = tpu.memref_slice %arg8[%dma_start3A_176, %dma_start3A_183, %dma_start3A_184] : memref<3x128x256xf32, #tpu.memory_space<vmem>> -> memref<1x128x256xf32, #tpu.memory_space<vmem>>
    %dma_start3A_186 = tpu.memref_squeeze %dma_start3A_185 : memref<1x128x256xf32, #tpu.memory_space<vmem>> -> memref<128x256xf32, #tpu.memory_space<vmem>>
    %dma_start3A_187 = arith.constant 0 : i32
    %dma_start3A_188 = tpu.memref_slice %arg2[%add3A_175, %dma_start3A_187] : memref<16384x256xf32, #tpu.memory_space<hbm>> -> memref<128x256xf32, #tpu.memory_space<hbm>>
    tpu.enqueue_dma source(%dma_start3A_188 : memref<128x256xf32, #tpu.memory_space<hbm>>) target(%dma_start3A_186 : memref<128x256xf32, #tpu.memory_space<vmem>>) target_semaphore(%arg13 : memref<!tpu.dma_semaphore, #tpu.memory_space<semaphore_mem>>)
    %dma_wait3A_189 = arith.constant 0 : i32
    %dma_wait3A_190 = arith.constant 0 : i32
    %dma_wait3A_191 = tpu.memref_slice %arg6[%dma_wait3A_189, %dma_wait3A_190] : memref<4x128xi32, #tpu.memory_space<vmem>> -> memref<1x128xi32, #tpu.memory_space<vmem>>
    %dma_wait3A_192 = arith.constant 0 : i32
    %dma_wait3A_193 = tpu.memref_slice %arg4[%select_n3A, %dma_wait3A_192] : memref<64x256xi32, #tpu.memory_space<hbm>> -> memref<1x128xi32, #tpu.memory_space<hbm>>
    %dma_wait3A_194 = arith.constant 0 : i32
    %dma_wait3A_195 = arith.constant 0 : i32
    %dma_wait3A_196 = tpu.memref_slice %arg6[%dma_wait3A_194, %dma_wait3A_195] : memref<4x128xi32, #tpu.memory_space<vmem>> -> memref<1x128xi32, #tpu.memory_space<vmem>>
    %dma_wait3A_197 = arith.constant 0 : i32
    %dma_wait3A_198 = tpu.memref_slice %arg4[%select_n3A, %dma_wait3A_197] : memref<64x256xi32, #tpu.memory_space<hbm>> -> memref<1x128xi32, #tpu.memory_space<hbm>>
    tpu.wait_dma2 semaphore(%arg9 : memref<!tpu.dma_semaphore, #tpu.memory_space<semaphore_mem>>) src(%dma_wait3A_198 : memref<1x128xi32, #tpu.memory_space<hbm>>) dst(%dma_wait3A_196 : memref<1x128xi32, #tpu.memory_space<vmem>>)
    %dma_wait3A_199 = arith.constant 1 : i32
    %dma_wait3A_200 = arith.constant 0 : i32
    %dma_wait3A_201 = tpu.memref_slice %arg6[%dma_wait3A_199, %dma_wait3A_200] : memref<4x128xi32, #tpu.memory_space<vmem>> -> memref<1x128xi32, #tpu.memory_space<vmem>>
    %dma_wait3A_202 = arith.constant 128 : i32
    %dma_wait3A_203 = tpu.memref_slice %arg4[%select_n3A_55, %dma_wait3A_202] : memref<64x256xi32, #tpu.memory_space<hbm>> -> memref<1x128xi32, #tpu.memory_space<hbm>>
    %dma_wait3A_204 = arith.constant 1 : i32
    %dma_wait3A_205 = arith.constant 0 : i32
    %dma_wait3A_206 = tpu.memref_slice %arg6[%dma_wait3A_204, %dma_wait3A_205] : memref<4x128xi32, #tpu.memory_space<vmem>> -> memref<1x128xi32, #tpu.memory_space<vmem>>
    %dma_wait3A_207 = arith.constant 128 : i32
    %dma_wait3A_208 = tpu.memref_slice %arg4[%select_n3A_55, %dma_wait3A_207] : memref<64x256xi32, #tpu.memory_space<hbm>> -> memref<1x128xi32, #tpu.memory_space<hbm>>
    tpu.wait_dma2 semaphore(%arg9 : memref<!tpu.dma_semaphore, #tpu.memory_space<semaphore_mem>>) src(%dma_wait3A_208 : memref<1x128xi32, #tpu.memory_space<hbm>>) dst(%dma_wait3A_206 : memref<1x128xi32, #tpu.memory_space<vmem>>)
    %dma_wait3A_209 = arith.constant 2 : i32
    %dma_wait3A_210 = arith.constant 0 : i32
    %dma_wait3A_211 = tpu.memref_slice %arg6[%dma_wait3A_209, %dma_wait3A_210] : memref<4x128xi32, #tpu.memory_space<vmem>> -> memref<1x128xi32, #tpu.memory_space<vmem>>
    %dma_wait3A_212 = arith.constant 0 : i32
    %dma_wait3A_213 = tpu.memref_slice %arg4[%select_n3A_91, %dma_wait3A_212] : memref<64x256xi32, #tpu.memory_space<hbm>> -> memref<1x128xi32, #tpu.memory_space<hbm>>
    %dma_wait3A_214 = arith.constant 2 : i32
    %dma_wait3A_215 = arith.constant 0 : i32
    %dma_wait3A_216 = tpu.memref_slice %arg6[%dma_wait3A_214, %dma_wait3A_215] : memref<4x128xi32, #tpu.memory_space<vmem>> -> memref<1x128xi32, #tpu.memory_space<vmem>>
    %dma_wait3A_217 = arith.constant 0 : i32
    %dma_wait3A_218 = tpu.memref_slice %arg4[%select_n3A_91, %dma_wait3A_217] : memref<64x256xi32, #tpu.memory_space<hbm>> -> memref<1x128xi32, #tpu.memory_space<hbm>>
    tpu.wait_dma2 semaphore(%arg9 : memref<!tpu.dma_semaphore, #tpu.memory_space<semaphore_mem>>) src(%dma_wait3A_218 : memref<1x128xi32, #tpu.memory_space<hbm>>) dst(%dma_wait3A_216 : memref<1x128xi32, #tpu.memory_space<vmem>>)
    %dma_wait3A_219 = arith.constant 3 : i32
    %dma_wait3A_220 = arith.constant 0 : i32
    %dma_wait3A_221 = tpu.memref_slice %arg6[%dma_wait3A_219, %dma_wait3A_220] : memref<4x128xi32, #tpu.memory_space<vmem>> -> memref<1x128xi32, #tpu.memory_space<vmem>>
    %dma_wait3A_222 = arith.constant 128 : i32
    %dma_wait3A_223 = tpu.memref_slice %arg4[%select_n3A_127, %dma_wait3A_222] : memref<64x256xi32, #tpu.memory_space<hbm>> -> memref<1x128xi32, #tpu.memory_space<hbm>>
    %dma_wait3A_224 = arith.constant 3 : i32
    %dma_wait3A_225 = arith.constant 0 : i32
    %dma_wait3A_226 = tpu.memref_slice %arg6[%dma_wait3A_224, %dma_wait3A_225] : memref<4x128xi32, #tpu.memory_space<vmem>> -> memref<1x128xi32, #tpu.memory_space<vmem>>
    %dma_wait3A_227 = arith.constant 128 : i32
    %dma_wait3A_228 = tpu.memref_slice %arg4[%select_n3A_127, %dma_wait3A_227] : memref<64x256xi32, #tpu.memory_space<hbm>> -> memref<1x128xi32, #tpu.memory_space<hbm>>
    tpu.wait_dma2 semaphore(%arg9 : memref<!tpu.dma_semaphore, #tpu.memory_space<semaphore_mem>>) src(%dma_wait3A_228 : memref<1x128xi32, #tpu.memory_space<hbm>>) dst(%dma_wait3A_226 : memref<1x128xi32, #tpu.memory_space<vmem>>)
    %dma_wait3A_229 = arith.constant 0 : i32
    %dma_wait3A_230 = arith.constant 0 : i32
    %dma_wait3A_231 = arith.constant 0 : i32
    %dma_wait3A_232 = tpu.memref_slice %arg8[%dma_wait3A_229, %dma_wait3A_230, %dma_wait3A_231] : memref<3x128x256xf32, #tpu.memory_space<vmem>> -> memref<1x128x256xf32, #tpu.memory_space<vmem>>
    %dma_wait3A_233 = tpu.memref_squeeze %dma_wait3A_232 : memref<1x128x256xf32, #tpu.memory_space<vmem>> -> memref<128x256xf32, #tpu.memory_space<vmem>>
    %dma_wait3A_234 = arith.constant 0 : i32
    %dma_wait3A_235 = tpu.memref_slice %arg2[%add3A_148, %dma_wait3A_234] : memref<16384x256xf32, #tpu.memory_space<hbm>> -> memref<128x256xf32, #tpu.memory_space<hbm>>
    %dma_wait3A_236 = arith.constant 0 : i32
    %dma_wait3A_237 = arith.constant 0 : i32
    %dma_wait3A_238 = tpu.memref_slice %arg8[%dma_wait3A_229, %dma_wait3A_236, %dma_wait3A_237] : memref<3x128x256xf32, #tpu.memory_space<vmem>> -> memref<1x128x256xf32, #tpu.memory_space<vmem>>
    %dma_wait3A_239 = tpu.memref_squeeze %dma_wait3A_238 : memref<1x128x256xf32, #tpu.memory_space<vmem>> -> memref<128x256xf32, #tpu.memory_space<vmem>>
    %dma_wait3A_240 = arith.constant 0 : i32
    %dma_wait3A_241 = tpu.memref_slice %arg2[%add3A_148, %dma_wait3A_240] : memref<16384x256xf32, #tpu.memory_space<hbm>> -> memref<128x256xf32, #tpu.memory_space<hbm>>
    tpu.wait_dma2 semaphore(%arg11 : memref<!tpu.dma_semaphore, #tpu.memory_space<semaphore_mem>>) src(%dma_wait3A_241 : memref<128x256xf32, #tpu.memory_space<hbm>>) dst(%dma_wait3A_239 : memref<128x256xf32, #tpu.memory_space<vmem>>)
    %dma_start3A_242 = arith.constant 0 : i32
    %dma_start3A_243 = arith.constant 0 : i32
    %dma_start3A_244 = arith.constant 0 : i32
    %dma_start3A_245 = arith.constant 0 : i32
    %dma_start3A_246 = tpu.memref_slice %arg8[%dma_start3A_242, %dma_start3A_244, %dma_start3A_245] : memref<3x128x256xf32, #tpu.memory_space<vmem>> -> memref<1x128x256xf32, #tpu.memory_space<vmem>>
    %dma_start3A_247 = tpu.memref_squeeze %dma_start3A_246 : memref<1x128x256xf32, #tpu.memory_space<vmem>> -> memref<128x256xf32, #tpu.memory_space<vmem>>
    %dma_start3A_248 = arith.constant 0 : i32
    %dma_start3A_249 = tpu.memref_slice %arg6[%dma_start3A_243, %dma_start3A_248] : memref<4x128xi32, #tpu.memory_space<vmem>> -> memref<1x128xi32, #tpu.memory_space<vmem>>
    %dma_start3A_250 = tpu.memref_squeeze %dma_start3A_249 : memref<1x128xi32, #tpu.memory_space<vmem>> -> memref<128xi32, #tpu.memory_space<vmem>>
    %dma_start3A_251 = arith.constant 0 : i32
    %dma_start3A_252 = arith.constant 0 : i32
    %dma_start3A_253 = tpu.memref_slice %arg5[%dma_start3A_251, %dma_start3A_252] : memref<16384x512xf32, #tpu.memory_space<hbm>> -> memref<16384x256xf32, #tpu.memory_space<hbm>>
    tpu.enqueue_indirect_dma source(%dma_start3A_247 : memref<128x256xf32, #tpu.memory_space<vmem>>) target(%dma_start3A_253 : memref<16384x256xf32, #tpu.memory_space<hbm>>) offsets(%dma_start3A_250 : memref<128xi32, #tpu.memory_space<vmem>>) semaphore(%arg14 : memref<!tpu.dma_semaphore, #tpu.memory_space<semaphore_mem>>)
    %dma_wait3A_254 = arith.constant 0 : i32
    %dma_wait3A_255 = arith.constant 0 : i32
    %dma_wait3A_256 = arith.constant 0 : i32
    %dma_wait3A_257 = arith.constant 0 : i32
    %dma_wait3A_258 = tpu.memref_slice %arg8[%dma_wait3A_254, %dma_wait3A_256, %dma_wait3A_257] : memref<3x128x256xf32, #tpu.memory_space<vmem>> -> memref<1x128x256xf32, #tpu.memory_space<vmem>>
    %dma_wait3A_259 = tpu.memref_squeeze %dma_wait3A_258 : memref<1x128x256xf32, #tpu.memory_space<vmem>> -> memref<128x256xf32, #tpu.memory_space<vmem>>
    %dma_wait3A_260 = arith.constant 0 : i32
    %dma_wait3A_261 = tpu.memref_slice %arg6[%dma_wait3A_255, %dma_wait3A_260] : memref<4x128xi32, #tpu.memory_space<vmem>> -> memref<1x128xi32, #tpu.memory_space<vmem>>
    %dma_wait3A_262 = tpu.memref_squeeze %dma_wait3A_261 : memref<1x128xi32, #tpu.memory_space<vmem>> -> memref<128xi32, #tpu.memory_space<vmem>>
    %dma_wait3A_263 = arith.constant 0 : i32
    %dma_wait3A_264 = arith.constant 0 : i32
    %dma_wait3A_265 = tpu.memref_slice %arg5[%dma_wait3A_263, %dma_wait3A_264] : memref<16384x512xf32, #tpu.memory_space<hbm>> -> memref<16384x256xf32, #tpu.memory_space<hbm>>
    tpu.wait_indirect_dma semaphore(%arg14 : memref<!tpu.dma_semaphore, #tpu.memory_space<semaphore_mem>>) src(%dma_wait3A_259 : memref<128x256xf32, #tpu.memory_space<vmem>>) dst(%dma_wait3A_265 : memref<16384x256xf32, #tpu.memory_space<hbm>>)
    %dma_start3A_266 = arith.constant 1 : i32
    %dma_start3A_267 = arith.constant 0 : i32
    %dma_start3A_268 = arith.constant 0 : i32
    %dma_start3A_269 = arith.constant 0 : i32
    %dma_start3A_270 = tpu.memref_slice %arg8[%dma_start3A_267, %dma_start3A_268, %dma_start3A_269] : memref<3x128x256xf32, #tpu.memory_space<vmem>> -> memref<1x128x256xf32, #tpu.memory_space<vmem>>
    %dma_start3A_271 = tpu.memref_squeeze %dma_start3A_270 : memref<1x128x256xf32, #tpu.memory_space<vmem>> -> memref<128x256xf32, #tpu.memory_space<vmem>>
    %dma_start3A_272 = arith.constant 0 : i32
    %dma_start3A_273 = tpu.memref_slice %arg7[%dma_start3A_266, %dma_start3A_272] : memref<4x128xi32, #tpu.memory_space<vmem>> -> memref<1x128xi32, #tpu.memory_space<vmem>>
    %dma_start3A_274 = tpu.memref_squeeze %dma_start3A_273 : memref<1x128xi32, #tpu.memory_space<vmem>> -> memref<128xi32, #tpu.memory_space<vmem>>
    %dma_start3A_275 = arith.constant 0 : i32
    %dma_start3A_276 = arith.constant 0 : i32
    %dma_start3A_277 = tpu.memref_slice %arg2[%dma_start3A_275, %dma_start3A_276] : memref<16384x256xf32, #tpu.memory_space<hbm>> -> memref<16384x256xf32, #tpu.memory_space<hbm>>
    tpu.enqueue_indirect_dma source(%dma_start3A_277 : memref<16384x256xf32, #tpu.memory_space<hbm>>) target(%dma_start3A_271 : memref<128x256xf32, #tpu.memory_space<vmem>>) offsets(%dma_start3A_274 : memref<128xi32, #tpu.memory_space<vmem>>) semaphore(%arg11 : memref<!tpu.dma_semaphore, #tpu.memory_space<semaphore_mem>>)
    %dma_wait3A_278 = arith.constant 0 : i32
    %dma_wait3A_279 = arith.constant 1 : i32
    %dma_wait3A_280 = arith.constant 0 : i32
    %dma_wait3A_281 = arith.constant 0 : i32
    %dma_wait3A_282 = tpu.memref_slice %arg8[%dma_wait3A_279, %dma_wait3A_280, %dma_wait3A_281] : memref<3x128x256xf32, #tpu.memory_space<vmem>> -> memref<1x128x256xf32, #tpu.memory_space<vmem>>
    %dma_wait3A_283 = tpu.memref_squeeze %dma_wait3A_282 : memref<1x128x256xf32, #tpu.memory_space<vmem>> -> memref<128x256xf32, #tpu.memory_space<vmem>>
    %dma_wait3A_284 = arith.constant 0 : i32
    %dma_wait3A_285 = tpu.memref_slice %arg7[%dma_wait3A_278, %dma_wait3A_284] : memref<4x128xi32, #tpu.memory_space<vmem>> -> memref<1x128xi32, #tpu.memory_space<vmem>>
    %dma_wait3A_286 = tpu.memref_squeeze %dma_wait3A_285 : memref<1x128xi32, #tpu.memory_space<vmem>> -> memref<128xi32, #tpu.memory_space<vmem>>
    %dma_wait3A_287 = arith.constant 0 : i32
    %dma_wait3A_288 = arith.constant 0 : i32
    %dma_wait3A_289 = tpu.memref_slice %arg2[%dma_wait3A_287, %dma_wait3A_288] : memref<16384x256xf32, #tpu.memory_space<hbm>> -> memref<16384x256xf32, #tpu.memory_space<hbm>>
    tpu.wait_indirect_dma semaphore(%arg12 : memref<!tpu.dma_semaphore, #tpu.memory_space<semaphore_mem>>) src(%dma_wait3A_289 : memref<16384x256xf32, #tpu.memory_space<hbm>>) dst(%dma_wait3A_283 : memref<128x256xf32, #tpu.memory_space<vmem>>)
    %dma_start3A_290 = arith.constant 1 : i32
    %dma_start3A_291 = arith.constant 0 : i32
    %dma_start3A_292 = arith.constant 0 : i32
    %dma_start3A_293 = arith.constant 0 : i32
    %dma_start3A_294 = tpu.memref_slice %arg8[%dma_start3A_290, %dma_start3A_292, %dma_start3A_293] : memref<3x128x256xf32, #tpu.memory_space<vmem>> -> memref<1x128x256xf32, #tpu.memory_space<vmem>>
    %dma_start3A_295 = tpu.memref_squeeze %dma_start3A_294 : memref<1x128x256xf32, #tpu.memory_space<vmem>> -> memref<128x256xf32, #tpu.memory_space<vmem>>
    %dma_start3A_296 = arith.constant 0 : i32
    %dma_start3A_297 = tpu.memref_slice %arg6[%dma_start3A_291, %dma_start3A_296] : memref<4x128xi32, #tpu.memory_space<vmem>> -> memref<1x128xi32, #tpu.memory_space<vmem>>
    %dma_start3A_298 = tpu.memref_squeeze %dma_start3A_297 : memref<1x128xi32, #tpu.memory_space<vmem>> -> memref<128xi32, #tpu.memory_space<vmem>>
    %dma_start3A_299 = arith.constant 0 : i32
    %dma_start3A_300 = arith.constant 256 : i32
    %dma_start3A_301 = tpu.memref_slice %arg5[%dma_start3A_299, %dma_start3A_300] : memref<16384x512xf32, #tpu.memory_space<hbm>> -> memref<16384x256xf32, #tpu.memory_space<hbm>>
    tpu.enqueue_indirect_dma source(%dma_start3A_295 : memref<128x256xf32, #tpu.memory_space<vmem>>) target(%dma_start3A_301 : memref<16384x256xf32, #tpu.memory_space<hbm>>) offsets(%dma_start3A_298 : memref<128xi32, #tpu.memory_space<vmem>>) semaphore(%arg15 : memref<!tpu.dma_semaphore, #tpu.memory_space<semaphore_mem>>)
    %dma_wait3A_302 = arith.constant 1 : i32
    %dma_wait3A_303 = arith.constant 0 : i32
    %dma_wait3A_304 = arith.constant 0 : i32
    %dma_wait3A_305 = arith.constant 0 : i32
    %dma_wait3A_306 = tpu.memref_slice %arg8[%dma_wait3A_302, %dma_wait3A_304, %dma_wait3A_305] : memref<3x128x256xf32, #tpu.memory_space<vmem>> -> memref<1x128x256xf32, #tpu.memory_space<vmem>>
    %dma_wait3A_307 = tpu.memref_squeeze %dma_wait3A_306 : memref<1x128x256xf32, #tpu.memory_space<vmem>> -> memref<128x256xf32, #tpu.memory_space<vmem>>
    %dma_wait3A_308 = arith.constant 0 : i32
    %dma_wait3A_309 = tpu.memref_slice %arg6[%dma_wait3A_303, %dma_wait3A_308] : memref<4x128xi32, #tpu.memory_space<vmem>> -> memref<1x128xi32, #tpu.memory_space<vmem>>
    %dma_wait3A_310 = tpu.memref_squeeze %dma_wait3A_309 : memref<1x128xi32, #tpu.memory_space<vmem>> -> memref<128xi32, #tpu.memory_space<vmem>>
    %dma_wait3A_311 = arith.constant 0 : i32
    %dma_wait3A_312 = arith.constant 256 : i32
    %dma_wait3A_313 = tpu.memref_slice %arg5[%dma_wait3A_311, %dma_wait3A_312] : memref<16384x512xf32, #tpu.memory_space<hbm>> -> memref<16384x256xf32, #tpu.memory_space<hbm>>
    tpu.wait_indirect_dma semaphore(%arg15 : memref<!tpu.dma_semaphore, #tpu.memory_space<semaphore_mem>>) src(%dma_wait3A_307 : memref<128x256xf32, #tpu.memory_space<vmem>>) dst(%dma_wait3A_313 : memref<16384x256xf32, #tpu.memory_space<hbm>>)
    %add3A_314 = arith.constant 256 : i32
    %add3A_315 = arith.addi %mul3A_2, %add3A_314 : i32
    %dma_start3A_316 = arith.constant 1 : i32
    %dma_start3A_317 = arith.constant 0 : i32
    %dma_start3A_318 = arith.constant 0 : i32
    %dma_start3A_319 = tpu.memref_slice %arg8[%dma_start3A_316, %dma_start3A_317, %dma_start3A_318] : memref<3x128x256xf32, #tpu.memory_space<vmem>> -> memref<1x128x256xf32, #tpu.memory_space<vmem>>
    %dma_start3A_320 = tpu.memref_squeeze %dma_start3A_319 : memref<1x128x256xf32, #tpu.memory_space<vmem>> -> memref<128x256xf32, #tpu.memory_space<vmem>>
    %dma_start3A_321 = arith.constant 0 : i32
    %dma_start3A_322 = tpu.memref_slice %arg2[%add3A_315, %dma_start3A_321] : memref<16384x256xf32, #tpu.memory_space<hbm>> -> memref<128x256xf32, #tpu.memory_space<hbm>>
    %dma_start3A_323 = arith.constant 0 : i32
    %dma_start3A_324 = arith.constant 0 : i32
    %dma_start3A_325 = tpu.memref_slice %arg8[%dma_start3A_316, %dma_start3A_323, %dma_start3A_324] : memref<3x128x256xf32, #tpu.memory_space<vmem>> -> memref<1x128x256xf32, #tpu.memory_space<vmem>>
    %dma_start3A_326 = tpu.memref_squeeze %dma_start3A_325 : memref<1x128x256xf32, #tpu.memory_space<vmem>> -> memref<128x256xf32, #tpu.memory_space<vmem>>
    %dma_start3A_327 = arith.constant 0 : i32
    %dma_start3A_328 = tpu.memref_slice %arg2[%add3A_315, %dma_start3A_327] : memref<16384x256xf32, #tpu.memory_space<hbm>> -> memref<128x256xf32, #tpu.memory_space<hbm>>
    tpu.enqueue_dma source(%dma_start3A_328 : memref<128x256xf32, #tpu.memory_space<hbm>>) target(%dma_start3A_326 : memref<128x256xf32, #tpu.memory_space<vmem>>) target_semaphore(%arg12 : memref<!tpu.dma_semaphore, #tpu.memory_space<semaphore_mem>>)
    %dma_wait3A_329 = arith.constant 2 : i32
    %dma_wait3A_330 = arith.constant 0 : i32
    %dma_wait3A_331 = arith.constant 0 : i32
    %dma_wait3A_332 = tpu.memref_slice %arg8[%dma_wait3A_329, %dma_wait3A_330, %dma_wait3A_331] : memref<3x128x256xf32, #tpu.memory_space<vmem>> -> memref<1x128x256xf32, #tpu.memory_space<vmem>>
    %dma_wait3A_333 = tpu.memref_squeeze %dma_wait3A_332 : memref<1x128x256xf32, #tpu.memory_space<vmem>> -> memref<128x256xf32, #tpu.memory_space<vmem>>
    %dma_wait3A_334 = arith.constant 0 : i32
    %dma_wait3A_335 = tpu.memref_slice %arg2[%add3A_175, %dma_wait3A_334] : memref<16384x256xf32, #tpu.memory_space<hbm>> -> memref<128x256xf32, #tpu.memory_space<hbm>>
    %dma_wait3A_336 = arith.constant 0 : i32
    %dma_wait3A_337 = arith.constant 0 : i32
    %dma_wait3A_338 = tpu.memref_slice %arg8[%dma_wait3A_329, %dma_wait3A_336, %dma_wait3A_337] : memref<3x128x256xf32, #tpu.memory_space<vmem>> -> memref<1x128x256xf32, #tpu.memory_space<vmem>>
    %dma_wait3A_339 = tpu.memref_squeeze %dma_wait3A_338 : memref<1x128x256xf32, #tpu.memory_space<vmem>> -> memref<128x256xf32, #tpu.memory_space<vmem>>
    %dma_wait3A_340 = arith.constant 0 : i32
    %dma_wait3A_341 = tpu.memref_slice %arg2[%add3A_175, %dma_wait3A_340] : memref<16384x256xf32, #tpu.memory_space<hbm>> -> memref<128x256xf32, #tpu.memory_space<hbm>>
    tpu.wait_dma2 semaphore(%arg13 : memref<!tpu.dma_semaphore, #tpu.memory_space<semaphore_mem>>) src(%dma_wait3A_341 : memref<128x256xf32, #tpu.memory_space<hbm>>) dst(%dma_wait3A_339 : memref<128x256xf32, #tpu.memory_space<vmem>>)
    %dma_start3A_342 = arith.constant 2 : i32
    %dma_start3A_343 = arith.constant 1 : i32
    %dma_start3A_344 = arith.constant 0 : i32
    %dma_start3A_345 = arith.constant 0 : i32
    %dma_start3A_346 = tpu.memref_slice %arg8[%dma_start3A_342, %dma_start3A_344, %dma_start3A_345] : memref<3x128x256xf32, #tpu.memory_space<vmem>> -> memref<1x128x256xf32, #tpu.memory_space<vmem>>
    %dma_start3A_347 = tpu.memref_squeeze %dma_start3A_346 : memref<1x128x256xf32, #tpu.memory_space<vmem>> -> memref<128x256xf32, #tpu.memory_space<vmem>>
    %dma_start3A_348 = arith.constant 0 : i32
    %dma_start3A_349 = tpu.memref_slice %arg6[%dma_start3A_343, %dma_start3A_348] : memref<4x128xi32, #tpu.memory_space<vmem>> -> memref<1x128xi32, #tpu.memory_space<vmem>>
    %dma_start3A_350 = tpu.memref_squeeze %dma_start3A_349 : memref<1x128xi32, #tpu.memory_space<vmem>> -> memref<128xi32, #tpu.memory_space<vmem>>
    %dma_start3A_351 = arith.constant 0 : i32
    %dma_start3A_352 = arith.constant 0 : i32
    %dma_start3A_353 = tpu.memref_slice %arg5[%dma_start3A_351, %dma_start3A_352] : memref<16384x512xf32, #tpu.memory_space<hbm>> -> memref<16384x256xf32, #tpu.memory_space<hbm>>
    tpu.enqueue_indirect_dma source(%dma_start3A_347 : memref<128x256xf32, #tpu.memory_space<vmem>>) target(%dma_start3A_353 : memref<16384x256xf32, #tpu.memory_space<hbm>>) offsets(%dma_start3A_350 : memref<128xi32, #tpu.memory_space<vmem>>) semaphore(%arg16 : memref<!tpu.dma_semaphore, #tpu.memory_space<semaphore_mem>>)
    %dma_wait3A_354 = arith.constant 2 : i32
    %dma_wait3A_355 = arith.constant 1 : i32
    %dma_wait3A_356 = arith.constant 0 : i32
    %dma_wait3A_357 = arith.constant 0 : i32
    %dma_wait3A_358 = tpu.memref_slice %arg8[%dma_wait3A_354, %dma_wait3A_356, %dma_wait3A_357] : memref<3x128x256xf32, #tpu.memory_space<vmem>> -> memref<1x128x256xf32, #tpu.memory_space<vmem>>
    %dma_wait3A_359 = tpu.memref_squeeze %dma_wait3A_358 : memref<1x128x256xf32, #tpu.memory_space<vmem>> -> memref<128x256xf32, #tpu.memory_space<vmem>>
    %dma_wait3A_360 = arith.constant 0 : i32
    %dma_wait3A_361 = tpu.memref_slice %arg6[%dma_wait3A_355, %dma_wait3A_360] : memref<4x128xi32, #tpu.memory_space<vmem>> -> memref<1x128xi32, #tpu.memory_space<vmem>>
    %dma_wait3A_362 = tpu.memref_squeeze %dma_wait3A_361 : memref<1x128xi32, #tpu.memory_space<vmem>> -> memref<128xi32, #tpu.memory_space<vmem>>
    %dma_wait3A_363 = arith.constant 0 : i32
    %dma_wait3A_364 = arith.constant 0 : i32
    %dma_wait3A_365 = tpu.memref_slice %arg5[%dma_wait3A_363, %dma_wait3A_364] : memref<16384x512xf32, #tpu.memory_space<hbm>> -> memref<16384x256xf32, #tpu.memory_space<hbm>>
    tpu.wait_indirect_dma semaphore(%arg16 : memref<!tpu.dma_semaphore, #tpu.memory_space<semaphore_mem>>) src(%dma_wait3A_359 : memref<128x256xf32, #tpu.memory_space<vmem>>) dst(%dma_wait3A_365 : memref<16384x256xf32, #tpu.memory_space<hbm>>)
    %dma_start3A_366 = arith.constant 2 : i32
    %dma_start3A_367 = arith.constant 2 : i32
    %dma_start3A_368 = arith.constant 0 : i32
    %dma_start3A_369 = arith.constant 0 : i32
    %dma_start3A_370 = tpu.memref_slice %arg8[%dma_start3A_367, %dma_start3A_368, %dma_start3A_369] : memref<3x128x256xf32, #tpu.memory_space<vmem>> -> memref<1x128x256xf32, #tpu.memory_space<vmem>>
    %dma_start3A_371 = tpu.memref_squeeze %dma_start3A_370 : memref<1x128x256xf32, #tpu.memory_space<vmem>> -> memref<128x256xf32, #tpu.memory_space<vmem>>
    %dma_start3A_372 = arith.constant 0 : i32
    %dma_start3A_373 = tpu.memref_slice %arg7[%dma_start3A_366, %dma_start3A_372] : memref<4x128xi32, #tpu.memory_space<vmem>> -> memref<1x128xi32, #tpu.memory_space<vmem>>
    %dma_start3A_374 = tpu.memref_squeeze %dma_start3A_373 : memref<1x128xi32, #tpu.memory_space<vmem>> -> memref<128xi32, #tpu.memory_space<vmem>>
    %dma_start3A_375 = arith.constant 0 : i32
    %dma_start3A_376 = arith.constant 0 : i32
    %dma_start3A_377 = tpu.memref_slice %arg2[%dma_start3A_375, %dma_start3A_376] : memref<16384x256xf32, #tpu.memory_space<hbm>> -> memref<16384x256xf32, #tpu.memory_space<hbm>>
    tpu.enqueue_indirect_dma source(%dma_start3A_377 : memref<16384x256xf32, #tpu.memory_space<hbm>>) target(%dma_start3A_371 : memref<128x256xf32, #tpu.memory_space<vmem>>) offsets(%dma_start3A_374 : memref<128xi32, #tpu.memory_space<vmem>>) semaphore(%arg13 : memref<!tpu.dma_semaphore, #tpu.memory_space<semaphore_mem>>)
    %dma_wait3A_378 = arith.constant 1 : i32
    %dma_wait3A_379 = arith.constant 0 : i32
    %dma_wait3A_380 = arith.constant 0 : i32
    %dma_wait3A_381 = arith.constant 0 : i32
    %dma_wait3A_382 = tpu.memref_slice %arg8[%dma_wait3A_379, %dma_wait3A_380, %dma_wait3A_381] : memref<3x128x256xf32, #tpu.memory_space<vmem>> -> memref<1x128x256xf32, #tpu.memory_space<vmem>>
    %dma_wait3A_383 = tpu.memref_squeeze %dma_wait3A_382 : memref<1x128x256xf32, #tpu.memory_space<vmem>> -> memref<128x256xf32, #tpu.memory_space<vmem>>
    %dma_wait3A_384 = arith.constant 0 : i32
    %dma_wait3A_385 = tpu.memref_slice %arg7[%dma_wait3A_378, %dma_wait3A_384] : memref<4x128xi32, #tpu.memory_space<vmem>> -> memref<1x128xi32, #tpu.memory_space<vmem>>
    %dma_wait3A_386 = tpu.memref_squeeze %dma_wait3A_385 : memref<1x128xi32, #tpu.memory_space<vmem>> -> memref<128xi32, #tpu.memory_space<vmem>>
    %dma_wait3A_387 = arith.constant 0 : i32
    %dma_wait3A_388 = arith.constant 0 : i32
    %dma_wait3A_389 = tpu.memref_slice %arg2[%dma_wait3A_387, %dma_wait3A_388] : memref<16384x256xf32, #tpu.memory_space<hbm>> -> memref<16384x256xf32, #tpu.memory_space<hbm>>
    tpu.wait_indirect_dma semaphore(%arg11 : memref<!tpu.dma_semaphore, #tpu.memory_space<semaphore_mem>>) src(%dma_wait3A_389 : memref<16384x256xf32, #tpu.memory_space<hbm>>) dst(%dma_wait3A_383 : memref<128x256xf32, #tpu.memory_space<vmem>>)
    %dma_start3A_390 = arith.constant 0 : i32
    %dma_start3A_391 = arith.constant 1 : i32
    %dma_start3A_392 = arith.constant 0 : i32
    %dma_start3A_393 = arith.constant 0 : i32
    %dma_start3A_394 = tpu.memref_slice %arg8[%dma_start3A_390, %dma_start3A_392, %dma_start3A_393] : memref<3x128x256xf32, #tpu.memory_space<vmem>> -> memref<1x128x256xf32, #tpu.memory_space<vmem>>
    %dma_start3A_395 = tpu.memref_squeeze %dma_start3A_394 : memref<1x128x256xf32, #tpu.memory_space<vmem>> -> memref<128x256xf32, #tpu.memory_space<vmem>>
    %dma_start3A_396 = arith.constant 0 : i32
    %dma_start3A_397 = tpu.memref_slice %arg6[%dma_start3A_391, %dma_start3A_396] : memref<4x128xi32, #tpu.memory_space<vmem>> -> memref<1x128xi32, #tpu.memory_space<vmem>>
    %dma_start3A_398 = tpu.memref_squeeze %dma_start3A_397 : memref<1x128xi32, #tpu.memory_space<vmem>> -> memref<128xi32, #tpu.memory_space<vmem>>
    %dma_start3A_399 = arith.constant 0 : i32
    %dma_start3A_400 = arith.constant 256 : i32
    %dma_start3A_401 = tpu.memref_slice %arg5[%dma_start3A_399, %dma_start3A_400] : memref<16384x512xf32, #tpu.memory_space<hbm>> -> memref<16384x256xf32, #tpu.memory_space<hbm>>
    tpu.enqueue_indirect_dma source(%dma_start3A_395 : memref<128x256xf32, #tpu.memory_space<vmem>>) target(%dma_start3A_401 : memref<16384x256xf32, #tpu.memory_space<hbm>>) offsets(%dma_start3A_398 : memref<128xi32, #tpu.memory_space<vmem>>) semaphore(%arg14 : memref<!tpu.dma_semaphore, #tpu.memory_space<semaphore_mem>>)
    %dma_wait3A_402 = arith.constant 0 : i32
    %dma_wait3A_403 = arith.constant 1 : i32
    %dma_wait3A_404 = arith.constant 0 : i32
    %dma_wait3A_405 = arith.constant 0 : i32
    %dma_wait3A_406 = tpu.memref_slice %arg8[%dma_wait3A_402, %dma_wait3A_404, %dma_wait3A_405] : memref<3x128x256xf32, #tpu.memory_space<vmem>> -> memref<1x128x256xf32, #tpu.memory_space<vmem>>
    %dma_wait3A_407 = tpu.memref_squeeze %dma_wait3A_406 : memref<1x128x256xf32, #tpu.memory_space<vmem>> -> memref<128x256xf32, #tpu.memory_space<vmem>>
    %dma_wait3A_408 = arith.constant 0 : i32
    %dma_wait3A_409 = tpu.memref_slice %arg6[%dma_wait3A_403, %dma_wait3A_408] : memref<4x128xi32, #tpu.memory_space<vmem>> -> memref<1x128xi32, #tpu.memory_space<vmem>>
    %dma_wait3A_410 = tpu.memref_squeeze %dma_wait3A_409 : memref<1x128xi32, #tpu.memory_space<vmem>> -> memref<128xi32, #tpu.memory_space<vmem>>
    %dma_wait3A_411 = arith.constant 0 : i32
    %dma_wait3A_412 = arith.constant 256 : i32
    %dma_wait3A_413 = tpu.memref_slice %arg5[%dma_wait3A_411, %dma_wait3A_412] : memref<16384x512xf32, #tpu.memory_space<hbm>> -> memref<16384x256xf32, #tpu.memory_space<hbm>>
    tpu.wait_indirect_dma semaphore(%arg14 : memref<!tpu.dma_semaphore, #tpu.memory_space<semaphore_mem>>) src(%dma_wait3A_407 : memref<128x256xf32, #tpu.memory_space<vmem>>) dst(%dma_wait3A_413 : memref<16384x256xf32, #tpu.memory_space<hbm>>)
    %add3A_414 = arith.constant 384 : i32
    %add3A_415 = arith.addi %mul3A_2, %add3A_414 : i32
    %dma_start3A_416 = arith.constant 0 : i32
    %dma_start3A_417 = arith.constant 0 : i32
    %dma_start3A_418 = arith.constant 0 : i32
    %dma_start3A_419 = tpu.memref_slice %arg8[%dma_start3A_416, %dma_start3A_417, %dma_start3A_418] : memref<3x128x256xf32, #tpu.memory_space<vmem>> -> memref<1x128x256xf32, #tpu.memory_space<vmem>>
    %dma_start3A_420 = tpu.memref_squeeze %dma_start3A_419 : memref<1x128x256xf32, #tpu.memory_space<vmem>> -> memref<128x256xf32, #tpu.memory_space<vmem>>
    %dma_start3A_421 = arith.constant 0 : i32
    %dma_start3A_422 = tpu.memref_slice %arg2[%add3A_415, %dma_start3A_421] : memref<16384x256xf32, #tpu.memory_space<hbm>> -> memref<128x256xf32, #tpu.memory_space<hbm>>
    %dma_start3A_423 = arith.constant 0 : i32
    %dma_start3A_424 = arith.constant 0 : i32
    %dma_start3A_425 = tpu.memref_slice %arg8[%dma_start3A_416, %dma_start3A_423, %dma_start3A_424] : memref<3x128x256xf32, #tpu.memory_space<vmem>> -> memref<1x128x256xf32, #tpu.memory_space<vmem>>
    %dma_start3A_426 = tpu.memref_squeeze %dma_start3A_425 : memref<1x128x256xf32, #tpu.memory_space<vmem>> -> memref<128x256xf32, #tpu.memory_space<vmem>>
    %dma_start3A_427 = arith.constant 0 : i32
    %dma_start3A_428 = tpu.memref_slice %arg2[%add3A_415, %dma_start3A_427] : memref<16384x256xf32, #tpu.memory_space<hbm>> -> memref<128x256xf32, #tpu.memory_space<hbm>>
    tpu.enqueue_dma source(%dma_start3A_428 : memref<128x256xf32, #tpu.memory_space<hbm>>) target(%dma_start3A_426 : memref<128x256xf32, #tpu.memory_space<vmem>>) target_semaphore(%arg11 : memref<!tpu.dma_semaphore, #tpu.memory_space<semaphore_mem>>)
    %dma_wait3A_429 = arith.constant 1 : i32
    %dma_wait3A_430 = arith.constant 0 : i32
    %dma_wait3A_431 = arith.constant 0 : i32
    %dma_wait3A_432 = tpu.memref_slice %arg8[%dma_wait3A_429, %dma_wait3A_430, %dma_wait3A_431] : memref<3x128x256xf32, #tpu.memory_space<vmem>> -> memref<1x128x256xf32, #tpu.memory_space<vmem>>
    %dma_wait3A_433 = tpu.memref_squeeze %dma_wait3A_432 : memref<1x128x256xf32, #tpu.memory_space<vmem>> -> memref<128x256xf32, #tpu.memory_space<vmem>>
    %dma_wait3A_434 = arith.constant 0 : i32
    %dma_wait3A_435 = tpu.memref_slice %arg2[%add3A_315, %dma_wait3A_434] : memref<16384x256xf32, #tpu.memory_space<hbm>> -> memref<128x256xf32, #tpu.memory_space<hbm>>
    %dma_wait3A_436 = arith.constant 0 : i32
    %dma_wait3A_437 = arith.constant 0 : i32
    %dma_wait3A_438 = tpu.memref_slice %arg8[%dma_wait3A_429, %dma_wait3A_436, %dma_wait3A_437] : memref<3x128x256xf32, #tpu.memory_space<vmem>> -> memref<1x128x256xf32, #tpu.memory_space<vmem>>
    %dma_wait3A_439 = tpu.memref_squeeze %dma_wait3A_438 : memref<1x128x256xf32, #tpu.memory_space<vmem>> -> memref<128x256xf32, #tpu.memory_space<vmem>>
    %dma_wait3A_440 = arith.constant 0 : i32
    %dma_wait3A_441 = tpu.memref_slice %arg2[%add3A_315, %dma_wait3A_440] : memref<16384x256xf32, #tpu.memory_space<hbm>> -> memref<128x256xf32, #tpu.memory_space<hbm>>
    tpu.wait_dma2 semaphore(%arg12 : memref<!tpu.dma_semaphore, #tpu.memory_space<semaphore_mem>>) src(%dma_wait3A_441 : memref<128x256xf32, #tpu.memory_space<hbm>>) dst(%dma_wait3A_439 : memref<128x256xf32, #tpu.memory_space<vmem>>)
    %dma_start3A_442 = arith.constant 1 : i32
    %dma_start3A_443 = arith.constant 2 : i32
    %dma_start3A_444 = arith.constant 0 : i32
    %dma_start3A_445 = arith.constant 0 : i32
    %dma_start3A_446 = tpu.memref_slice %arg8[%dma_start3A_442, %dma_start3A_444, %dma_start3A_445] : memref<3x128x256xf32, #tpu.memory_space<vmem>> -> memref<1x128x256xf32, #tpu.memory_space<vmem>>
    %dma_start3A_447 = tpu.memref_squeeze %dma_start3A_446 : memref<1x128x256xf32, #tpu.memory_space<vmem>> -> memref<128x256xf32, #tpu.memory_space<vmem>>
    %dma_start3A_448 = arith.constant 0 : i32
    %dma_start3A_449 = tpu.memref_slice %arg6[%dma_start3A_443, %dma_start3A_448] : memref<4x128xi32, #tpu.memory_space<vmem>> -> memref<1x128xi32, #tpu.memory_space<vmem>>
    %dma_start3A_450 = tpu.memref_squeeze %dma_start3A_449 : memref<1x128xi32, #tpu.memory_space<vmem>> -> memref<128xi32, #tpu.memory_space<vmem>>
    %dma_start3A_451 = arith.constant 0 : i32
    %dma_start3A_452 = arith.constant 0 : i32
    %dma_start3A_453 = tpu.memref_slice %arg5[%dma_start3A_451, %dma_start3A_452] : memref<16384x512xf32, #tpu.memory_space<hbm>> -> memref<16384x256xf32, #tpu.memory_space<hbm>>
    tpu.enqueue_indirect_dma source(%dma_start3A_447 : memref<128x256xf32, #tpu.memory_space<vmem>>) target(%dma_start3A_453 : memref<16384x256xf32, #tpu.memory_space<hbm>>) offsets(%dma_start3A_450 : memref<128xi32, #tpu.memory_space<vmem>>) semaphore(%arg15 : memref<!tpu.dma_semaphore, #tpu.memory_space<semaphore_mem>>)
    %dma_wait3A_454 = arith.constant 1 : i32
    %dma_wait3A_455 = arith.constant 2 : i32
    %dma_wait3A_456 = arith.constant 0 : i32
    %dma_wait3A_457 = arith.constant 0 : i32
    %dma_wait3A_458 = tpu.memref_slice %arg8[%dma_wait3A_454, %dma_wait3A_456, %dma_wait3A_457] : memref<3x128x256xf32, #tpu.memory_space<vmem>> -> memref<1x128x256xf32, #tpu.memory_space<vmem>>
    %dma_wait3A_459 = tpu.memref_squeeze %dma_wait3A_458 : memref<1x128x256xf32, #tpu.memory_space<vmem>> -> memref<128x256xf32, #tpu.memory_space<vmem>>
    %dma_wait3A_460 = arith.constant 0 : i32
    %dma_wait3A_461 = tpu.memref_slice %arg6[%dma_wait3A_455, %dma_wait3A_460] : memref<4x128xi32, #tpu.memory_space<vmem>> -> memref<1x128xi32, #tpu.memory_space<vmem>>
    %dma_wait3A_462 = tpu.memref_squeeze %dma_wait3A_461 : memref<1x128xi32, #tpu.memory_space<vmem>> -> memref<128xi32, #tpu.memory_space<vmem>>
    %dma_wait3A_463 = arith.constant 0 : i32
    %dma_wait3A_464 = arith.constant 0 : i32
    %dma_wait3A_465 = tpu.memref_slice %arg5[%dma_wait3A_463, %dma_wait3A_464] : memref<16384x512xf32, #tpu.memory_space<hbm>> -> memref<16384x256xf32, #tpu.memory_space<hbm>>
    tpu.wait_indirect_dma semaphore(%arg15 : memref<!tpu.dma_semaphore, #tpu.memory_space<semaphore_mem>>) src(%dma_wait3A_459 : memref<128x256xf32, #tpu.memory_space<vmem>>) dst(%dma_wait3A_465 : memref<16384x256xf32, #tpu.memory_space<hbm>>)
    %dma_start3A_466 = arith.constant 3 : i32
    %dma_start3A_467 = arith.constant 1 : i32
    %dma_start3A_468 = arith.constant 0 : i32
    %dma_start3A_469 = arith.constant 0 : i32
    %dma_start3A_470 = tpu.memref_slice %arg8[%dma_start3A_467, %dma_start3A_468, %dma_start3A_469] : memref<3x128x256xf32, #tpu.memory_space<vmem>> -> memref<1x128x256xf32, #tpu.memory_space<vmem>>
    %dma_start3A_471 = tpu.memref_squeeze %dma_start3A_470 : memref<1x128x256xf32, #tpu.memory_space<vmem>> -> memref<128x256xf32, #tpu.memory_space<vmem>>
    %dma_start3A_472 = arith.constant 0 : i32
    %dma_start3A_473 = tpu.memref_slice %arg7[%dma_start3A_466, %dma_start3A_472] : memref<4x128xi32, #tpu.memory_space<vmem>> -> memref<1x128xi32, #tpu.memory_space<vmem>>
    %dma_start3A_474 = tpu.memref_squeeze %dma_start3A_473 : memref<1x128xi32, #tpu.memory_space<vmem>> -> memref<128xi32, #tpu.memory_space<vmem>>
    %dma_start3A_475 = arith.constant 0 : i32
    %dma_start3A_476 = arith.constant 0 : i32
    %dma_start3A_477 = tpu.memref_slice %arg2[%dma_start3A_475, %dma_start3A_476] : memref<16384x256xf32, #tpu.memory_space<hbm>> -> memref<16384x256xf32, #tpu.memory_space<hbm>>
    tpu.enqueue_indirect_dma source(%dma_start3A_477 : memref<16384x256xf32, #tpu.memory_space<hbm>>) target(%dma_start3A_471 : memref<128x256xf32, #tpu.memory_space<vmem>>) offsets(%dma_start3A_474 : memref<128xi32, #tpu.memory_space<vmem>>) semaphore(%arg12 : memref<!tpu.dma_semaphore, #tpu.memory_space<semaphore_mem>>)
    %dma_wait3A_478 = arith.constant 2 : i32
    %dma_wait3A_479 = arith.constant 2 : i32
    %dma_wait3A_480 = arith.constant 0 : i32
    %dma_wait3A_481 = arith.constant 0 : i32
    %dma_wait3A_482 = tpu.memref_slice %arg8[%dma_wait3A_479, %dma_wait3A_480, %dma_wait3A_481] : memref<3x128x256xf32, #tpu.memory_space<vmem>> -> memref<1x128x256xf32, #tpu.memory_space<vmem>>
    %dma_wait3A_483 = tpu.memref_squeeze %dma_wait3A_482 : memref<1x128x256xf32, #tpu.memory_space<vmem>> -> memref<128x256xf32, #tpu.memory_space<vmem>>
    %dma_wait3A_484 = arith.constant 0 : i32
    %dma_wait3A_485 = tpu.memref_slice %arg7[%dma_wait3A_478, %dma_wait3A_484] : memref<4x128xi32, #tpu.memory_space<vmem>> -> memref<1x128xi32, #tpu.memory_space<vmem>>
    %dma_wait3A_486 = tpu.memref_squeeze %dma_wait3A_485 : memref<1x128xi32, #tpu.memory_space<vmem>> -> memref<128xi32, #tpu.memory_space<vmem>>
    %dma_wait3A_487 = arith.constant 0 : i32
    %dma_wait3A_488 = arith.constant 0 : i32
    %dma_wait3A_489 = tpu.memref_slice %arg2[%dma_wait3A_487, %dma_wait3A_488] : memref<16384x256xf32, #tpu.memory_space<hbm>> -> memref<16384x256xf32, #tpu.memory_space<hbm>>
    tpu.wait_indirect_dma semaphore(%arg13 : memref<!tpu.dma_semaphore, #tpu.memory_space<semaphore_mem>>) src(%dma_wait3A_489 : memref<16384x256xf32, #tpu.memory_space<hbm>>) dst(%dma_wait3A_483 : memref<128x256xf32, #tpu.memory_space<vmem>>)
    %dma_start3A_490 = arith.constant 2 : i32
    %dma_start3A_491 = arith.constant 2 : i32
    %dma_start3A_492 = arith.constant 0 : i32
    %dma_start3A_493 = arith.constant 0 : i32
    %dma_start3A_494 = tpu.memref_slice %arg8[%dma_start3A_490, %dma_start3A_492, %dma_start3A_493] : memref<3x128x256xf32, #tpu.memory_space<vmem>> -> memref<1x128x256xf32, #tpu.memory_space<vmem>>
    %dma_start3A_495 = tpu.memref_squeeze %dma_start3A_494 : memref<1x128x256xf32, #tpu.memory_space<vmem>> -> memref<128x256xf32, #tpu.memory_space<vmem>>
    %dma_start3A_496 = arith.constant 0 : i32
    %dma_start3A_497 = tpu.memref_slice %arg6[%dma_start3A_491, %dma_start3A_496] : memref<4x128xi32, #tpu.memory_space<vmem>> -> memref<1x128xi32, #tpu.memory_space<vmem>>
    %dma_start3A_498 = tpu.memref_squeeze %dma_start3A_497 : memref<1x128xi32, #tpu.memory_space<vmem>> -> memref<128xi32, #tpu.memory_space<vmem>>
    %dma_start3A_499 = arith.constant 0 : i32
    %dma_start3A_500 = arith.constant 256 : i32
    %dma_start3A_501 = tpu.memref_slice %arg5[%dma_start3A_499, %dma_start3A_500] : memref<16384x512xf32, #tpu.memory_space<hbm>> -> memref<16384x256xf32, #tpu.memory_space<hbm>>
    tpu.enqueue_indirect_dma source(%dma_start3A_495 : memref<128x256xf32, #tpu.memory_space<vmem>>) target(%dma_start3A_501 : memref<16384x256xf32, #tpu.memory_space<hbm>>) offsets(%dma_start3A_498 : memref<128xi32, #tpu.memory_space<vmem>>) semaphore(%arg16 : memref<!tpu.dma_semaphore, #tpu.memory_space<semaphore_mem>>)
    %dma_wait3A_502 = arith.constant 0 : i32
    %dma_wait3A_503 = arith.constant 0 : i32
    %dma_wait3A_504 = arith.constant 0 : i32
    %dma_wait3A_505 = tpu.memref_slice %arg8[%dma_wait3A_502, %dma_wait3A_503, %dma_wait3A_504] : memref<3x128x256xf32, #tpu.memory_space<vmem>> -> memref<1x128x256xf32, #tpu.memory_space<vmem>>
    %dma_wait3A_506 = tpu.memref_squeeze %dma_wait3A_505 : memref<1x128x256xf32, #tpu.memory_space<vmem>> -> memref<128x256xf32, #tpu.memory_space<vmem>>
    %dma_wait3A_507 = arith.constant 0 : i32
    %dma_wait3A_508 = tpu.memref_slice %arg2[%add3A_415, %dma_wait3A_507] : memref<16384x256xf32, #tpu.memory_space<hbm>> -> memref<128x256xf32, #tpu.memory_space<hbm>>
    %dma_wait3A_509 = arith.constant 0 : i32
    %dma_wait3A_510 = arith.constant 0 : i32
    %dma_wait3A_511 = tpu.memref_slice %arg8[%dma_wait3A_502, %dma_wait3A_509, %dma_wait3A_510] : memref<3x128x256xf32, #tpu.memory_space<vmem>> -> memref<1x128x256xf32, #tpu.memory_space<vmem>>
    %dma_wait3A_512 = tpu.memref_squeeze %dma_wait3A_511 : memref<1x128x256xf32, #tpu.memory_space<vmem>> -> memref<128x256xf32, #tpu.memory_space<vmem>>
    %dma_wait3A_513 = arith.constant 0 : i32
    %dma_wait3A_514 = tpu.memref_slice %arg2[%add3A_415, %dma_wait3A_513] : memref<16384x256xf32, #tpu.memory_space<hbm>> -> memref<128x256xf32, #tpu.memory_space<hbm>>
    tpu.wait_dma2 semaphore(%arg11 : memref<!tpu.dma_semaphore, #tpu.memory_space<semaphore_mem>>) src(%dma_wait3A_514 : memref<128x256xf32, #tpu.memory_space<hbm>>) dst(%dma_wait3A_512 : memref<128x256xf32, #tpu.memory_space<vmem>>)
    %dma_start3A_515 = arith.constant 0 : i32
    %dma_start3A_516 = arith.constant 3 : i32
    %dma_start3A_517 = arith.constant 0 : i32
    %dma_start3A_518 = arith.constant 0 : i32
    %dma_start3A_519 = tpu.memref_slice %arg8[%dma_start3A_515, %dma_start3A_517, %dma_start3A_518] : memref<3x128x256xf32, #tpu.memory_space<vmem>> -> memref<1x128x256xf32, #tpu.memory_space<vmem>>
    %dma_start3A_520 = tpu.memref_squeeze %dma_start3A_519 : memref<1x128x256xf32, #tpu.memory_space<vmem>> -> memref<128x256xf32, #tpu.memory_space<vmem>>
    %dma_start3A_521 = arith.constant 0 : i32
    %dma_start3A_522 = tpu.memref_slice %arg6[%dma_start3A_516, %dma_start3A_521] : memref<4x128xi32, #tpu.memory_space<vmem>> -> memref<1x128xi32, #tpu.memory_space<vmem>>
    %dma_start3A_523 = tpu.memref_squeeze %dma_start3A_522 : memref<1x128xi32, #tpu.memory_space<vmem>> -> memref<128xi32, #tpu.memory_space<vmem>>
    %dma_start3A_524 = arith.constant 0 : i32
    %dma_start3A_525 = arith.constant 0 : i32
    %dma_start3A_526 = tpu.memref_slice %arg5[%dma_start3A_524, %dma_start3A_525] : memref<16384x512xf32, #tpu.memory_space<hbm>> -> memref<16384x256xf32, #tpu.memory_space<hbm>>
    tpu.enqueue_indirect_dma source(%dma_start3A_520 : memref<128x256xf32, #tpu.memory_space<vmem>>) target(%dma_start3A_526 : memref<16384x256xf32, #tpu.memory_space<hbm>>) offsets(%dma_start3A_523 : memref<128xi32, #tpu.memory_space<vmem>>) semaphore(%arg14 : memref<!tpu.dma_semaphore, #tpu.memory_space<semaphore_mem>>)
    %dma_wait3A_527 = arith.constant 3 : i32
    %dma_wait3A_528 = arith.constant 1 : i32
    %dma_wait3A_529 = arith.constant 0 : i32
    %dma_wait3A_530 = arith.constant 0 : i32
    %dma_wait3A_531 = tpu.memref_slice %arg8[%dma_wait3A_528, %dma_wait3A_529, %dma_wait3A_530] : memref<3x128x256xf32, #tpu.memory_space<vmem>> -> memref<1x128x256xf32, #tpu.memory_space<vmem>>
    %dma_wait3A_532 = tpu.memref_squeeze %dma_wait3A_531 : memref<1x128x256xf32, #tpu.memory_space<vmem>> -> memref<128x256xf32, #tpu.memory_space<vmem>>
    %dma_wait3A_533 = arith.constant 0 : i32
    %dma_wait3A_534 = tpu.memref_slice %arg7[%dma_wait3A_527, %dma_wait3A_533] : memref<4x128xi32, #tpu.memory_space<vmem>> -> memref<1x128xi32, #tpu.memory_space<vmem>>
    %dma_wait3A_535 = tpu.memref_squeeze %dma_wait3A_534 : memref<1x128xi32, #tpu.memory_space<vmem>> -> memref<128xi32, #tpu.memory_space<vmem>>
    %dma_wait3A_536 = arith.constant 0 : i32
    %dma_wait3A_537 = arith.constant 0 : i32
    %dma_wait3A_538 = tpu.memref_slice %arg2[%dma_wait3A_536, %dma_wait3A_537] : memref<16384x256xf32, #tpu.memory_space<hbm>> -> memref<16384x256xf32, #tpu.memory_space<hbm>>
    tpu.wait_indirect_dma semaphore(%arg12 : memref<!tpu.dma_semaphore, #tpu.memory_space<semaphore_mem>>) src(%dma_wait3A_538 : memref<16384x256xf32, #tpu.memory_space<hbm>>) dst(%dma_wait3A_532 : memref<128x256xf32, #tpu.memory_space<vmem>>)
    %dma_start3A_539 = arith.constant 1 : i32
    %dma_start3A_540 = arith.constant 3 : i32
    %dma_start3A_541 = arith.constant 0 : i32
    %dma_start3A_542 = arith.constant 0 : i32
    %dma_start3A_543 = tpu.memref_slice %arg8[%dma_start3A_539, %dma_start3A_541, %dma_start3A_542] : memref<3x128x256xf32, #tpu.memory_space<vmem>> -> memref<1x128x256xf32, #tpu.memory_space<vmem>>
    %dma_start3A_544 = tpu.memref_squeeze %dma_start3A_543 : memref<1x128x256xf32, #tpu.memory_space<vmem>> -> memref<128x256xf32, #tpu.memory_space<vmem>>
    %dma_start3A_545 = arith.constant 0 : i32
    %dma_start3A_546 = tpu.memref_slice %arg6[%dma_start3A_540, %dma_start3A_545] : memref<4x128xi32, #tpu.memory_space<vmem>> -> memref<1x128xi32, #tpu.memory_space<vmem>>
    %dma_start3A_547 = tpu.memref_squeeze %dma_start3A_546 : memref<1x128xi32, #tpu.memory_space<vmem>> -> memref<128xi32, #tpu.memory_space<vmem>>
    %dma_start3A_548 = arith.constant 0 : i32
    %dma_start3A_549 = arith.constant 256 : i32
    %dma_start3A_550 = tpu.memref_slice %arg5[%dma_start3A_548, %dma_start3A_549] : memref<16384x512xf32, #tpu.memory_space<hbm>> -> memref<16384x256xf32, #tpu.memory_space<hbm>>
    tpu.enqueue_indirect_dma source(%dma_start3A_544 : memref<128x256xf32, #tpu.memory_space<vmem>>) target(%dma_start3A_550 : memref<16384x256xf32, #tpu.memory_space<hbm>>) offsets(%dma_start3A_547 : memref<128xi32, #tpu.memory_space<vmem>>) semaphore(%arg15 : memref<!tpu.dma_semaphore, #tpu.memory_space<semaphore_mem>>)
    %dma_wait3A_551 = arith.constant 2 : i32
    %dma_wait3A_552 = arith.constant 2 : i32
    %dma_wait3A_553 = arith.constant 0 : i32
    %dma_wait3A_554 = arith.constant 0 : i32
    %dma_wait3A_555 = tpu.memref_slice %arg8[%dma_wait3A_551, %dma_wait3A_553, %dma_wait3A_554] : memref<3x128x256xf32, #tpu.memory_space<vmem>> -> memref<1x128x256xf32, #tpu.memory_space<vmem>>
    %dma_wait3A_556 = tpu.memref_squeeze %dma_wait3A_555 : memref<1x128x256xf32, #tpu.memory_space<vmem>> -> memref<128x256xf32, #tpu.memory_space<vmem>>
    %dma_wait3A_557 = arith.constant 0 : i32
    %dma_wait3A_558 = tpu.memref_slice %arg6[%dma_wait3A_552, %dma_wait3A_557] : memref<4x128xi32, #tpu.memory_space<vmem>> -> memref<1x128xi32, #tpu.memory_space<vmem>>
    %dma_wait3A_559 = tpu.memref_squeeze %dma_wait3A_558 : memref<1x128xi32, #tpu.memory_space<vmem>> -> memref<128xi32, #tpu.memory_space<vmem>>
    %dma_wait3A_560 = arith.constant 0 : i32
    %dma_wait3A_561 = arith.constant 256 : i32
    %dma_wait3A_562 = tpu.memref_slice %arg5[%dma_wait3A_560, %dma_wait3A_561] : memref<16384x512xf32, #tpu.memory_space<hbm>> -> memref<16384x256xf32, #tpu.memory_space<hbm>>
    tpu.wait_indirect_dma semaphore(%arg16 : memref<!tpu.dma_semaphore, #tpu.memory_space<semaphore_mem>>) src(%dma_wait3A_556 : memref<128x256xf32, #tpu.memory_space<vmem>>) dst(%dma_wait3A_562 : memref<16384x256xf32, #tpu.memory_space<hbm>>)
    %dma_wait3A_563 = arith.constant 0 : i32
    %dma_wait3A_564 = arith.constant 3 : i32
    %dma_wait3A_565 = arith.constant 0 : i32
    %dma_wait3A_566 = arith.constant 0 : i32
    %dma_wait3A_567 = tpu.memref_slice %arg8[%dma_wait3A_563, %dma_wait3A_565, %dma_wait3A_566] : memref<3x128x256xf32, #tpu.memory_space<vmem>> -> memref<1x128x256xf32, #tpu.memory_space<vmem>>
    %dma_wait3A_568 = tpu.memref_squeeze %dma_wait3A_567 : memref<1x128x256xf32, #tpu.memory_space<vmem>> -> memref<128x256xf32, #tpu.memory_space<vmem>>
    %dma_wait3A_569 = arith.constant 0 : i32
    %dma_wait3A_570 = tpu.memref_slice %arg6[%dma_wait3A_564, %dma_wait3A_569] : memref<4x128xi32, #tpu.memory_space<vmem>> -> memref<1x128xi32, #tpu.memory_space<vmem>>
    %dma_wait3A_571 = tpu.memref_squeeze %dma_wait3A_570 : memref<1x128xi32, #tpu.memory_space<vmem>> -> memref<128xi32, #tpu.memory_space<vmem>>
    %dma_wait3A_572 = arith.constant 0 : i32
    %dma_wait3A_573 = arith.constant 0 : i32
    %dma_wait3A_574 = tpu.memref_slice %arg5[%dma_wait3A_572, %dma_wait3A_573] : memref<16384x512xf32, #tpu.memory_space<hbm>> -> memref<16384x256xf32, #tpu.memory_space<hbm>>
    tpu.wait_indirect_dma semaphore(%arg14 : memref<!tpu.dma_semaphore, #tpu.memory_space<semaphore_mem>>) src(%dma_wait3A_568 : memref<128x256xf32, #tpu.memory_space<vmem>>) dst(%dma_wait3A_574 : memref<16384x256xf32, #tpu.memory_space<hbm>>)
    %dma_wait3A_575 = arith.constant 1 : i32
    %dma_wait3A_576 = arith.constant 3 : i32
    %dma_wait3A_577 = arith.constant 0 : i32
    %dma_wait3A_578 = arith.constant 0 : i32
    %dma_wait3A_579 = tpu.memref_slice %arg8[%dma_wait3A_575, %dma_wait3A_577, %dma_wait3A_578] : memref<3x128x256xf32, #tpu.memory_space<vmem>> -> memref<1x128x256xf32, #tpu.memory_space<vmem>>
    %dma_wait3A_580 = tpu.memref_squeeze %dma_wait3A_579 : memref<1x128x256xf32, #tpu.memory_space<vmem>> -> memref<128x256xf32, #tpu.memory_space<vmem>>
    %dma_wait3A_581 = arith.constant 0 : i32
    %dma_wait3A_582 = tpu.memref_slice %arg6[%dma_wait3A_576, %dma_wait3A_581] : memref<4x128xi32, #tpu.memory_space<vmem>> -> memref<1x128xi32, #tpu.memory_space<vmem>>
    %dma_wait3A_583 = tpu.memref_squeeze %dma_wait3A_582 : memref<1x128xi32, #tpu.memory_space<vmem>> -> memref<128xi32, #tpu.memory_space<vmem>>
    %dma_wait3A_584 = arith.constant 0 : i32
    %dma_wait3A_585 = arith.constant 256 : i32
    %dma_wait3A_586 = tpu.memref_slice %arg5[%dma_wait3A_584, %dma_wait3A_585] : memref<16384x512xf32, #tpu.memory_space<hbm>> -> memref<16384x256xf32, #tpu.memory_space<hbm>>
    tpu.wait_indirect_dma semaphore(%arg15 : memref<!tpu.dma_semaphore, #tpu.memory_space<semaphore_mem>>) src(%dma_wait3A_580 : memref<128x256xf32, #tpu.memory_space<vmem>>) dst(%dma_wait3A_586 : memref<16384x256xf32, #tpu.memory_space<hbm>>)
    return
  }
}

module attributes {stable_mosaic.version = 14 : i64} {
  func.func @_rank_body(%arg0: i32, %arg1: memref<8x256xf32, #tpu.memory_space<vmem>>, %arg2: memref<8x256xi32, #tpu.memory_space<vmem>>) attributes {dimension_semantics = [#tpu.dimension_semantics<arbitrary>], iteration_bounds = array<i64: 8>, scalar_prefetch = 0 : i64, scratch_operands = 0 : i64, tpu.core_type = #tpu.core_type<tc>, window_params = [{transform_indices = @transform_0, window_bounds = array<i64: 8, 256>}, {transform_indices = @transform_1, window_bounds = array<i64: 8, 256>}]} {
    %mul3A = arith.constant 2048 : i32
    %mul3A_0 = arith.muli %arg0, %mul3A : i32
    %get3A = arith.constant 0 : index
    %get3A_1 = arith.constant 0 : index
    %get3A_2 = vector.load %arg1[%get3A, %get3A_1] : memref<8x256xf32, #tpu.memory_space<vmem>>, vector<8x256xf32>
    %transpose3A = tpu.transpose %get3A_2, [1, 0] : vector<8x256xf32> -> vector<256x8xf32>
    %iota3A = tpu.iota {dimensions = array<i32: 0>} : vector<256x256xi32>
    %iota3A_3 = tpu.iota {dimensions = array<i32: 1>} : vector<256x256xi32>
    %broadcast_in_dim3A = arith.constant 0 : i32
    %broadcast_in_dim3A_4 = vector.broadcast %broadcast_in_dim3A : i32 to vector<1x256xi32>
    %broadcast_in_dim3A_5 = arith.constant 0 : i32
    %broadcast_in_dim3A_6 = vector.broadcast %broadcast_in_dim3A_5 : i32 to vector<1x256xi32>
    %broadcast_in_dim3A_7 = arith.constant 0 : i32
    %broadcast_in_dim3A_8 = vector.broadcast %broadcast_in_dim3A_7 : i32 to vector<1x256xi32>
    %broadcast_in_dim3A_9 = arith.constant 0 : i32
    %broadcast_in_dim3A_10 = vector.broadcast %broadcast_in_dim3A_9 : i32 to vector<1x256xi32>
    %broadcast_in_dim3A_11 = arith.constant 0 : i32
    %broadcast_in_dim3A_12 = vector.broadcast %broadcast_in_dim3A_11 : i32 to vector<1x256xi32>
    %broadcast_in_dim3A_13 = arith.constant 0 : i32
    %broadcast_in_dim3A_14 = vector.broadcast %broadcast_in_dim3A_13 : i32 to vector<1x256xi32>
    %broadcast_in_dim3A_15 = arith.constant 0 : i32
    %broadcast_in_dim3A_16 = vector.broadcast %broadcast_in_dim3A_15 : i32 to vector<1x256xi32>
    %broadcast_in_dim3A_17 = arith.constant 0 : i32
    %broadcast_in_dim3A_18 = vector.broadcast %broadcast_in_dim3A_17 : i32 to vector<1x256xi32>
    %slice3A = vector.extract_strided_slice %get3A_2 {offsets = [0, 0], sizes = [1, 256], strides = [1, 1]} : vector<8x256xf32> to vector<1x256xf32>
    %slice3A_19 = vector.extract_strided_slice %transpose3A {offsets = [0, 0], sizes = [256, 1], strides = [1, 1]} : vector<256x8xf32> to vector<256x1xf32>
    %gt3A = vector.broadcast %slice3A_19 : vector<256x1xf32> to vector<256x256xf32>
    %gt3A_20 = vector.broadcast %slice3A : vector<1x256xf32> to vector<256x256xf32>
    %gt3A_21 = arith.cmpf ogt, %gt3A, %gt3A_20 : vector<256x256xf32>
    %eq3A = vector.broadcast %slice3A_19 : vector<256x1xf32> to vector<256x256xf32>
    %eq3A_22 = vector.broadcast %slice3A : vector<1x256xf32> to vector<256x256xf32>
    %eq3A_23 = arith.cmpf oeq, %eq3A, %eq3A_22 : vector<256x256xf32>
    %lt3A = arith.cmpi slt, %iota3A, %iota3A_3 : vector<256x256xi32>
    %and3A = arith.andi %eq3A_23, %lt3A : vector<256x256xi1>
    %or3A = arith.ori %gt3A_21, %and3A : vector<256x256xi1>
    %convert_element_type3A = arith.extui %or3A : vector<256x256xi1> to vector<256x256xi32>
    %reduce_sum3A = arith.constant dense<0> : vector<256xi32>
    %reduce_sum3A_24 = vector.multi_reduction <add>, %convert_element_type3A, %reduce_sum3A [0] : vector<256x256xi32> to vector<256xi32>
    %broadcast_in_dim3A_25 = vector.shape_cast %reduce_sum3A_24 : vector<256xi32> to vector<1x256xi32>
    %add3A = arith.addi %broadcast_in_dim3A_4, %broadcast_in_dim3A_25 : vector<1x256xi32>
    %slice3A_26 = vector.extract_strided_slice %get3A_2 {offsets = [1, 0], sizes = [1, 256], strides = [1, 1]} : vector<8x256xf32> to vector<1x256xf32>
    %slice3A_27 = vector.extract_strided_slice %transpose3A {offsets = [0, 1], sizes = [256, 1], strides = [1, 1]} : vector<256x8xf32> to vector<256x1xf32>
    %gt3A_28 = vector.broadcast %slice3A_27 : vector<256x1xf32> to vector<256x256xf32>
    %gt3A_29 = vector.broadcast %slice3A_26 : vector<1x256xf32> to vector<256x256xf32>
    %gt3A_30 = arith.cmpf ogt, %gt3A_28, %gt3A_29 : vector<256x256xf32>
    %eq3A_31 = vector.broadcast %slice3A_27 : vector<256x1xf32> to vector<256x256xf32>
    %eq3A_32 = vector.broadcast %slice3A_26 : vector<1x256xf32> to vector<256x256xf32>
    %eq3A_33 = arith.cmpf oeq, %eq3A_31, %eq3A_32 : vector<256x256xf32>
    %lt3A_34 = arith.cmpi slt, %iota3A, %iota3A_3 : vector<256x256xi32>
    %and3A_35 = arith.andi %eq3A_33, %lt3A_34 : vector<256x256xi1>
    %or3A_36 = arith.ori %gt3A_30, %and3A_35 : vector<256x256xi1>
    %convert_element_type3A_37 = arith.extui %or3A_36 : vector<256x256xi1> to vector<256x256xi32>
    %reduce_sum3A_38 = arith.constant dense<0> : vector<256xi32>
    %reduce_sum3A_39 = vector.multi_reduction <add>, %convert_element_type3A_37, %reduce_sum3A_38 [0] : vector<256x256xi32> to vector<256xi32>
    %broadcast_in_dim3A_40 = vector.shape_cast %reduce_sum3A_39 : vector<256xi32> to vector<1x256xi32>
    %add3A_41 = arith.addi %broadcast_in_dim3A_6, %broadcast_in_dim3A_40 : vector<1x256xi32>
    %slice3A_42 = vector.extract_strided_slice %get3A_2 {offsets = [2, 0], sizes = [1, 256], strides = [1, 1]} : vector<8x256xf32> to vector<1x256xf32>
    %slice3A_43 = vector.extract_strided_slice %transpose3A {offsets = [0, 2], sizes = [256, 1], strides = [1, 1]} : vector<256x8xf32> to vector<256x1xf32>
    %gt3A_44 = vector.broadcast %slice3A_43 : vector<256x1xf32> to vector<256x256xf32>
    %gt3A_45 = vector.broadcast %slice3A_42 : vector<1x256xf32> to vector<256x256xf32>
    %gt3A_46 = arith.cmpf ogt, %gt3A_44, %gt3A_45 : vector<256x256xf32>
    %eq3A_47 = vector.broadcast %slice3A_43 : vector<256x1xf32> to vector<256x256xf32>
    %eq3A_48 = vector.broadcast %slice3A_42 : vector<1x256xf32> to vector<256x256xf32>
    %eq3A_49 = arith.cmpf oeq, %eq3A_47, %eq3A_48 : vector<256x256xf32>
    %lt3A_50 = arith.cmpi slt, %iota3A, %iota3A_3 : vector<256x256xi32>
    %and3A_51 = arith.andi %eq3A_49, %lt3A_50 : vector<256x256xi1>
    %or3A_52 = arith.ori %gt3A_46, %and3A_51 : vector<256x256xi1>
    %convert_element_type3A_53 = arith.extui %or3A_52 : vector<256x256xi1> to vector<256x256xi32>
    %reduce_sum3A_54 = arith.constant dense<0> : vector<256xi32>
    %reduce_sum3A_55 = vector.multi_reduction <add>, %convert_element_type3A_53, %reduce_sum3A_54 [0] : vector<256x256xi32> to vector<256xi32>
    %broadcast_in_dim3A_56 = vector.shape_cast %reduce_sum3A_55 : vector<256xi32> to vector<1x256xi32>
    %add3A_57 = arith.addi %broadcast_in_dim3A_8, %broadcast_in_dim3A_56 : vector<1x256xi32>
    %slice3A_58 = vector.extract_strided_slice %get3A_2 {offsets = [3, 0], sizes = [1, 256], strides = [1, 1]} : vector<8x256xf32> to vector<1x256xf32>
    %slice3A_59 = vector.extract_strided_slice %transpose3A {offsets = [0, 3], sizes = [256, 1], strides = [1, 1]} : vector<256x8xf32> to vector<256x1xf32>
    %gt3A_60 = vector.broadcast %slice3A_59 : vector<256x1xf32> to vector<256x256xf32>
    %gt3A_61 = vector.broadcast %slice3A_58 : vector<1x256xf32> to vector<256x256xf32>
    %gt3A_62 = arith.cmpf ogt, %gt3A_60, %gt3A_61 : vector<256x256xf32>
    %eq3A_63 = vector.broadcast %slice3A_59 : vector<256x1xf32> to vector<256x256xf32>
    %eq3A_64 = vector.broadcast %slice3A_58 : vector<1x256xf32> to vector<256x256xf32>
    %eq3A_65 = arith.cmpf oeq, %eq3A_63, %eq3A_64 : vector<256x256xf32>
    %lt3A_66 = arith.cmpi slt, %iota3A, %iota3A_3 : vector<256x256xi32>
    %and3A_67 = arith.andi %eq3A_65, %lt3A_66 : vector<256x256xi1>
    %or3A_68 = arith.ori %gt3A_62, %and3A_67 : vector<256x256xi1>
    %convert_element_type3A_69 = arith.extui %or3A_68 : vector<256x256xi1> to vector<256x256xi32>
    %reduce_sum3A_70 = arith.constant dense<0> : vector<256xi32>
    %reduce_sum3A_71 = vector.multi_reduction <add>, %convert_element_type3A_69, %reduce_sum3A_70 [0] : vector<256x256xi32> to vector<256xi32>
    %broadcast_in_dim3A_72 = vector.shape_cast %reduce_sum3A_71 : vector<256xi32> to vector<1x256xi32>
    %add3A_73 = arith.addi %broadcast_in_dim3A_10, %broadcast_in_dim3A_72 : vector<1x256xi32>
    %slice3A_74 = vector.extract_strided_slice %get3A_2 {offsets = [4, 0], sizes = [1, 256], strides = [1, 1]} : vector<8x256xf32> to vector<1x256xf32>
    %slice3A_75 = vector.extract_strided_slice %transpose3A {offsets = [0, 4], sizes = [256, 1], strides = [1, 1]} : vector<256x8xf32> to vector<256x1xf32>
    %gt3A_76 = vector.broadcast %slice3A_75 : vector<256x1xf32> to vector<256x256xf32>
    %gt3A_77 = vector.broadcast %slice3A_74 : vector<1x256xf32> to vector<256x256xf32>
    %gt3A_78 = arith.cmpf ogt, %gt3A_76, %gt3A_77 : vector<256x256xf32>
    %eq3A_79 = vector.broadcast %slice3A_75 : vector<256x1xf32> to vector<256x256xf32>
    %eq3A_80 = vector.broadcast %slice3A_74 : vector<1x256xf32> to vector<256x256xf32>
    %eq3A_81 = arith.cmpf oeq, %eq3A_79, %eq3A_80 : vector<256x256xf32>
    %lt3A_82 = arith.cmpi slt, %iota3A, %iota3A_3 : vector<256x256xi32>
    %and3A_83 = arith.andi %eq3A_81, %lt3A_82 : vector<256x256xi1>
    %or3A_84 = arith.ori %gt3A_78, %and3A_83 : vector<256x256xi1>
    %convert_element_type3A_85 = arith.extui %or3A_84 : vector<256x256xi1> to vector<256x256xi32>
    %reduce_sum3A_86 = arith.constant dense<0> : vector<256xi32>
    %reduce_sum3A_87 = vector.multi_reduction <add>, %convert_element_type3A_85, %reduce_sum3A_86 [0] : vector<256x256xi32> to vector<256xi32>
    %broadcast_in_dim3A_88 = vector.shape_cast %reduce_sum3A_87 : vector<256xi32> to vector<1x256xi32>
    %add3A_89 = arith.addi %broadcast_in_dim3A_12, %broadcast_in_dim3A_88 : vector<1x256xi32>
    %slice3A_90 = vector.extract_strided_slice %get3A_2 {offsets = [5, 0], sizes = [1, 256], strides = [1, 1]} : vector<8x256xf32> to vector<1x256xf32>
    %slice3A_91 = vector.extract_strided_slice %transpose3A {offsets = [0, 5], sizes = [256, 1], strides = [1, 1]} : vector<256x8xf32> to vector<256x1xf32>
    %gt3A_92 = vector.broadcast %slice3A_91 : vector<256x1xf32> to vector<256x256xf32>
    %gt3A_93 = vector.broadcast %slice3A_90 : vector<1x256xf32> to vector<256x256xf32>
    %gt3A_94 = arith.cmpf ogt, %gt3A_92, %gt3A_93 : vector<256x256xf32>
    %eq3A_95 = vector.broadcast %slice3A_91 : vector<256x1xf32> to vector<256x256xf32>
    %eq3A_96 = vector.broadcast %slice3A_90 : vector<1x256xf32> to vector<256x256xf32>
    %eq3A_97 = arith.cmpf oeq, %eq3A_95, %eq3A_96 : vector<256x256xf32>
    %lt3A_98 = arith.cmpi slt, %iota3A, %iota3A_3 : vector<256x256xi32>
    %and3A_99 = arith.andi %eq3A_97, %lt3A_98 : vector<256x256xi1>
    %or3A_100 = arith.ori %gt3A_94, %and3A_99 : vector<256x256xi1>
    %convert_element_type3A_101 = arith.extui %or3A_100 : vector<256x256xi1> to vector<256x256xi32>
    %reduce_sum3A_102 = arith.constant dense<0> : vector<256xi32>
    %reduce_sum3A_103 = vector.multi_reduction <add>, %convert_element_type3A_101, %reduce_sum3A_102 [0] : vector<256x256xi32> to vector<256xi32>
    %broadcast_in_dim3A_104 = vector.shape_cast %reduce_sum3A_103 : vector<256xi32> to vector<1x256xi32>
    %add3A_105 = arith.addi %broadcast_in_dim3A_14, %broadcast_in_dim3A_104 : vector<1x256xi32>
    %slice3A_106 = vector.extract_strided_slice %get3A_2 {offsets = [6, 0], sizes = [1, 256], strides = [1, 1]} : vector<8x256xf32> to vector<1x256xf32>
    %slice3A_107 = vector.extract_strided_slice %transpose3A {offsets = [0, 6], sizes = [256, 1], strides = [1, 1]} : vector<256x8xf32> to vector<256x1xf32>
    %gt3A_108 = vector.broadcast %slice3A_107 : vector<256x1xf32> to vector<256x256xf32>
    %gt3A_109 = vector.broadcast %slice3A_106 : vector<1x256xf32> to vector<256x256xf32>
    %gt3A_110 = arith.cmpf ogt, %gt3A_108, %gt3A_109 : vector<256x256xf32>
    %eq3A_111 = vector.broadcast %slice3A_107 : vector<256x1xf32> to vector<256x256xf32>
    %eq3A_112 = vector.broadcast %slice3A_106 : vector<1x256xf32> to vector<256x256xf32>
    %eq3A_113 = arith.cmpf oeq, %eq3A_111, %eq3A_112 : vector<256x256xf32>
    %lt3A_114 = arith.cmpi slt, %iota3A, %iota3A_3 : vector<256x256xi32>
    %and3A_115 = arith.andi %eq3A_113, %lt3A_114 : vector<256x256xi1>
    %or3A_116 = arith.ori %gt3A_110, %and3A_115 : vector<256x256xi1>
    %convert_element_type3A_117 = arith.extui %or3A_116 : vector<256x256xi1> to vector<256x256xi32>
    %reduce_sum3A_118 = arith.constant dense<0> : vector<256xi32>
    %reduce_sum3A_119 = vector.multi_reduction <add>, %convert_element_type3A_117, %reduce_sum3A_118 [0] : vector<256x256xi32> to vector<256xi32>
    %broadcast_in_dim3A_120 = vector.shape_cast %reduce_sum3A_119 : vector<256xi32> to vector<1x256xi32>
    %add3A_121 = arith.addi %broadcast_in_dim3A_16, %broadcast_in_dim3A_120 : vector<1x256xi32>
    %slice3A_122 = vector.extract_strided_slice %get3A_2 {offsets = [7, 0], sizes = [1, 256], strides = [1, 1]} : vector<8x256xf32> to vector<1x256xf32>
    %slice3A_123 = vector.extract_strided_slice %transpose3A {offsets = [0, 7], sizes = [256, 1], strides = [1, 1]} : vector<256x8xf32> to vector<256x1xf32>
    %gt3A_124 = vector.broadcast %slice3A_123 : vector<256x1xf32> to vector<256x256xf32>
    %gt3A_125 = vector.broadcast %slice3A_122 : vector<1x256xf32> to vector<256x256xf32>
    %gt3A_126 = arith.cmpf ogt, %gt3A_124, %gt3A_125 : vector<256x256xf32>
    %eq3A_127 = vector.broadcast %slice3A_123 : vector<256x1xf32> to vector<256x256xf32>
    %eq3A_128 = vector.broadcast %slice3A_122 : vector<1x256xf32> to vector<256x256xf32>
    %eq3A_129 = arith.cmpf oeq, %eq3A_127, %eq3A_128 : vector<256x256xf32>
    %lt3A_130 = arith.cmpi slt, %iota3A, %iota3A_3 : vector<256x256xi32>
    %and3A_131 = arith.andi %eq3A_129, %lt3A_130 : vector<256x256xi1>
    %or3A_132 = arith.ori %gt3A_126, %and3A_131 : vector<256x256xi1>
    %convert_element_type3A_133 = arith.extui %or3A_132 : vector<256x256xi1> to vector<256x256xi32>
    %reduce_sum3A_134 = arith.constant dense<0> : vector<256xi32>
    %reduce_sum3A_135 = vector.multi_reduction <add>, %convert_element_type3A_133, %reduce_sum3A_134 [0] : vector<256x256xi32> to vector<256xi32>
    %broadcast_in_dim3A_136 = vector.shape_cast %reduce_sum3A_135 : vector<256xi32> to vector<1x256xi32>
    %add3A_137 = arith.addi %broadcast_in_dim3A_18, %broadcast_in_dim3A_136 : vector<1x256xi32>
    %slice3A_138 = vector.extract_strided_slice %transpose3A {offsets = [0, 1], sizes = [256, 1], strides = [1, 1]} : vector<256x8xf32> to vector<256x1xf32>
    %slice3A_139 = vector.extract_strided_slice %get3A_2 {offsets = [0, 0], sizes = [1, 256], strides = [1, 1]} : vector<8x256xf32> to vector<1x256xf32>
    %gt3A_140 = vector.broadcast %slice3A_138 : vector<256x1xf32> to vector<256x256xf32>
    %gt3A_141 = vector.broadcast %slice3A_139 : vector<1x256xf32> to vector<256x256xf32>
    %gt3A_142 = arith.cmpf ogt, %gt3A_140, %gt3A_141 : vector<256x256xf32>
    %slice3A_143 = vector.extract_strided_slice %transpose3A {offsets = [0, 0], sizes = [256, 1], strides = [1, 1]} : vector<256x8xf32> to vector<256x1xf32>
    %slice3A_144 = vector.extract_strided_slice %get3A_2 {offsets = [1, 0], sizes = [1, 256], strides = [1, 1]} : vector<8x256xf32> to vector<1x256xf32>
    %ge3A = vector.broadcast %slice3A_143 : vector<256x1xf32> to vector<256x256xf32>
    %ge3A_145 = vector.broadcast %slice3A_144 : vector<1x256xf32> to vector<256x256xf32>
    %ge3A_146 = arith.cmpf oge, %ge3A, %ge3A_145 : vector<256x256xf32>
    %convert_element_type3A_147 = arith.extui %gt3A_142 : vector<256x256xi1> to vector<256x256xi32>
    %reduce_sum3A_148 = arith.constant dense<0> : vector<256xi32>
    %reduce_sum3A_149 = vector.multi_reduction <add>, %convert_element_type3A_147, %reduce_sum3A_148 [0] : vector<256x256xi32> to vector<256xi32>
    %broadcast_in_dim3A_150 = vector.shape_cast %reduce_sum3A_149 : vector<256xi32> to vector<1x256xi32>
    %add3A_151 = arith.addi %add3A, %broadcast_in_dim3A_150 : vector<1x256xi32>
    %convert_element_type3A_152 = arith.extui %ge3A_146 : vector<256x256xi1> to vector<256x256xi32>
    %reduce_sum3A_153 = arith.constant dense<0> : vector<256xi32>
    %reduce_sum3A_154 = vector.multi_reduction <add>, %convert_element_type3A_152, %reduce_sum3A_153 [0] : vector<256x256xi32> to vector<256xi32>
    %broadcast_in_dim3A_155 = vector.shape_cast %reduce_sum3A_154 : vector<256xi32> to vector<1x256xi32>
    %add3A_156 = arith.addi %add3A_41, %broadcast_in_dim3A_155 : vector<1x256xi32>
    %slice3A_157 = vector.extract_strided_slice %transpose3A {offsets = [0, 2], sizes = [256, 1], strides = [1, 1]} : vector<256x8xf32> to vector<256x1xf32>
    %slice3A_158 = vector.extract_strided_slice %get3A_2 {offsets = [0, 0], sizes = [1, 256], strides = [1, 1]} : vector<8x256xf32> to vector<1x256xf32>
    %gt3A_159 = vector.broadcast %slice3A_157 : vector<256x1xf32> to vector<256x256xf32>
    %gt3A_160 = vector.broadcast %slice3A_158 : vector<1x256xf32> to vector<256x256xf32>
    %gt3A_161 = arith.cmpf ogt, %gt3A_159, %gt3A_160 : vector<256x256xf32>
    %slice3A_162 = vector.extract_strided_slice %transpose3A {offsets = [0, 0], sizes = [256, 1], strides = [1, 1]} : vector<256x8xf32> to vector<256x1xf32>
    %slice3A_163 = vector.extract_strided_slice %get3A_2 {offsets = [2, 0], sizes = [1, 256], strides = [1, 1]} : vector<8x256xf32> to vector<1x256xf32>
    %ge3A_164 = vector.broadcast %slice3A_162 : vector<256x1xf32> to vector<256x256xf32>
    %ge3A_165 = vector.broadcast %slice3A_163 : vector<1x256xf32> to vector<256x256xf32>
    %ge3A_166 = arith.cmpf oge, %ge3A_164, %ge3A_165 : vector<256x256xf32>
    %convert_element_type3A_167 = arith.extui %gt3A_161 : vector<256x256xi1> to vector<256x256xi32>
    %reduce_sum3A_168 = arith.constant dense<0> : vector<256xi32>
    %reduce_sum3A_169 = vector.multi_reduction <add>, %convert_element_type3A_167, %reduce_sum3A_168 [0] : vector<256x256xi32> to vector<256xi32>
    %broadcast_in_dim3A_170 = vector.shape_cast %reduce_sum3A_169 : vector<256xi32> to vector<1x256xi32>
    %add3A_171 = arith.addi %add3A_151, %broadcast_in_dim3A_170 : vector<1x256xi32>
    %convert_element_type3A_172 = arith.extui %ge3A_166 : vector<256x256xi1> to vector<256x256xi32>
    %reduce_sum3A_173 = arith.constant dense<0> : vector<256xi32>
    %reduce_sum3A_174 = vector.multi_reduction <add>, %convert_element_type3A_172, %reduce_sum3A_173 [0] : vector<256x256xi32> to vector<256xi32>
    %broadcast_in_dim3A_175 = vector.shape_cast %reduce_sum3A_174 : vector<256xi32> to vector<1x256xi32>
    %add3A_176 = arith.addi %add3A_57, %broadcast_in_dim3A_175 : vector<1x256xi32>
    %slice3A_177 = vector.extract_strided_slice %transpose3A {offsets = [0, 3], sizes = [256, 1], strides = [1, 1]} : vector<256x8xf32> to vector<256x1xf32>
    %slice3A_178 = vector.extract_strided_slice %get3A_2 {offsets = [0, 0], sizes = [1, 256], strides = [1, 1]} : vector<8x256xf32> to vector<1x256xf32>
    %gt3A_179 = vector.broadcast %slice3A_177 : vector<256x1xf32> to vector<256x256xf32>
    %gt3A_180 = vector.broadcast %slice3A_178 : vector<1x256xf32> to vector<256x256xf32>
    %gt3A_181 = arith.cmpf ogt, %gt3A_179, %gt3A_180 : vector<256x256xf32>
    %slice3A_182 = vector.extract_strided_slice %transpose3A {offsets = [0, 0], sizes = [256, 1], strides = [1, 1]} : vector<256x8xf32> to vector<256x1xf32>
    %slice3A_183 = vector.extract_strided_slice %get3A_2 {offsets = [3, 0], sizes = [1, 256], strides = [1, 1]} : vector<8x256xf32> to vector<1x256xf32>
    %ge3A_184 = vector.broadcast %slice3A_182 : vector<256x1xf32> to vector<256x256xf32>
    %ge3A_185 = vector.broadcast %slice3A_183 : vector<1x256xf32> to vector<256x256xf32>
    %ge3A_186 = arith.cmpf oge, %ge3A_184, %ge3A_185 : vector<256x256xf32>
    %convert_element_type3A_187 = arith.extui %gt3A_181 : vector<256x256xi1> to vector<256x256xi32>
    %reduce_sum3A_188 = arith.constant dense<0> : vector<256xi32>
    %reduce_sum3A_189 = vector.multi_reduction <add>, %convert_element_type3A_187, %reduce_sum3A_188 [0] : vector<256x256xi32> to vector<256xi32>
    %broadcast_in_dim3A_190 = vector.shape_cast %reduce_sum3A_189 : vector<256xi32> to vector<1x256xi32>
    %add3A_191 = arith.addi %add3A_171, %broadcast_in_dim3A_190 : vector<1x256xi32>
    %convert_element_type3A_192 = arith.extui %ge3A_186 : vector<256x256xi1> to vector<256x256xi32>
    %reduce_sum3A_193 = arith.constant dense<0> : vector<256xi32>
    %reduce_sum3A_194 = vector.multi_reduction <add>, %convert_element_type3A_192, %reduce_sum3A_193 [0] : vector<256x256xi32> to vector<256xi32>
    %broadcast_in_dim3A_195 = vector.shape_cast %reduce_sum3A_194 : vector<256xi32> to vector<1x256xi32>
    %add3A_196 = arith.addi %add3A_73, %broadcast_in_dim3A_195 : vector<1x256xi32>
    %slice3A_197 = vector.extract_strided_slice %transpose3A {offsets = [0, 4], sizes = [256, 1], strides = [1, 1]} : vector<256x8xf32> to vector<256x1xf32>
    %slice3A_198 = vector.extract_strided_slice %get3A_2 {offsets = [0, 0], sizes = [1, 256], strides = [1, 1]} : vector<8x256xf32> to vector<1x256xf32>
    %gt3A_199 = vector.broadcast %slice3A_197 : vector<256x1xf32> to vector<256x256xf32>
    %gt3A_200 = vector.broadcast %slice3A_198 : vector<1x256xf32> to vector<256x256xf32>
    %gt3A_201 = arith.cmpf ogt, %gt3A_199, %gt3A_200 : vector<256x256xf32>
    %slice3A_202 = vector.extract_strided_slice %transpose3A {offsets = [0, 0], sizes = [256, 1], strides = [1, 1]} : vector<256x8xf32> to vector<256x1xf32>
    %slice3A_203 = vector.extract_strided_slice %get3A_2 {offsets = [4, 0], sizes = [1, 256], strides = [1, 1]} : vector<8x256xf32> to vector<1x256xf32>
    %ge3A_204 = vector.broadcast %slice3A_202 : vector<256x1xf32> to vector<256x256xf32>
    %ge3A_205 = vector.broadcast %slice3A_203 : vector<1x256xf32> to vector<256x256xf32>
    %ge3A_206 = arith.cmpf oge, %ge3A_204, %ge3A_205 : vector<256x256xf32>
    %convert_element_type3A_207 = arith.extui %gt3A_201 : vector<256x256xi1> to vector<256x256xi32>
    %reduce_sum3A_208 = arith.constant dense<0> : vector<256xi32>
    %reduce_sum3A_209 = vector.multi_reduction <add>, %convert_element_type3A_207, %reduce_sum3A_208 [0] : vector<256x256xi32> to vector<256xi32>
    %broadcast_in_dim3A_210 = vector.shape_cast %reduce_sum3A_209 : vector<256xi32> to vector<1x256xi32>
    %add3A_211 = arith.addi %add3A_191, %broadcast_in_dim3A_210 : vector<1x256xi32>
    %convert_element_type3A_212 = arith.extui %ge3A_206 : vector<256x256xi1> to vector<256x256xi32>
    %reduce_sum3A_213 = arith.constant dense<0> : vector<256xi32>
    %reduce_sum3A_214 = vector.multi_reduction <add>, %convert_element_type3A_212, %reduce_sum3A_213 [0] : vector<256x256xi32> to vector<256xi32>
    %broadcast_in_dim3A_215 = vector.shape_cast %reduce_sum3A_214 : vector<256xi32> to vector<1x256xi32>
    %add3A_216 = arith.addi %add3A_89, %broadcast_in_dim3A_215 : vector<1x256xi32>
    %slice3A_217 = vector.extract_strided_slice %transpose3A {offsets = [0, 5], sizes = [256, 1], strides = [1, 1]} : vector<256x8xf32> to vector<256x1xf32>
    %slice3A_218 = vector.extract_strided_slice %get3A_2 {offsets = [0, 0], sizes = [1, 256], strides = [1, 1]} : vector<8x256xf32> to vector<1x256xf32>
    %gt3A_219 = vector.broadcast %slice3A_217 : vector<256x1xf32> to vector<256x256xf32>
    %gt3A_220 = vector.broadcast %slice3A_218 : vector<1x256xf32> to vector<256x256xf32>
    %gt3A_221 = arith.cmpf ogt, %gt3A_219, %gt3A_220 : vector<256x256xf32>
    %slice3A_222 = vector.extract_strided_slice %transpose3A {offsets = [0, 0], sizes = [256, 1], strides = [1, 1]} : vector<256x8xf32> to vector<256x1xf32>
    %slice3A_223 = vector.extract_strided_slice %get3A_2 {offsets = [5, 0], sizes = [1, 256], strides = [1, 1]} : vector<8x256xf32> to vector<1x256xf32>
    %ge3A_224 = vector.broadcast %slice3A_222 : vector<256x1xf32> to vector<256x256xf32>
    %ge3A_225 = vector.broadcast %slice3A_223 : vector<1x256xf32> to vector<256x256xf32>
    %ge3A_226 = arith.cmpf oge, %ge3A_224, %ge3A_225 : vector<256x256xf32>
    %convert_element_type3A_227 = arith.extui %gt3A_221 : vector<256x256xi1> to vector<256x256xi32>
    %reduce_sum3A_228 = arith.constant dense<0> : vector<256xi32>
    %reduce_sum3A_229 = vector.multi_reduction <add>, %convert_element_type3A_227, %reduce_sum3A_228 [0] : vector<256x256xi32> to vector<256xi32>
    %broadcast_in_dim3A_230 = vector.shape_cast %reduce_sum3A_229 : vector<256xi32> to vector<1x256xi32>
    %add3A_231 = arith.addi %add3A_211, %broadcast_in_dim3A_230 : vector<1x256xi32>
    %convert_element_type3A_232 = arith.extui %ge3A_226 : vector<256x256xi1> to vector<256x256xi32>
    %reduce_sum3A_233 = arith.constant dense<0> : vector<256xi32>
    %reduce_sum3A_234 = vector.multi_reduction <add>, %convert_element_type3A_232, %reduce_sum3A_233 [0] : vector<256x256xi32> to vector<256xi32>
    %broadcast_in_dim3A_235 = vector.shape_cast %reduce_sum3A_234 : vector<256xi32> to vector<1x256xi32>
    %add3A_236 = arith.addi %add3A_105, %broadcast_in_dim3A_235 : vector<1x256xi32>
    %slice3A_237 = vector.extract_strided_slice %transpose3A {offsets = [0, 6], sizes = [256, 1], strides = [1, 1]} : vector<256x8xf32> to vector<256x1xf32>
    %slice3A_238 = vector.extract_strided_slice %get3A_2 {offsets = [0, 0], sizes = [1, 256], strides = [1, 1]} : vector<8x256xf32> to vector<1x256xf32>
    %gt3A_239 = vector.broadcast %slice3A_237 : vector<256x1xf32> to vector<256x256xf32>
    %gt3A_240 = vector.broadcast %slice3A_238 : vector<1x256xf32> to vector<256x256xf32>
    %gt3A_241 = arith.cmpf ogt, %gt3A_239, %gt3A_240 : vector<256x256xf32>
    %slice3A_242 = vector.extract_strided_slice %transpose3A {offsets = [0, 0], sizes = [256, 1], strides = [1, 1]} : vector<256x8xf32> to vector<256x1xf32>
    %slice3A_243 = vector.extract_strided_slice %get3A_2 {offsets = [6, 0], sizes = [1, 256], strides = [1, 1]} : vector<8x256xf32> to vector<1x256xf32>
    %ge3A_244 = vector.broadcast %slice3A_242 : vector<256x1xf32> to vector<256x256xf32>
    %ge3A_245 = vector.broadcast %slice3A_243 : vector<1x256xf32> to vector<256x256xf32>
    %ge3A_246 = arith.cmpf oge, %ge3A_244, %ge3A_245 : vector<256x256xf32>
    %convert_element_type3A_247 = arith.extui %gt3A_241 : vector<256x256xi1> to vector<256x256xi32>
    %reduce_sum3A_248 = arith.constant dense<0> : vector<256xi32>
    %reduce_sum3A_249 = vector.multi_reduction <add>, %convert_element_type3A_247, %reduce_sum3A_248 [0] : vector<256x256xi32> to vector<256xi32>
    %broadcast_in_dim3A_250 = vector.shape_cast %reduce_sum3A_249 : vector<256xi32> to vector<1x256xi32>
    %add3A_251 = arith.addi %add3A_231, %broadcast_in_dim3A_250 : vector<1x256xi32>
    %convert_element_type3A_252 = arith.extui %ge3A_246 : vector<256x256xi1> to vector<256x256xi32>
    %reduce_sum3A_253 = arith.constant dense<0> : vector<256xi32>
    %reduce_sum3A_254 = vector.multi_reduction <add>, %convert_element_type3A_252, %reduce_sum3A_253 [0] : vector<256x256xi32> to vector<256xi32>
    %broadcast_in_dim3A_255 = vector.shape_cast %reduce_sum3A_254 : vector<256xi32> to vector<1x256xi32>
    %add3A_256 = arith.addi %add3A_121, %broadcast_in_dim3A_255 : vector<1x256xi32>
    %slice3A_257 = vector.extract_strided_slice %transpose3A {offsets = [0, 7], sizes = [256, 1], strides = [1, 1]} : vector<256x8xf32> to vector<256x1xf32>
    %slice3A_258 = vector.extract_strided_slice %get3A_2 {offsets = [0, 0], sizes = [1, 256], strides = [1, 1]} : vector<8x256xf32> to vector<1x256xf32>
    %gt3A_259 = vector.broadcast %slice3A_257 : vector<256x1xf32> to vector<256x256xf32>
    %gt3A_260 = vector.broadcast %slice3A_258 : vector<1x256xf32> to vector<256x256xf32>
    %gt3A_261 = arith.cmpf ogt, %gt3A_259, %gt3A_260 : vector<256x256xf32>
    %slice3A_262 = vector.extract_strided_slice %transpose3A {offsets = [0, 0], sizes = [256, 1], strides = [1, 1]} : vector<256x8xf32> to vector<256x1xf32>
    %slice3A_263 = vector.extract_strided_slice %get3A_2 {offsets = [7, 0], sizes = [1, 256], strides = [1, 1]} : vector<8x256xf32> to vector<1x256xf32>
    %ge3A_264 = vector.broadcast %slice3A_262 : vector<256x1xf32> to vector<256x256xf32>
    %ge3A_265 = vector.broadcast %slice3A_263 : vector<1x256xf32> to vector<256x256xf32>
    %ge3A_266 = arith.cmpf oge, %ge3A_264, %ge3A_265 : vector<256x256xf32>
    %convert_element_type3A_267 = arith.extui %gt3A_261 : vector<256x256xi1> to vector<256x256xi32>
    %reduce_sum3A_268 = arith.constant dense<0> : vector<256xi32>
    %reduce_sum3A_269 = vector.multi_reduction <add>, %convert_element_type3A_267, %reduce_sum3A_268 [0] : vector<256x256xi32> to vector<256xi32>
    %broadcast_in_dim3A_270 = vector.shape_cast %reduce_sum3A_269 : vector<256xi32> to vector<1x256xi32>
    %add3A_271 = arith.addi %add3A_251, %broadcast_in_dim3A_270 : vector<1x256xi32>
    %convert_element_type3A_272 = arith.extui %ge3A_266 : vector<256x256xi1> to vector<256x256xi32>
    %reduce_sum3A_273 = arith.constant dense<0> : vector<256xi32>
    %reduce_sum3A_274 = vector.multi_reduction <add>, %convert_element_type3A_272, %reduce_sum3A_273 [0] : vector<256x256xi32> to vector<256xi32>
    %broadcast_in_dim3A_275 = vector.shape_cast %reduce_sum3A_274 : vector<256xi32> to vector<1x256xi32>
    %add3A_276 = arith.addi %add3A_137, %broadcast_in_dim3A_275 : vector<1x256xi32>
    %slice3A_277 = vector.extract_strided_slice %transpose3A {offsets = [0, 2], sizes = [256, 1], strides = [1, 1]} : vector<256x8xf32> to vector<256x1xf32>
    %slice3A_278 = vector.extract_strided_slice %get3A_2 {offsets = [1, 0], sizes = [1, 256], strides = [1, 1]} : vector<8x256xf32> to vector<1x256xf32>
    %gt3A_279 = vector.broadcast %slice3A_277 : vector<256x1xf32> to vector<256x256xf32>
    %gt3A_280 = vector.broadcast %slice3A_278 : vector<1x256xf32> to vector<256x256xf32>
    %gt3A_281 = arith.cmpf ogt, %gt3A_279, %gt3A_280 : vector<256x256xf32>
    %slice3A_282 = vector.extract_strided_slice %transpose3A {offsets = [0, 1], sizes = [256, 1], strides = [1, 1]} : vector<256x8xf32> to vector<256x1xf32>
    %slice3A_283 = vector.extract_strided_slice %get3A_2 {offsets = [2, 0], sizes = [1, 256], strides = [1, 1]} : vector<8x256xf32> to vector<1x256xf32>
    %ge3A_284 = vector.broadcast %slice3A_282 : vector<256x1xf32> to vector<256x256xf32>
    %ge3A_285 = vector.broadcast %slice3A_283 : vector<1x256xf32> to vector<256x256xf32>
    %ge3A_286 = arith.cmpf oge, %ge3A_284, %ge3A_285 : vector<256x256xf32>
    %convert_element_type3A_287 = arith.extui %gt3A_281 : vector<256x256xi1> to vector<256x256xi32>
    %reduce_sum3A_288 = arith.constant dense<0> : vector<256xi32>
    %reduce_sum3A_289 = vector.multi_reduction <add>, %convert_element_type3A_287, %reduce_sum3A_288 [0] : vector<256x256xi32> to vector<256xi32>
    %broadcast_in_dim3A_290 = vector.shape_cast %reduce_sum3A_289 : vector<256xi32> to vector<1x256xi32>
    %add3A_291 = arith.addi %add3A_156, %broadcast_in_dim3A_290 : vector<1x256xi32>
    %convert_element_type3A_292 = arith.extui %ge3A_286 : vector<256x256xi1> to vector<256x256xi32>
    %reduce_sum3A_293 = arith.constant dense<0> : vector<256xi32>
    %reduce_sum3A_294 = vector.multi_reduction <add>, %convert_element_type3A_292, %reduce_sum3A_293 [0] : vector<256x256xi32> to vector<256xi32>
    %broadcast_in_dim3A_295 = vector.shape_cast %reduce_sum3A_294 : vector<256xi32> to vector<1x256xi32>
    %add3A_296 = arith.addi %add3A_176, %broadcast_in_dim3A_295 : vector<1x256xi32>
    %slice3A_297 = vector.extract_strided_slice %transpose3A {offsets = [0, 3], sizes = [256, 1], strides = [1, 1]} : vector<256x8xf32> to vector<256x1xf32>
    %slice3A_298 = vector.extract_strided_slice %get3A_2 {offsets = [1, 0], sizes = [1, 256], strides = [1, 1]} : vector<8x256xf32> to vector<1x256xf32>
    %gt3A_299 = vector.broadcast %slice3A_297 : vector<256x1xf32> to vector<256x256xf32>
    %gt3A_300 = vector.broadcast %slice3A_298 : vector<1x256xf32> to vector<256x256xf32>
    %gt3A_301 = arith.cmpf ogt, %gt3A_299, %gt3A_300 : vector<256x256xf32>
    %slice3A_302 = vector.extract_strided_slice %transpose3A {offsets = [0, 1], sizes = [256, 1], strides = [1, 1]} : vector<256x8xf32> to vector<256x1xf32>
    %slice3A_303 = vector.extract_strided_slice %get3A_2 {offsets = [3, 0], sizes = [1, 256], strides = [1, 1]} : vector<8x256xf32> to vector<1x256xf32>
    %ge3A_304 = vector.broadcast %slice3A_302 : vector<256x1xf32> to vector<256x256xf32>
    %ge3A_305 = vector.broadcast %slice3A_303 : vector<1x256xf32> to vector<256x256xf32>
    %ge3A_306 = arith.cmpf oge, %ge3A_304, %ge3A_305 : vector<256x256xf32>
    %convert_element_type3A_307 = arith.extui %gt3A_301 : vector<256x256xi1> to vector<256x256xi32>
    %reduce_sum3A_308 = arith.constant dense<0> : vector<256xi32>
    %reduce_sum3A_309 = vector.multi_reduction <add>, %convert_element_type3A_307, %reduce_sum3A_308 [0] : vector<256x256xi32> to vector<256xi32>
    %broadcast_in_dim3A_310 = vector.shape_cast %reduce_sum3A_309 : vector<256xi32> to vector<1x256xi32>
    %add3A_311 = arith.addi %add3A_291, %broadcast_in_dim3A_310 : vector<1x256xi32>
    %convert_element_type3A_312 = arith.extui %ge3A_306 : vector<256x256xi1> to vector<256x256xi32>
    %reduce_sum3A_313 = arith.constant dense<0> : vector<256xi32>
    %reduce_sum3A_314 = vector.multi_reduction <add>, %convert_element_type3A_312, %reduce_sum3A_313 [0] : vector<256x256xi32> to vector<256xi32>
    %broadcast_in_dim3A_315 = vector.shape_cast %reduce_sum3A_314 : vector<256xi32> to vector<1x256xi32>
    %add3A_316 = arith.addi %add3A_196, %broadcast_in_dim3A_315 : vector<1x256xi32>
    %slice3A_317 = vector.extract_strided_slice %transpose3A {offsets = [0, 4], sizes = [256, 1], strides = [1, 1]} : vector<256x8xf32> to vector<256x1xf32>
    %slice3A_318 = vector.extract_strided_slice %get3A_2 {offsets = [1, 0], sizes = [1, 256], strides = [1, 1]} : vector<8x256xf32> to vector<1x256xf32>
    %gt3A_319 = vector.broadcast %slice3A_317 : vector<256x1xf32> to vector<256x256xf32>
    %gt3A_320 = vector.broadcast %slice3A_318 : vector<1x256xf32> to vector<256x256xf32>
    %gt3A_321 = arith.cmpf ogt, %gt3A_319, %gt3A_320 : vector<256x256xf32>
    %slice3A_322 = vector.extract_strided_slice %transpose3A {offsets = [0, 1], sizes = [256, 1], strides = [1, 1]} : vector<256x8xf32> to vector<256x1xf32>
    %slice3A_323 = vector.extract_strided_slice %get3A_2 {offsets = [4, 0], sizes = [1, 256], strides = [1, 1]} : vector<8x256xf32> to vector<1x256xf32>
    %ge3A_324 = vector.broadcast %slice3A_322 : vector<256x1xf32> to vector<256x256xf32>
    %ge3A_325 = vector.broadcast %slice3A_323 : vector<1x256xf32> to vector<256x256xf32>
    %ge3A_326 = arith.cmpf oge, %ge3A_324, %ge3A_325 : vector<256x256xf32>
    %convert_element_type3A_327 = arith.extui %gt3A_321 : vector<256x256xi1> to vector<256x256xi32>
    %reduce_sum3A_328 = arith.constant dense<0> : vector<256xi32>
    %reduce_sum3A_329 = vector.multi_reduction <add>, %convert_element_type3A_327, %reduce_sum3A_328 [0] : vector<256x256xi32> to vector<256xi32>
    %broadcast_in_dim3A_330 = vector.shape_cast %reduce_sum3A_329 : vector<256xi32> to vector<1x256xi32>
    %add3A_331 = arith.addi %add3A_311, %broadcast_in_dim3A_330 : vector<1x256xi32>
    %convert_element_type3A_332 = arith.extui %ge3A_326 : vector<256x256xi1> to vector<256x256xi32>
    %reduce_sum3A_333 = arith.constant dense<0> : vector<256xi32>
    %reduce_sum3A_334 = vector.multi_reduction <add>, %convert_element_type3A_332, %reduce_sum3A_333 [0] : vector<256x256xi32> to vector<256xi32>
    %broadcast_in_dim3A_335 = vector.shape_cast %reduce_sum3A_334 : vector<256xi32> to vector<1x256xi32>
    %add3A_336 = arith.addi %add3A_216, %broadcast_in_dim3A_335 : vector<1x256xi32>
    %slice3A_337 = vector.extract_strided_slice %transpose3A {offsets = [0, 5], sizes = [256, 1], strides = [1, 1]} : vector<256x8xf32> to vector<256x1xf32>
    %slice3A_338 = vector.extract_strided_slice %get3A_2 {offsets = [1, 0], sizes = [1, 256], strides = [1, 1]} : vector<8x256xf32> to vector<1x256xf32>
    %gt3A_339 = vector.broadcast %slice3A_337 : vector<256x1xf32> to vector<256x256xf32>
    %gt3A_340 = vector.broadcast %slice3A_338 : vector<1x256xf32> to vector<256x256xf32>
    %gt3A_341 = arith.cmpf ogt, %gt3A_339, %gt3A_340 : vector<256x256xf32>
    %slice3A_342 = vector.extract_strided_slice %transpose3A {offsets = [0, 1], sizes = [256, 1], strides = [1, 1]} : vector<256x8xf32> to vector<256x1xf32>
    %slice3A_343 = vector.extract_strided_slice %get3A_2 {offsets = [5, 0], sizes = [1, 256], strides = [1, 1]} : vector<8x256xf32> to vector<1x256xf32>
    %ge3A_344 = vector.broadcast %slice3A_342 : vector<256x1xf32> to vector<256x256xf32>
    %ge3A_345 = vector.broadcast %slice3A_343 : vector<1x256xf32> to vector<256x256xf32>
    %ge3A_346 = arith.cmpf oge, %ge3A_344, %ge3A_345 : vector<256x256xf32>
    %convert_element_type3A_347 = arith.extui %gt3A_341 : vector<256x256xi1> to vector<256x256xi32>
    %reduce_sum3A_348 = arith.constant dense<0> : vector<256xi32>
    %reduce_sum3A_349 = vector.multi_reduction <add>, %convert_element_type3A_347, %reduce_sum3A_348 [0] : vector<256x256xi32> to vector<256xi32>
    %broadcast_in_dim3A_350 = vector.shape_cast %reduce_sum3A_349 : vector<256xi32> to vector<1x256xi32>
    %add3A_351 = arith.addi %add3A_331, %broadcast_in_dim3A_350 : vector<1x256xi32>
    %convert_element_type3A_352 = arith.extui %ge3A_346 : vector<256x256xi1> to vector<256x256xi32>
    %reduce_sum3A_353 = arith.constant dense<0> : vector<256xi32>
    %reduce_sum3A_354 = vector.multi_reduction <add>, %convert_element_type3A_352, %reduce_sum3A_353 [0] : vector<256x256xi32> to vector<256xi32>
    %broadcast_in_dim3A_355 = vector.shape_cast %reduce_sum3A_354 : vector<256xi32> to vector<1x256xi32>
    %add3A_356 = arith.addi %add3A_236, %broadcast_in_dim3A_355 : vector<1x256xi32>
    %slice3A_357 = vector.extract_strided_slice %transpose3A {offsets = [0, 6], sizes = [256, 1], strides = [1, 1]} : vector<256x8xf32> to vector<256x1xf32>
    %slice3A_358 = vector.extract_strided_slice %get3A_2 {offsets = [1, 0], sizes = [1, 256], strides = [1, 1]} : vector<8x256xf32> to vector<1x256xf32>
    %gt3A_359 = vector.broadcast %slice3A_357 : vector<256x1xf32> to vector<256x256xf32>
    %gt3A_360 = vector.broadcast %slice3A_358 : vector<1x256xf32> to vector<256x256xf32>
    %gt3A_361 = arith.cmpf ogt, %gt3A_359, %gt3A_360 : vector<256x256xf32>
    %slice3A_362 = vector.extract_strided_slice %transpose3A {offsets = [0, 1], sizes = [256, 1], strides = [1, 1]} : vector<256x8xf32> to vector<256x1xf32>
    %slice3A_363 = vector.extract_strided_slice %get3A_2 {offsets = [6, 0], sizes = [1, 256], strides = [1, 1]} : vector<8x256xf32> to vector<1x256xf32>
    %ge3A_364 = vector.broadcast %slice3A_362 : vector<256x1xf32> to vector<256x256xf32>
    %ge3A_365 = vector.broadcast %slice3A_363 : vector<1x256xf32> to vector<256x256xf32>
    %ge3A_366 = arith.cmpf oge, %ge3A_364, %ge3A_365 : vector<256x256xf32>
    %convert_element_type3A_367 = arith.extui %gt3A_361 : vector<256x256xi1> to vector<256x256xi32>
    %reduce_sum3A_368 = arith.constant dense<0> : vector<256xi32>
    %reduce_sum3A_369 = vector.multi_reduction <add>, %convert_element_type3A_367, %reduce_sum3A_368 [0] : vector<256x256xi32> to vector<256xi32>
    %broadcast_in_dim3A_370 = vector.shape_cast %reduce_sum3A_369 : vector<256xi32> to vector<1x256xi32>
    %add3A_371 = arith.addi %add3A_351, %broadcast_in_dim3A_370 : vector<1x256xi32>
    %convert_element_type3A_372 = arith.extui %ge3A_366 : vector<256x256xi1> to vector<256x256xi32>
    %reduce_sum3A_373 = arith.constant dense<0> : vector<256xi32>
    %reduce_sum3A_374 = vector.multi_reduction <add>, %convert_element_type3A_372, %reduce_sum3A_373 [0] : vector<256x256xi32> to vector<256xi32>
    %broadcast_in_dim3A_375 = vector.shape_cast %reduce_sum3A_374 : vector<256xi32> to vector<1x256xi32>
    %add3A_376 = arith.addi %add3A_256, %broadcast_in_dim3A_375 : vector<1x256xi32>
    %slice3A_377 = vector.extract_strided_slice %transpose3A {offsets = [0, 7], sizes = [256, 1], strides = [1, 1]} : vector<256x8xf32> to vector<256x1xf32>
    %slice3A_378 = vector.extract_strided_slice %get3A_2 {offsets = [1, 0], sizes = [1, 256], strides = [1, 1]} : vector<8x256xf32> to vector<1x256xf32>
    %gt3A_379 = vector.broadcast %slice3A_377 : vector<256x1xf32> to vector<256x256xf32>
    %gt3A_380 = vector.broadcast %slice3A_378 : vector<1x256xf32> to vector<256x256xf32>
    %gt3A_381 = arith.cmpf ogt, %gt3A_379, %gt3A_380 : vector<256x256xf32>
    %slice3A_382 = vector.extract_strided_slice %transpose3A {offsets = [0, 1], sizes = [256, 1], strides = [1, 1]} : vector<256x8xf32> to vector<256x1xf32>
    %slice3A_383 = vector.extract_strided_slice %get3A_2 {offsets = [7, 0], sizes = [1, 256], strides = [1, 1]} : vector<8x256xf32> to vector<1x256xf32>
    %ge3A_384 = vector.broadcast %slice3A_382 : vector<256x1xf32> to vector<256x256xf32>
    %ge3A_385 = vector.broadcast %slice3A_383 : vector<1x256xf32> to vector<256x256xf32>
    %ge3A_386 = arith.cmpf oge, %ge3A_384, %ge3A_385 : vector<256x256xf32>
    %convert_element_type3A_387 = arith.extui %gt3A_381 : vector<256x256xi1> to vector<256x256xi32>
    %reduce_sum3A_388 = arith.constant dense<0> : vector<256xi32>
    %reduce_sum3A_389 = vector.multi_reduction <add>, %convert_element_type3A_387, %reduce_sum3A_388 [0] : vector<256x256xi32> to vector<256xi32>
    %broadcast_in_dim3A_390 = vector.shape_cast %reduce_sum3A_389 : vector<256xi32> to vector<1x256xi32>
    %add3A_391 = arith.addi %add3A_371, %broadcast_in_dim3A_390 : vector<1x256xi32>
    %convert_element_type3A_392 = arith.extui %ge3A_386 : vector<256x256xi1> to vector<256x256xi32>
    %reduce_sum3A_393 = arith.constant dense<0> : vector<256xi32>
    %reduce_sum3A_394 = vector.multi_reduction <add>, %convert_element_type3A_392, %reduce_sum3A_393 [0] : vector<256x256xi32> to vector<256xi32>
    %broadcast_in_dim3A_395 = vector.shape_cast %reduce_sum3A_394 : vector<256xi32> to vector<1x256xi32>
    %add3A_396 = arith.addi %add3A_276, %broadcast_in_dim3A_395 : vector<1x256xi32>
    %slice3A_397 = vector.extract_strided_slice %transpose3A {offsets = [0, 3], sizes = [256, 1], strides = [1, 1]} : vector<256x8xf32> to vector<256x1xf32>
    %slice3A_398 = vector.extract_strided_slice %get3A_2 {offsets = [2, 0], sizes = [1, 256], strides = [1, 1]} : vector<8x256xf32> to vector<1x256xf32>
    %gt3A_399 = vector.broadcast %slice3A_397 : vector<256x1xf32> to vector<256x256xf32>
    %gt3A_400 = vector.broadcast %slice3A_398 : vector<1x256xf32> to vector<256x256xf32>
    %gt3A_401 = arith.cmpf ogt, %gt3A_399, %gt3A_400 : vector<256x256xf32>
    %slice3A_402 = vector.extract_strided_slice %transpose3A {offsets = [0, 2], sizes = [256, 1], strides = [1, 1]} : vector<256x8xf32> to vector<256x1xf32>
    %slice3A_403 = vector.extract_strided_slice %get3A_2 {offsets = [3, 0], sizes = [1, 256], strides = [1, 1]} : vector<8x256xf32> to vector<1x256xf32>
    %ge3A_404 = vector.broadcast %slice3A_402 : vector<256x1xf32> to vector<256x256xf32>
    %ge3A_405 = vector.broadcast %slice3A_403 : vector<1x256xf32> to vector<256x256xf32>
    %ge3A_406 = arith.cmpf oge, %ge3A_404, %ge3A_405 : vector<256x256xf32>
    %convert_element_type3A_407 = arith.extui %gt3A_401 : vector<256x256xi1> to vector<256x256xi32>
    %reduce_sum3A_408 = arith.constant dense<0> : vector<256xi32>
    %reduce_sum3A_409 = vector.multi_reduction <add>, %convert_element_type3A_407, %reduce_sum3A_408 [0] : vector<256x256xi32> to vector<256xi32>
    %broadcast_in_dim3A_410 = vector.shape_cast %reduce_sum3A_409 : vector<256xi32> to vector<1x256xi32>
    %add3A_411 = arith.addi %add3A_296, %broadcast_in_dim3A_410 : vector<1x256xi32>
    %convert_element_type3A_412 = arith.extui %ge3A_406 : vector<256x256xi1> to vector<256x256xi32>
    %reduce_sum3A_413 = arith.constant dense<0> : vector<256xi32>
    %reduce_sum3A_414 = vector.multi_reduction <add>, %convert_element_type3A_412, %reduce_sum3A_413 [0] : vector<256x256xi32> to vector<256xi32>
    %broadcast_in_dim3A_415 = vector.shape_cast %reduce_sum3A_414 : vector<256xi32> to vector<1x256xi32>
    %add3A_416 = arith.addi %add3A_316, %broadcast_in_dim3A_415 : vector<1x256xi32>
    %slice3A_417 = vector.extract_strided_slice %transpose3A {offsets = [0, 4], sizes = [256, 1], strides = [1, 1]} : vector<256x8xf32> to vector<256x1xf32>
    %slice3A_418 = vector.extract_strided_slice %get3A_2 {offsets = [2, 0], sizes = [1, 256], strides = [1, 1]} : vector<8x256xf32> to vector<1x256xf32>
    %gt3A_419 = vector.broadcast %slice3A_417 : vector<256x1xf32> to vector<256x256xf32>
    %gt3A_420 = vector.broadcast %slice3A_418 : vector<1x256xf32> to vector<256x256xf32>
    %gt3A_421 = arith.cmpf ogt, %gt3A_419, %gt3A_420 : vector<256x256xf32>
    %slice3A_422 = vector.extract_strided_slice %transpose3A {offsets = [0, 2], sizes = [256, 1], strides = [1, 1]} : vector<256x8xf32> to vector<256x1xf32>
    %slice3A_423 = vector.extract_strided_slice %get3A_2 {offsets = [4, 0], sizes = [1, 256], strides = [1, 1]} : vector<8x256xf32> to vector<1x256xf32>
    %ge3A_424 = vector.broadcast %slice3A_422 : vector<256x1xf32> to vector<256x256xf32>
    %ge3A_425 = vector.broadcast %slice3A_423 : vector<1x256xf32> to vector<256x256xf32>
    %ge3A_426 = arith.cmpf oge, %ge3A_424, %ge3A_425 : vector<256x256xf32>
    %convert_element_type3A_427 = arith.extui %gt3A_421 : vector<256x256xi1> to vector<256x256xi32>
    %reduce_sum3A_428 = arith.constant dense<0> : vector<256xi32>
    %reduce_sum3A_429 = vector.multi_reduction <add>, %convert_element_type3A_427, %reduce_sum3A_428 [0] : vector<256x256xi32> to vector<256xi32>
    %broadcast_in_dim3A_430 = vector.shape_cast %reduce_sum3A_429 : vector<256xi32> to vector<1x256xi32>
    %add3A_431 = arith.addi %add3A_411, %broadcast_in_dim3A_430 : vector<1x256xi32>
    %convert_element_type3A_432 = arith.extui %ge3A_426 : vector<256x256xi1> to vector<256x256xi32>
    %reduce_sum3A_433 = arith.constant dense<0> : vector<256xi32>
    %reduce_sum3A_434 = vector.multi_reduction <add>, %convert_element_type3A_432, %reduce_sum3A_433 [0] : vector<256x256xi32> to vector<256xi32>
    %broadcast_in_dim3A_435 = vector.shape_cast %reduce_sum3A_434 : vector<256xi32> to vector<1x256xi32>
    %add3A_436 = arith.addi %add3A_336, %broadcast_in_dim3A_435 : vector<1x256xi32>
    %slice3A_437 = vector.extract_strided_slice %transpose3A {offsets = [0, 5], sizes = [256, 1], strides = [1, 1]} : vector<256x8xf32> to vector<256x1xf32>
    %slice3A_438 = vector.extract_strided_slice %get3A_2 {offsets = [2, 0], sizes = [1, 256], strides = [1, 1]} : vector<8x256xf32> to vector<1x256xf32>
    %gt3A_439 = vector.broadcast %slice3A_437 : vector<256x1xf32> to vector<256x256xf32>
    %gt3A_440 = vector.broadcast %slice3A_438 : vector<1x256xf32> to vector<256x256xf32>
    %gt3A_441 = arith.cmpf ogt, %gt3A_439, %gt3A_440 : vector<256x256xf32>
    %slice3A_442 = vector.extract_strided_slice %transpose3A {offsets = [0, 2], sizes = [256, 1], strides = [1, 1]} : vector<256x8xf32> to vector<256x1xf32>
    %slice3A_443 = vector.extract_strided_slice %get3A_2 {offsets = [5, 0], sizes = [1, 256], strides = [1, 1]} : vector<8x256xf32> to vector<1x256xf32>
    %ge3A_444 = vector.broadcast %slice3A_442 : vector<256x1xf32> to vector<256x256xf32>
    %ge3A_445 = vector.broadcast %slice3A_443 : vector<1x256xf32> to vector<256x256xf32>
    %ge3A_446 = arith.cmpf oge, %ge3A_444, %ge3A_445 : vector<256x256xf32>
    %convert_element_type3A_447 = arith.extui %gt3A_441 : vector<256x256xi1> to vector<256x256xi32>
    %reduce_sum3A_448 = arith.constant dense<0> : vector<256xi32>
    %reduce_sum3A_449 = vector.multi_reduction <add>, %convert_element_type3A_447, %reduce_sum3A_448 [0] : vector<256x256xi32> to vector<256xi32>
    %broadcast_in_dim3A_450 = vector.shape_cast %reduce_sum3A_449 : vector<256xi32> to vector<1x256xi32>
    %add3A_451 = arith.addi %add3A_431, %broadcast_in_dim3A_450 : vector<1x256xi32>
    %convert_element_type3A_452 = arith.extui %ge3A_446 : vector<256x256xi1> to vector<256x256xi32>
    %reduce_sum3A_453 = arith.constant dense<0> : vector<256xi32>
    %reduce_sum3A_454 = vector.multi_reduction <add>, %convert_element_type3A_452, %reduce_sum3A_453 [0] : vector<256x256xi32> to vector<256xi32>
    %broadcast_in_dim3A_455 = vector.shape_cast %reduce_sum3A_454 : vector<256xi32> to vector<1x256xi32>
    %add3A_456 = arith.addi %add3A_356, %broadcast_in_dim3A_455 : vector<1x256xi32>
    %slice3A_457 = vector.extract_strided_slice %transpose3A {offsets = [0, 6], sizes = [256, 1], strides = [1, 1]} : vector<256x8xf32> to vector<256x1xf32>
    %slice3A_458 = vector.extract_strided_slice %get3A_2 {offsets = [2, 0], sizes = [1, 256], strides = [1, 1]} : vector<8x256xf32> to vector<1x256xf32>
    %gt3A_459 = vector.broadcast %slice3A_457 : vector<256x1xf32> to vector<256x256xf32>
    %gt3A_460 = vector.broadcast %slice3A_458 : vector<1x256xf32> to vector<256x256xf32>
    %gt3A_461 = arith.cmpf ogt, %gt3A_459, %gt3A_460 : vector<256x256xf32>
    %slice3A_462 = vector.extract_strided_slice %transpose3A {offsets = [0, 2], sizes = [256, 1], strides = [1, 1]} : vector<256x8xf32> to vector<256x1xf32>
    %slice3A_463 = vector.extract_strided_slice %get3A_2 {offsets = [6, 0], sizes = [1, 256], strides = [1, 1]} : vector<8x256xf32> to vector<1x256xf32>
    %ge3A_464 = vector.broadcast %slice3A_462 : vector<256x1xf32> to vector<256x256xf32>
    %ge3A_465 = vector.broadcast %slice3A_463 : vector<1x256xf32> to vector<256x256xf32>
    %ge3A_466 = arith.cmpf oge, %ge3A_464, %ge3A_465 : vector<256x256xf32>
    %convert_element_type3A_467 = arith.extui %gt3A_461 : vector<256x256xi1> to vector<256x256xi32>
    %reduce_sum3A_468 = arith.constant dense<0> : vector<256xi32>
    %reduce_sum3A_469 = vector.multi_reduction <add>, %convert_element_type3A_467, %reduce_sum3A_468 [0] : vector<256x256xi32> to vector<256xi32>
    %broadcast_in_dim3A_470 = vector.shape_cast %reduce_sum3A_469 : vector<256xi32> to vector<1x256xi32>
    %add3A_471 = arith.addi %add3A_451, %broadcast_in_dim3A_470 : vector<1x256xi32>
    %convert_element_type3A_472 = arith.extui %ge3A_466 : vector<256x256xi1> to vector<256x256xi32>
    %reduce_sum3A_473 = arith.constant dense<0> : vector<256xi32>
    %reduce_sum3A_474 = vector.multi_reduction <add>, %convert_element_type3A_472, %reduce_sum3A_473 [0] : vector<256x256xi32> to vector<256xi32>
    %broadcast_in_dim3A_475 = vector.shape_cast %reduce_sum3A_474 : vector<256xi32> to vector<1x256xi32>
    %add3A_476 = arith.addi %add3A_376, %broadcast_in_dim3A_475 : vector<1x256xi32>
    %slice3A_477 = vector.extract_strided_slice %transpose3A {offsets = [0, 7], sizes = [256, 1], strides = [1, 1]} : vector<256x8xf32> to vector<256x1xf32>
    %slice3A_478 = vector.extract_strided_slice %get3A_2 {offsets = [2, 0], sizes = [1, 256], strides = [1, 1]} : vector<8x256xf32> to vector<1x256xf32>
    %gt3A_479 = vector.broadcast %slice3A_477 : vector<256x1xf32> to vector<256x256xf32>
    %gt3A_480 = vector.broadcast %slice3A_478 : vector<1x256xf32> to vector<256x256xf32>
    %gt3A_481 = arith.cmpf ogt, %gt3A_479, %gt3A_480 : vector<256x256xf32>
    %slice3A_482 = vector.extract_strided_slice %transpose3A {offsets = [0, 2], sizes = [256, 1], strides = [1, 1]} : vector<256x8xf32> to vector<256x1xf32>
    %slice3A_483 = vector.extract_strided_slice %get3A_2 {offsets = [7, 0], sizes = [1, 256], strides = [1, 1]} : vector<8x256xf32> to vector<1x256xf32>
    %ge3A_484 = vector.broadcast %slice3A_482 : vector<256x1xf32> to vector<256x256xf32>
    %ge3A_485 = vector.broadcast %slice3A_483 : vector<1x256xf32> to vector<256x256xf32>
    %ge3A_486 = arith.cmpf oge, %ge3A_484, %ge3A_485 : vector<256x256xf32>
    %convert_element_type3A_487 = arith.extui %gt3A_481 : vector<256x256xi1> to vector<256x256xi32>
    %reduce_sum3A_488 = arith.constant dense<0> : vector<256xi32>
    %reduce_sum3A_489 = vector.multi_reduction <add>, %convert_element_type3A_487, %reduce_sum3A_488 [0] : vector<256x256xi32> to vector<256xi32>
    %broadcast_in_dim3A_490 = vector.shape_cast %reduce_sum3A_489 : vector<256xi32> to vector<1x256xi32>
    %add3A_491 = arith.addi %add3A_471, %broadcast_in_dim3A_490 : vector<1x256xi32>
    %convert_element_type3A_492 = arith.extui %ge3A_486 : vector<256x256xi1> to vector<256x256xi32>
    %reduce_sum3A_493 = arith.constant dense<0> : vector<256xi32>
    %reduce_sum3A_494 = vector.multi_reduction <add>, %convert_element_type3A_492, %reduce_sum3A_493 [0] : vector<256x256xi32> to vector<256xi32>
    %broadcast_in_dim3A_495 = vector.shape_cast %reduce_sum3A_494 : vector<256xi32> to vector<1x256xi32>
    %add3A_496 = arith.addi %add3A_396, %broadcast_in_dim3A_495 : vector<1x256xi32>
    %slice3A_497 = vector.extract_strided_slice %transpose3A {offsets = [0, 4], sizes = [256, 1], strides = [1, 1]} : vector<256x8xf32> to vector<256x1xf32>
    %slice3A_498 = vector.extract_strided_slice %get3A_2 {offsets = [3, 0], sizes = [1, 256], strides = [1, 1]} : vector<8x256xf32> to vector<1x256xf32>
    %gt3A_499 = vector.broadcast %slice3A_497 : vector<256x1xf32> to vector<256x256xf32>
    %gt3A_500 = vector.broadcast %slice3A_498 : vector<1x256xf32> to vector<256x256xf32>
    %gt3A_501 = arith.cmpf ogt, %gt3A_499, %gt3A_500 : vector<256x256xf32>
    %slice3A_502 = vector.extract_strided_slice %transpose3A {offsets = [0, 3], sizes = [256, 1], strides = [1, 1]} : vector<256x8xf32> to vector<256x1xf32>
    %slice3A_503 = vector.extract_strided_slice %get3A_2 {offsets = [4, 0], sizes = [1, 256], strides = [1, 1]} : vector<8x256xf32> to vector<1x256xf32>
    %ge3A_504 = vector.broadcast %slice3A_502 : vector<256x1xf32> to vector<256x256xf32>
    %ge3A_505 = vector.broadcast %slice3A_503 : vector<1x256xf32> to vector<256x256xf32>
    %ge3A_506 = arith.cmpf oge, %ge3A_504, %ge3A_505 : vector<256x256xf32>
    %convert_element_type3A_507 = arith.extui %gt3A_501 : vector<256x256xi1> to vector<256x256xi32>
    %reduce_sum3A_508 = arith.constant dense<0> : vector<256xi32>
    %reduce_sum3A_509 = vector.multi_reduction <add>, %convert_element_type3A_507, %reduce_sum3A_508 [0] : vector<256x256xi32> to vector<256xi32>
    %broadcast_in_dim3A_510 = vector.shape_cast %reduce_sum3A_509 : vector<256xi32> to vector<1x256xi32>
    %add3A_511 = arith.addi %add3A_416, %broadcast_in_dim3A_510 : vector<1x256xi32>
    %convert_element_type3A_512 = arith.extui %ge3A_506 : vector<256x256xi1> to vector<256x256xi32>
    %reduce_sum3A_513 = arith.constant dense<0> : vector<256xi32>
    %reduce_sum3A_514 = vector.multi_reduction <add>, %convert_element_type3A_512, %reduce_sum3A_513 [0] : vector<256x256xi32> to vector<256xi32>
    %broadcast_in_dim3A_515 = vector.shape_cast %reduce_sum3A_514 : vector<256xi32> to vector<1x256xi32>
    %add3A_516 = arith.addi %add3A_436, %broadcast_in_dim3A_515 : vector<1x256xi32>
    %slice3A_517 = vector.extract_strided_slice %transpose3A {offsets = [0, 5], sizes = [256, 1], strides = [1, 1]} : vector<256x8xf32> to vector<256x1xf32>
    %slice3A_518 = vector.extract_strided_slice %get3A_2 {offsets = [3, 0], sizes = [1, 256], strides = [1, 1]} : vector<8x256xf32> to vector<1x256xf32>
    %gt3A_519 = vector.broadcast %slice3A_517 : vector<256x1xf32> to vector<256x256xf32>
    %gt3A_520 = vector.broadcast %slice3A_518 : vector<1x256xf32> to vector<256x256xf32>
    %gt3A_521 = arith.cmpf ogt, %gt3A_519, %gt3A_520 : vector<256x256xf32>
    %slice3A_522 = vector.extract_strided_slice %transpose3A {offsets = [0, 3], sizes = [256, 1], strides = [1, 1]} : vector<256x8xf32> to vector<256x1xf32>
    %slice3A_523 = vector.extract_strided_slice %get3A_2 {offsets = [5, 0], sizes = [1, 256], strides = [1, 1]} : vector<8x256xf32> to vector<1x256xf32>
    %ge3A_524 = vector.broadcast %slice3A_522 : vector<256x1xf32> to vector<256x256xf32>
    %ge3A_525 = vector.broadcast %slice3A_523 : vector<1x256xf32> to vector<256x256xf32>
    %ge3A_526 = arith.cmpf oge, %ge3A_524, %ge3A_525 : vector<256x256xf32>
    %convert_element_type3A_527 = arith.extui %gt3A_521 : vector<256x256xi1> to vector<256x256xi32>
    %reduce_sum3A_528 = arith.constant dense<0> : vector<256xi32>
    %reduce_sum3A_529 = vector.multi_reduction <add>, %convert_element_type3A_527, %reduce_sum3A_528 [0] : vector<256x256xi32> to vector<256xi32>
    %broadcast_in_dim3A_530 = vector.shape_cast %reduce_sum3A_529 : vector<256xi32> to vector<1x256xi32>
    %add3A_531 = arith.addi %add3A_511, %broadcast_in_dim3A_530 : vector<1x256xi32>
    %convert_element_type3A_532 = arith.extui %ge3A_526 : vector<256x256xi1> to vector<256x256xi32>
    %reduce_sum3A_533 = arith.constant dense<0> : vector<256xi32>
    %reduce_sum3A_534 = vector.multi_reduction <add>, %convert_element_type3A_532, %reduce_sum3A_533 [0] : vector<256x256xi32> to vector<256xi32>
    %broadcast_in_dim3A_535 = vector.shape_cast %reduce_sum3A_534 : vector<256xi32> to vector<1x256xi32>
    %add3A_536 = arith.addi %add3A_456, %broadcast_in_dim3A_535 : vector<1x256xi32>
    %slice3A_537 = vector.extract_strided_slice %transpose3A {offsets = [0, 6], sizes = [256, 1], strides = [1, 1]} : vector<256x8xf32> to vector<256x1xf32>
    %slice3A_538 = vector.extract_strided_slice %get3A_2 {offsets = [3, 0], sizes = [1, 256], strides = [1, 1]} : vector<8x256xf32> to vector<1x256xf32>
    %gt3A_539 = vector.broadcast %slice3A_537 : vector<256x1xf32> to vector<256x256xf32>
    %gt3A_540 = vector.broadcast %slice3A_538 : vector<1x256xf32> to vector<256x256xf32>
    %gt3A_541 = arith.cmpf ogt, %gt3A_539, %gt3A_540 : vector<256x256xf32>
    %slice3A_542 = vector.extract_strided_slice %transpose3A {offsets = [0, 3], sizes = [256, 1], strides = [1, 1]} : vector<256x8xf32> to vector<256x1xf32>
    %slice3A_543 = vector.extract_strided_slice %get3A_2 {offsets = [6, 0], sizes = [1, 256], strides = [1, 1]} : vector<8x256xf32> to vector<1x256xf32>
    %ge3A_544 = vector.broadcast %slice3A_542 : vector<256x1xf32> to vector<256x256xf32>
    %ge3A_545 = vector.broadcast %slice3A_543 : vector<1x256xf32> to vector<256x256xf32>
    %ge3A_546 = arith.cmpf oge, %ge3A_544, %ge3A_545 : vector<256x256xf32>
    %convert_element_type3A_547 = arith.extui %gt3A_541 : vector<256x256xi1> to vector<256x256xi32>
    %reduce_sum3A_548 = arith.constant dense<0> : vector<256xi32>
    %reduce_sum3A_549 = vector.multi_reduction <add>, %convert_element_type3A_547, %reduce_sum3A_548 [0] : vector<256x256xi32> to vector<256xi32>
    %broadcast_in_dim3A_550 = vector.shape_cast %reduce_sum3A_549 : vector<256xi32> to vector<1x256xi32>
    %add3A_551 = arith.addi %add3A_531, %broadcast_in_dim3A_550 : vector<1x256xi32>
    %convert_element_type3A_552 = arith.extui %ge3A_546 : vector<256x256xi1> to vector<256x256xi32>
    %reduce_sum3A_553 = arith.constant dense<0> : vector<256xi32>
    %reduce_sum3A_554 = vector.multi_reduction <add>, %convert_element_type3A_552, %reduce_sum3A_553 [0] : vector<256x256xi32> to vector<256xi32>
    %broadcast_in_dim3A_555 = vector.shape_cast %reduce_sum3A_554 : vector<256xi32> to vector<1x256xi32>
    %add3A_556 = arith.addi %add3A_476, %broadcast_in_dim3A_555 : vector<1x256xi32>
    %slice3A_557 = vector.extract_strided_slice %transpose3A {offsets = [0, 7], sizes = [256, 1], strides = [1, 1]} : vector<256x8xf32> to vector<256x1xf32>
    %slice3A_558 = vector.extract_strided_slice %get3A_2 {offsets = [3, 0], sizes = [1, 256], strides = [1, 1]} : vector<8x256xf32> to vector<1x256xf32>
    %gt3A_559 = vector.broadcast %slice3A_557 : vector<256x1xf32> to vector<256x256xf32>
    %gt3A_560 = vector.broadcast %slice3A_558 : vector<1x256xf32> to vector<256x256xf32>
    %gt3A_561 = arith.cmpf ogt, %gt3A_559, %gt3A_560 : vector<256x256xf32>
    %slice3A_562 = vector.extract_strided_slice %transpose3A {offsets = [0, 3], sizes = [256, 1], strides = [1, 1]} : vector<256x8xf32> to vector<256x1xf32>
    %slice3A_563 = vector.extract_strided_slice %get3A_2 {offsets = [7, 0], sizes = [1, 256], strides = [1, 1]} : vector<8x256xf32> to vector<1x256xf32>
    %ge3A_564 = vector.broadcast %slice3A_562 : vector<256x1xf32> to vector<256x256xf32>
    %ge3A_565 = vector.broadcast %slice3A_563 : vector<1x256xf32> to vector<256x256xf32>
    %ge3A_566 = arith.cmpf oge, %ge3A_564, %ge3A_565 : vector<256x256xf32>
    %convert_element_type3A_567 = arith.extui %gt3A_561 : vector<256x256xi1> to vector<256x256xi32>
    %reduce_sum3A_568 = arith.constant dense<0> : vector<256xi32>
    %reduce_sum3A_569 = vector.multi_reduction <add>, %convert_element_type3A_567, %reduce_sum3A_568 [0] : vector<256x256xi32> to vector<256xi32>
    %broadcast_in_dim3A_570 = vector.shape_cast %reduce_sum3A_569 : vector<256xi32> to vector<1x256xi32>
    %add3A_571 = arith.addi %add3A_551, %broadcast_in_dim3A_570 : vector<1x256xi32>
    %convert_element_type3A_572 = arith.extui %ge3A_566 : vector<256x256xi1> to vector<256x256xi32>
    %reduce_sum3A_573 = arith.constant dense<0> : vector<256xi32>
    %reduce_sum3A_574 = vector.multi_reduction <add>, %convert_element_type3A_572, %reduce_sum3A_573 [0] : vector<256x256xi32> to vector<256xi32>
    %broadcast_in_dim3A_575 = vector.shape_cast %reduce_sum3A_574 : vector<256xi32> to vector<1x256xi32>
    %add3A_576 = arith.addi %add3A_496, %broadcast_in_dim3A_575 : vector<1x256xi32>
    %slice3A_577 = vector.extract_strided_slice %transpose3A {offsets = [0, 5], sizes = [256, 1], strides = [1, 1]} : vector<256x8xf32> to vector<256x1xf32>
    %slice3A_578 = vector.extract_strided_slice %get3A_2 {offsets = [4, 0], sizes = [1, 256], strides = [1, 1]} : vector<8x256xf32> to vector<1x256xf32>
    %gt3A_579 = vector.broadcast %slice3A_577 : vector<256x1xf32> to vector<256x256xf32>
    %gt3A_580 = vector.broadcast %slice3A_578 : vector<1x256xf32> to vector<256x256xf32>
    %gt3A_581 = arith.cmpf ogt, %gt3A_579, %gt3A_580 : vector<256x256xf32>
    %slice3A_582 = vector.extract_strided_slice %transpose3A {offsets = [0, 4], sizes = [256, 1], strides = [1, 1]} : vector<256x8xf32> to vector<256x1xf32>
    %slice3A_583 = vector.extract_strided_slice %get3A_2 {offsets = [5, 0], sizes = [1, 256], strides = [1, 1]} : vector<8x256xf32> to vector<1x256xf32>
    %ge3A_584 = vector.broadcast %slice3A_582 : vector<256x1xf32> to vector<256x256xf32>
    %ge3A_585 = vector.broadcast %slice3A_583 : vector<1x256xf32> to vector<256x256xf32>
    %ge3A_586 = arith.cmpf oge, %ge3A_584, %ge3A_585 : vector<256x256xf32>
    %convert_element_type3A_587 = arith.extui %gt3A_581 : vector<256x256xi1> to vector<256x256xi32>
    %reduce_sum3A_588 = arith.constant dense<0> : vector<256xi32>
    %reduce_sum3A_589 = vector.multi_reduction <add>, %convert_element_type3A_587, %reduce_sum3A_588 [0] : vector<256x256xi32> to vector<256xi32>
    %broadcast_in_dim3A_590 = vector.shape_cast %reduce_sum3A_589 : vector<256xi32> to vector<1x256xi32>
    %add3A_591 = arith.addi %add3A_516, %broadcast_in_dim3A_590 : vector<1x256xi32>
    %convert_element_type3A_592 = arith.extui %ge3A_586 : vector<256x256xi1> to vector<256x256xi32>
    %reduce_sum3A_593 = arith.constant dense<0> : vector<256xi32>
    %reduce_sum3A_594 = vector.multi_reduction <add>, %convert_element_type3A_592, %reduce_sum3A_593 [0] : vector<256x256xi32> to vector<256xi32>
    %broadcast_in_dim3A_595 = vector.shape_cast %reduce_sum3A_594 : vector<256xi32> to vector<1x256xi32>
    %add3A_596 = arith.addi %add3A_536, %broadcast_in_dim3A_595 : vector<1x256xi32>
    %slice3A_597 = vector.extract_strided_slice %transpose3A {offsets = [0, 6], sizes = [256, 1], strides = [1, 1]} : vector<256x8xf32> to vector<256x1xf32>
    %slice3A_598 = vector.extract_strided_slice %get3A_2 {offsets = [4, 0], sizes = [1, 256], strides = [1, 1]} : vector<8x256xf32> to vector<1x256xf32>
    %gt3A_599 = vector.broadcast %slice3A_597 : vector<256x1xf32> to vector<256x256xf32>
    %gt3A_600 = vector.broadcast %slice3A_598 : vector<1x256xf32> to vector<256x256xf32>
    %gt3A_601 = arith.cmpf ogt, %gt3A_599, %gt3A_600 : vector<256x256xf32>
    %slice3A_602 = vector.extract_strided_slice %transpose3A {offsets = [0, 4], sizes = [256, 1], strides = [1, 1]} : vector<256x8xf32> to vector<256x1xf32>
    %slice3A_603 = vector.extract_strided_slice %get3A_2 {offsets = [6, 0], sizes = [1, 256], strides = [1, 1]} : vector<8x256xf32> to vector<1x256xf32>
    %ge3A_604 = vector.broadcast %slice3A_602 : vector<256x1xf32> to vector<256x256xf32>
    %ge3A_605 = vector.broadcast %slice3A_603 : vector<1x256xf32> to vector<256x256xf32>
    %ge3A_606 = arith.cmpf oge, %ge3A_604, %ge3A_605 : vector<256x256xf32>
    %convert_element_type3A_607 = arith.extui %gt3A_601 : vector<256x256xi1> to vector<256x256xi32>
    %reduce_sum3A_608 = arith.constant dense<0> : vector<256xi32>
    %reduce_sum3A_609 = vector.multi_reduction <add>, %convert_element_type3A_607, %reduce_sum3A_608 [0] : vector<256x256xi32> to vector<256xi32>
    %broadcast_in_dim3A_610 = vector.shape_cast %reduce_sum3A_609 : vector<256xi32> to vector<1x256xi32>
    %add3A_611 = arith.addi %add3A_591, %broadcast_in_dim3A_610 : vector<1x256xi32>
    %convert_element_type3A_612 = arith.extui %ge3A_606 : vector<256x256xi1> to vector<256x256xi32>
    %reduce_sum3A_613 = arith.constant dense<0> : vector<256xi32>
    %reduce_sum3A_614 = vector.multi_reduction <add>, %convert_element_type3A_612, %reduce_sum3A_613 [0] : vector<256x256xi32> to vector<256xi32>
    %broadcast_in_dim3A_615 = vector.shape_cast %reduce_sum3A_614 : vector<256xi32> to vector<1x256xi32>
    %add3A_616 = arith.addi %add3A_556, %broadcast_in_dim3A_615 : vector<1x256xi32>
    %slice3A_617 = vector.extract_strided_slice %transpose3A {offsets = [0, 7], sizes = [256, 1], strides = [1, 1]} : vector<256x8xf32> to vector<256x1xf32>
    %slice3A_618 = vector.extract_strided_slice %get3A_2 {offsets = [4, 0], sizes = [1, 256], strides = [1, 1]} : vector<8x256xf32> to vector<1x256xf32>
    %gt3A_619 = vector.broadcast %slice3A_617 : vector<256x1xf32> to vector<256x256xf32>
    %gt3A_620 = vector.broadcast %slice3A_618 : vector<1x256xf32> to vector<256x256xf32>
    %gt3A_621 = arith.cmpf ogt, %gt3A_619, %gt3A_620 : vector<256x256xf32>
    %slice3A_622 = vector.extract_strided_slice %transpose3A {offsets = [0, 4], sizes = [256, 1], strides = [1, 1]} : vector<256x8xf32> to vector<256x1xf32>
    %slice3A_623 = vector.extract_strided_slice %get3A_2 {offsets = [7, 0], sizes = [1, 256], strides = [1, 1]} : vector<8x256xf32> to vector<1x256xf32>
    %ge3A_624 = vector.broadcast %slice3A_622 : vector<256x1xf32> to vector<256x256xf32>
    %ge3A_625 = vector.broadcast %slice3A_623 : vector<1x256xf32> to vector<256x256xf32>
    %ge3A_626 = arith.cmpf oge, %ge3A_624, %ge3A_625 : vector<256x256xf32>
    %convert_element_type3A_627 = arith.extui %gt3A_621 : vector<256x256xi1> to vector<256x256xi32>
    %reduce_sum3A_628 = arith.constant dense<0> : vector<256xi32>
    %reduce_sum3A_629 = vector.multi_reduction <add>, %convert_element_type3A_627, %reduce_sum3A_628 [0] : vector<256x256xi32> to vector<256xi32>
    %broadcast_in_dim3A_630 = vector.shape_cast %reduce_sum3A_629 : vector<256xi32> to vector<1x256xi32>
    %add3A_631 = arith.addi %add3A_611, %broadcast_in_dim3A_630 : vector<1x256xi32>
    %convert_element_type3A_632 = arith.extui %ge3A_626 : vector<256x256xi1> to vector<256x256xi32>
    %reduce_sum3A_633 = arith.constant dense<0> : vector<256xi32>
    %reduce_sum3A_634 = vector.multi_reduction <add>, %convert_element_type3A_632, %reduce_sum3A_633 [0] : vector<256x256xi32> to vector<256xi32>
    %broadcast_in_dim3A_635 = vector.shape_cast %reduce_sum3A_634 : vector<256xi32> to vector<1x256xi32>
    %add3A_636 = arith.addi %add3A_576, %broadcast_in_dim3A_635 : vector<1x256xi32>
    %slice3A_637 = vector.extract_strided_slice %transpose3A {offsets = [0, 6], sizes = [256, 1], strides = [1, 1]} : vector<256x8xf32> to vector<256x1xf32>
    %slice3A_638 = vector.extract_strided_slice %get3A_2 {offsets = [5, 0], sizes = [1, 256], strides = [1, 1]} : vector<8x256xf32> to vector<1x256xf32>
    %gt3A_639 = vector.broadcast %slice3A_637 : vector<256x1xf32> to vector<256x256xf32>
    %gt3A_640 = vector.broadcast %slice3A_638 : vector<1x256xf32> to vector<256x256xf32>
    %gt3A_641 = arith.cmpf ogt, %gt3A_639, %gt3A_640 : vector<256x256xf32>
    %slice3A_642 = vector.extract_strided_slice %transpose3A {offsets = [0, 5], sizes = [256, 1], strides = [1, 1]} : vector<256x8xf32> to vector<256x1xf32>
    %slice3A_643 = vector.extract_strided_slice %get3A_2 {offsets = [6, 0], sizes = [1, 256], strides = [1, 1]} : vector<8x256xf32> to vector<1x256xf32>
    %ge3A_644 = vector.broadcast %slice3A_642 : vector<256x1xf32> to vector<256x256xf32>
    %ge3A_645 = vector.broadcast %slice3A_643 : vector<1x256xf32> to vector<256x256xf32>
    %ge3A_646 = arith.cmpf oge, %ge3A_644, %ge3A_645 : vector<256x256xf32>
    %convert_element_type3A_647 = arith.extui %gt3A_641 : vector<256x256xi1> to vector<256x256xi32>
    %reduce_sum3A_648 = arith.constant dense<0> : vector<256xi32>
    %reduce_sum3A_649 = vector.multi_reduction <add>, %convert_element_type3A_647, %reduce_sum3A_648 [0] : vector<256x256xi32> to vector<256xi32>
    %broadcast_in_dim3A_650 = vector.shape_cast %reduce_sum3A_649 : vector<256xi32> to vector<1x256xi32>
    %add3A_651 = arith.addi %add3A_596, %broadcast_in_dim3A_650 : vector<1x256xi32>
    %convert_element_type3A_652 = arith.extui %ge3A_646 : vector<256x256xi1> to vector<256x256xi32>
    %reduce_sum3A_653 = arith.constant dense<0> : vector<256xi32>
    %reduce_sum3A_654 = vector.multi_reduction <add>, %convert_element_type3A_652, %reduce_sum3A_653 [0] : vector<256x256xi32> to vector<256xi32>
    %broadcast_in_dim3A_655 = vector.shape_cast %reduce_sum3A_654 : vector<256xi32> to vector<1x256xi32>
    %add3A_656 = arith.addi %add3A_616, %broadcast_in_dim3A_655 : vector<1x256xi32>
    %slice3A_657 = vector.extract_strided_slice %transpose3A {offsets = [0, 7], sizes = [256, 1], strides = [1, 1]} : vector<256x8xf32> to vector<256x1xf32>
    %slice3A_658 = vector.extract_strided_slice %get3A_2 {offsets = [5, 0], sizes = [1, 256], strides = [1, 1]} : vector<8x256xf32> to vector<1x256xf32>
    %gt3A_659 = vector.broadcast %slice3A_657 : vector<256x1xf32> to vector<256x256xf32>
    %gt3A_660 = vector.broadcast %slice3A_658 : vector<1x256xf32> to vector<256x256xf32>
    %gt3A_661 = arith.cmpf ogt, %gt3A_659, %gt3A_660 : vector<256x256xf32>
    %slice3A_662 = vector.extract_strided_slice %transpose3A {offsets = [0, 5], sizes = [256, 1], strides = [1, 1]} : vector<256x8xf32> to vector<256x1xf32>
    %slice3A_663 = vector.extract_strided_slice %get3A_2 {offsets = [7, 0], sizes = [1, 256], strides = [1, 1]} : vector<8x256xf32> to vector<1x256xf32>
    %ge3A_664 = vector.broadcast %slice3A_662 : vector<256x1xf32> to vector<256x256xf32>
    %ge3A_665 = vector.broadcast %slice3A_663 : vector<1x256xf32> to vector<256x256xf32>
    %ge3A_666 = arith.cmpf oge, %ge3A_664, %ge3A_665 : vector<256x256xf32>
    %convert_element_type3A_667 = arith.extui %gt3A_661 : vector<256x256xi1> to vector<256x256xi32>
    %reduce_sum3A_668 = arith.constant dense<0> : vector<256xi32>
    %reduce_sum3A_669 = vector.multi_reduction <add>, %convert_element_type3A_667, %reduce_sum3A_668 [0] : vector<256x256xi32> to vector<256xi32>
    %broadcast_in_dim3A_670 = vector.shape_cast %reduce_sum3A_669 : vector<256xi32> to vector<1x256xi32>
    %add3A_671 = arith.addi %add3A_651, %broadcast_in_dim3A_670 : vector<1x256xi32>
    %convert_element_type3A_672 = arith.extui %ge3A_666 : vector<256x256xi1> to vector<256x256xi32>
    %reduce_sum3A_673 = arith.constant dense<0> : vector<256xi32>
    %reduce_sum3A_674 = vector.multi_reduction <add>, %convert_element_type3A_672, %reduce_sum3A_673 [0] : vector<256x256xi32> to vector<256xi32>
    %broadcast_in_dim3A_675 = vector.shape_cast %reduce_sum3A_674 : vector<256xi32> to vector<1x256xi32>
    %add3A_676 = arith.addi %add3A_636, %broadcast_in_dim3A_675 : vector<1x256xi32>
    %slice3A_677 = vector.extract_strided_slice %transpose3A {offsets = [0, 7], sizes = [256, 1], strides = [1, 1]} : vector<256x8xf32> to vector<256x1xf32>
    %slice3A_678 = vector.extract_strided_slice %get3A_2 {offsets = [6, 0], sizes = [1, 256], strides = [1, 1]} : vector<8x256xf32> to vector<1x256xf32>
    %gt3A_679 = vector.broadcast %slice3A_677 : vector<256x1xf32> to vector<256x256xf32>
    %gt3A_680 = vector.broadcast %slice3A_678 : vector<1x256xf32> to vector<256x256xf32>
    %gt3A_681 = arith.cmpf ogt, %gt3A_679, %gt3A_680 : vector<256x256xf32>
    %slice3A_682 = vector.extract_strided_slice %transpose3A {offsets = [0, 6], sizes = [256, 1], strides = [1, 1]} : vector<256x8xf32> to vector<256x1xf32>
    %slice3A_683 = vector.extract_strided_slice %get3A_2 {offsets = [7, 0], sizes = [1, 256], strides = [1, 1]} : vector<8x256xf32> to vector<1x256xf32>
    %ge3A_684 = vector.broadcast %slice3A_682 : vector<256x1xf32> to vector<256x256xf32>
    %ge3A_685 = vector.broadcast %slice3A_683 : vector<1x256xf32> to vector<256x256xf32>
    %ge3A_686 = arith.cmpf oge, %ge3A_684, %ge3A_685 : vector<256x256xf32>
    %convert_element_type3A_687 = arith.extui %gt3A_681 : vector<256x256xi1> to vector<256x256xi32>
    %reduce_sum3A_688 = arith.constant dense<0> : vector<256xi32>
    %reduce_sum3A_689 = vector.multi_reduction <add>, %convert_element_type3A_687, %reduce_sum3A_688 [0] : vector<256x256xi32> to vector<256xi32>
    %broadcast_in_dim3A_690 = vector.shape_cast %reduce_sum3A_689 : vector<256xi32> to vector<1x256xi32>
    %add3A_691 = arith.addi %add3A_656, %broadcast_in_dim3A_690 : vector<1x256xi32>
    %convert_element_type3A_692 = arith.extui %ge3A_686 : vector<256x256xi1> to vector<256x256xi32>
    %reduce_sum3A_693 = arith.constant dense<0> : vector<256xi32>
    %reduce_sum3A_694 = vector.multi_reduction <add>, %convert_element_type3A_692, %reduce_sum3A_693 [0] : vector<256x256xi32> to vector<256xi32>
    %broadcast_in_dim3A_695 = vector.shape_cast %reduce_sum3A_694 : vector<256xi32> to vector<1x256xi32>
    %add3A_696 = arith.addi %add3A_676, %broadcast_in_dim3A_695 : vector<1x256xi32>
    %add3A_697 = vector.broadcast %mul3A_0 : i32 to vector<1x256xi32>
    %add3A_698 = arith.addi %add3A_271, %add3A_697 : vector<1x256xi32>
    %swap3A = arith.constant 0 : index
    %swap3A_699 = arith.constant 0 : index
    %swap3A_700 = vector.load %arg2[%swap3A, %swap3A_699] : memref<8x256xi32, #tpu.memory_space<vmem>>, vector<1x256xi32>
    tpu.vector_store %arg2[%swap3A, %swap3A_699], %add3A_698 {strides = array<i32>} : memref<8x256xi32, #tpu.memory_space<vmem>>, vector<1x256xi32>,
    %add3A_701 = vector.broadcast %mul3A_0 : i32 to vector<1x256xi32>
    %add3A_702 = arith.addi %add3A_391, %add3A_701 : vector<1x256xi32>
    %swap3A_703 = arith.constant 1 : index
    %swap3A_704 = arith.constant 0 : index
    %swap3A_705 = vector.load %arg2[%swap3A_703, %swap3A_704] : memref<8x256xi32, #tpu.memory_space<vmem>>, vector<1x256xi32>
    tpu.vector_store %arg2[%swap3A_703, %swap3A_704], %add3A_702 {strides = array<i32>} : memref<8x256xi32, #tpu.memory_space<vmem>>, vector<1x256xi32>,
    %add3A_706 = vector.broadcast %mul3A_0 : i32 to vector<1x256xi32>
    %add3A_707 = arith.addi %add3A_491, %add3A_706 : vector<1x256xi32>
    %swap3A_708 = arith.constant 2 : index
    %swap3A_709 = arith.constant 0 : index
    %swap3A_710 = vector.load %arg2[%swap3A_708, %swap3A_709] : memref<8x256xi32, #tpu.memory_space<vmem>>, vector<1x256xi32>
    tpu.vector_store %arg2[%swap3A_708, %swap3A_709], %add3A_707 {strides = array<i32>} : memref<8x256xi32, #tpu.memory_space<vmem>>, vector<1x256xi32>,
    %add3A_711 = vector.broadcast %mul3A_0 : i32 to vector<1x256xi32>
    %add3A_712 = arith.addi %add3A_571, %add3A_711 : vector<1x256xi32>
    %swap3A_713 = arith.constant 3 : index
    %swap3A_714 = arith.constant 0 : index
    %swap3A_715 = vector.load %arg2[%swap3A_713, %swap3A_714] : memref<8x256xi32, #tpu.memory_space<vmem>>, vector<1x256xi32>
    tpu.vector_store %arg2[%swap3A_713, %swap3A_714], %add3A_712 {strides = array<i32>} : memref<8x256xi32, #tpu.memory_space<vmem>>, vector<1x256xi32>,
    %add3A_716 = vector.broadcast %mul3A_0 : i32 to vector<1x256xi32>
    %add3A_717 = arith.addi %add3A_631, %add3A_716 : vector<1x256xi32>
    %swap3A_718 = arith.constant 4 : index
    %swap3A_719 = arith.constant 0 : index
    %swap3A_720 = vector.load %arg2[%swap3A_718, %swap3A_719] : memref<8x256xi32, #tpu.memory_space<vmem>>, vector<1x256xi32>
    tpu.vector_store %arg2[%swap3A_718, %swap3A_719], %add3A_717 {strides = array<i32>} : memref<8x256xi32, #tpu.memory_space<vmem>>, vector<1x256xi32>,
    %add3A_721 = vector.broadcast %mul3A_0 : i32 to vector<1x256xi32>
    %add3A_722 = arith.addi %add3A_671, %add3A_721 : vector<1x256xi32>
    %swap3A_723 = arith.constant 5 : index
    %swap3A_724 = arith.constant 0 : index
    %swap3A_725 = vector.load %arg2[%swap3A_723, %swap3A_724] : memref<8x256xi32, #tpu.memory_space<vmem>>, vector<1x256xi32>
    tpu.vector_store %arg2[%swap3A_723, %swap3A_724], %add3A_722 {strides = array<i32>} : memref<8x256xi32, #tpu.memory_space<vmem>>, vector<1x256xi32>,
    %add3A_726 = vector.broadcast %mul3A_0 : i32 to vector<1x256xi32>
    %add3A_727 = arith.addi %add3A_691, %add3A_726 : vector<1x256xi32>
    %swap3A_728 = arith.constant 6 : index
    %swap3A_729 = arith.constant 0 : index
    %swap3A_730 = vector.load %arg2[%swap3A_728, %swap3A_729] : memref<8x256xi32, #tpu.memory_space<vmem>>, vector<1x256xi32>
    tpu.vector_store %arg2[%swap3A_728, %swap3A_729], %add3A_727 {strides = array<i32>} : memref<8x256xi32, #tpu.memory_space<vmem>>, vector<1x256xi32>,
    %add3A_731 = vector.broadcast %mul3A_0 : i32 to vector<1x256xi32>
    %add3A_732 = arith.addi %add3A_696, %add3A_731 : vector<1x256xi32>
    %swap3A_733 = arith.constant 7 : index
    %swap3A_734 = arith.constant 0 : index
    %swap3A_735 = vector.load %arg2[%swap3A_733, %swap3A_734] : memref<8x256xi32, #tpu.memory_space<vmem>>, vector<1x256xi32>
    tpu.vector_store %arg2[%swap3A_733, %swap3A_734], %add3A_732 {strides = array<i32>} : memref<8x256xi32, #tpu.memory_space<vmem>>, vector<1x256xi32>,
    return
  }
  func.func @transform_0(%arg0: i32) -> (i32, i32) {
    %c0_i32 = arith.constant 0 : i32
    %c0_i32_0 = arith.constant 0 : i32
    return %arg0, %c0_i32 : i32, i32
  }
  func.func @transform_1(%arg0: i32) -> (i32, i32) {
    %c0_i32 = arith.constant 0 : i32
    %c0_i32_0 = arith.constant 0 : i32
    return %arg0, %c0_i32 : i32, i32
  }
}

</mosaic_0001>

<sc_bundles>
// kernel: kernel.4.cloned.1.call-start
scs
__scs_entry_jumppad:
0x0: {  	(pc) =	sbr.rel $0x88, $3  }
0x1: {  	(tag) =	ssettag $0x0;
	lr =	simm.s32 $0x1  }
0x2: {  	[smem:$0x3F9D] =	sst lr;
	_ =	strace $0xD0000000  }
0x3: {  	_ = 	snop  }
0x4: {  	_ = 	snop  }
0x5: {  	_ = 	snop  }
0x6: {  	_ = 	snop  }
0x7: {  	_ = 	snop  }
__scs_overlays_trampoline_lowered:
0x8: {  	[smem:$0x3FAC] =	sst s0  }
0x9: {  	[smem:$0x3FAD] =	sst s1  }
0xa: {  	[smem:$0x3FAE] =	sst s2  }
0xb: {  	[smem:$0x3FAF] =	sst s3  }
0xc: {  	[smem:$0x3FB0] =	sst s4  }
0xd: {  	[smem:$0x3FB1] =	sst s5  }
0xe: {  	[smem:$0x3FB2] =	sst s6  }
0xf: {  	[smem:$0x3FB3] =	sst s7  }
0x10: {  	[smem:$0x3FB4] =	sst s8  }
0x11: {  	[smem:$0x3FB5] =	sst s9;
	s0 =	simm.s32 @!p0 $0x0  }
0x12: {  	s1 =	sld [smem:$0x3F9B];
	s0 =	simm.s32 @p0 $0x1  }
0x13: {  	[smem:$0x3FB6] =	sst s0;
	s0 =	simm.s32 @!p1 $0x0  }
0x14: {  	s2 =	sld [smem:$0x3F9A];
	s0 =	simm.s32 @p1 $0x1  }
0x15: {  	[smem:$0x3FB7] =	sst s0;
	s0 =	simm.s32 @!p2 $0x0  }
0x16: {  	s3 =	sld [smem:$0x3FDB];
	s0 =	simm.s32 @p2 $0x1  }
0x17: {  	s4 =	simm.s32 $0x1BF5;
	[smem:$0x3FB9] =	sst s0  }
0x18: {  	s0 =	sld [smem:$0x3F9C];
	_ =	swait.ge [sflag:s4], $0x0  }
0x19: {  	s7 =	sld [smem:$0x3F9D]  }
0x1a: {  	s8 =	sadd.s32 $0xFFFFE003, lr  }
0x1b: {  	s9 =	sadd.s32 $0xFFFFFEF7, lr;
	s5 =	simm.s32 $0xFFFFFFFF;
	p2 =	slt.u32 s8, $0xFFFFF086  }
0x1c: {  	p1 =	slt.u32 s9, $0xF7A;
	s5 =	simm.s32 @!p2 $0x0  }
0x1d: {  	s5 =	simm.s32 @p1 $0x1;
	p0 =	seq.s32 s7, s2  }
0x1e: {  	s7 =	smul.u32 @!p0 $0xF7A, s2;
	p2 =	seq.s32 @!p0 s5, $0x0  }
0x1f: {  	s9 =	smul.u32 $0xF7A, s1;
	s8 =	simm.s32 @!p0 $0x1BF5;
	p2 =	por !p2, p0  }
0x20: {  	[sflag:s8] =	ssyncset.s32 @!p0 $0xFFFFF086;
	s6 =	sadd.s32 @!p0 s3, s7;
	s7 =	simm.s32 @!p0 $0x108  }
0x21: {  	s3 =	sadd.s32 s3, s9;
	s6 =	sadd.s32 @!p0 $0x88, s6;
	s7 =	simm.s32 @p2 $0x1082  }
0x22: {  	[simem:s7], [sflag:s8] =	dma.local @!p0 [hbm:s6], $0xF7A  }
0x23: {  	s9 =	sor.u32 $0xD0000000, s2;
	s6 =	simm.s32 $0x108;
	_ =	swait.ge @!p0 [sflag:s8], $0x0  }
0x24: {  	s3 =	sadd.s32 $0x88, s3;
	s6 =	simm.s32 @!p1 $0x1082;
	[sflag:s4] =	ssyncset.s32 $0xFFFFF086  }
0x25: {  	[simem:s6], [sflag:s4] =	dma.local [hbm:s3], $0xF7A  }
0x26: {  	[smem:$0x3F9D] =	sst s1;
	(tag) =	ssettag s2;
	_ =	strace s9  }
0x27: {  	s1 =	sld [smem:$0x3FAD]  }
0x28: {  	s2 =	sld [smem:$0x3FAE]  }
0x29: {  	s4 =	sld [smem:$0x3FB0]  }
0x2a: {  	p0 =	seq.s32 s5, $0x0;
	s5 =	sld [smem:$0x3FB1]  }
0x2b: {  	s6 =	sld [smem:$0x3FB2]  }
0x2c: {  	s7 =	sld [smem:$0x3FB3]  }
0x2d: {  	s3 =	simm.s32 $0x108;
	s8 =	sld [smem:$0x3FB4]  }
0x2e: {  	s3 =	simm.s32 @!p0 $0x1082;
	s9 =	sld [smem:$0x3FB5]  }
0x2f: {  	lr =	sadd.s32 s0, s3;
	s0 =	sld [smem:$0x3FAC]  }
0x30: {  	s3 =	sld [smem:$0x3FAF]  }
0x31: {  	[smem:$0x3FB8] =	sst s10  }
0x32: {  	s10 =	sld [smem:$0x3FB6];
	_ =	sdelay $0x3  }
0x33: {  	p0 =	seq.s32 s10, $0x1;
	s10 =	sld [smem:$0x3FB8];
	_ =	sdelay $0x3  }
0x34: {  	[smem:$0x3FB8] =	sst s10  }
0x35: {  	s10 =	sld [smem:$0x3FB7];
	_ =	sdelay $0x3  }
0x36: {  	p1 =	seq.s32 s10, $0x1;
	s10 =	sld [smem:$0x3FB8];
	_ =	sdelay $0x3  }
0x37: {  	[smem:$0x3FB8] =	sst s10  }
0x38: {  	s10 =	sld [smem:$0x3FB9]  }
0x39: {  	_ = 	snop;
	(pc) =	sbr.ind lr, $3  }
0x3a: {  	_ = 	snop  }
0x3b: {  	_ = 	snop  }
0x3c: {  	p2 =	seq.s32 s10, $0x1;
	s10 =	sld [smem:$0x3FB8]  }
0x3d: {  	_ =	shalt  }
0x3e: {  	_ =	shalt  }
0x3f: {  	_ =	shalt  }
0x40: {  	_ =	shalt  }
0x41: {  	_ =	shalt  }
0x42: {  	_ =	shalt  }
0x43: {  	_ =	shalt  }
0x44: {  	_ =	shalt  }
0x45: {  	_ =	shalt  }
0x46: {  	_ =	shalt  }
0x47: {  	_ =	shalt  }
0x48: {  	_ =	shalt  }
0x49: {  	_ =	shalt  }
0x4a: {  	_ =	shalt  }
0x4b: {  	_ =	shalt  }
0x4c: {  	_ =	shalt  }
0x4d: {  	_ =	shalt  }
0x4e: {  	_ =	shalt  }
0x4f: {  	_ =	shalt  }
0x50: {  	_ =	shalt  }
0x51: {  	_ =	shalt  }
0x52: {  	_ =	shalt  }
0x53: {  	_ =	shalt  }
0x54: {  	_ =	shalt  }
0x55: {  	_ =	shalt  }
0x56: {  	_ =	shalt  }
0x57: {  	_ =	shalt  }
0x58: {  	_ =	shalt  }
0x59: {  	_ =	shalt  }
0x5a: {  	_ =	shalt  }
0x5b: {  	_ =	shalt  }
0x5c: {  	_ =	shalt  }
0x5d: {  	_ =	shalt  }
0x5e: {  	_ =	shalt  }
0x5f: {  	_ =	shalt  }
0x60: {  	_ =	shalt  }
0x61: {  	_ =	shalt  }
0x62: {  	_ =	shalt  }
0x63: {  	_ =	shalt  }
0x64: {  	_ =	shalt  }
0x65: {  	_ =	shalt  }
0x66: {  	_ =	shalt  }
0x67: {  	_ =	shalt  }
0x68: {  	_ =	shalt  }
0x69: {  	_ =	shalt  }
0x6a: {  	_ =	shalt  }
0x6b: {  	_ =	shalt  }
0x6c: {  	_ =	shalt  }
0x6d: {  	_ =	shalt  }
0x6e: {  	_ =	shalt  }
0x6f: {  	_ =	shalt  }
0x70: {  	_ =	shalt  }
0x71: {  	_ =	shalt  }
0x72: {  	_ =	shalt  }
0x73: {  	_ =	shalt  }
0x74: {  	_ =	shalt  }
0x75: {  	_ =	shalt  }
0x76: {  	_ =	shalt  }
0x77: {  	_ =	shalt  }
0x78: {  	_ =	shalt  }
0x79: {  	_ =	shalt  }
0x7a: {  	_ =	shalt  }
0x7b: {  	_ =	shalt  }
0x7c: {  	_ =	shalt  }
0x7d: {  	_ =	shalt  }
0x7e: {  	_ =	shalt  }
0x7f: {  	_ =	shalt  }
0x80: {  	_ =	shalt  }
0x81: {  	_ =	shalt  }
0x82: {  	_ =	shalt  }
0x83: {  	_ =	shalt  }
0x84: {  	_ =	shalt  }
0x85: {  	_ =	shalt  }
0x86: {  	_ =	shalt  }
0x87: {  	_ =	shalt  }
.Lfunc_end0:
.L_simem_size_0:
called_computation_lowered:
.L_overlay_start_0:
0x88: {  	s2 =	sld [smem:$0x3FD9]  }
0x89: {  	s3 =	sld [smem:$0x3FFE];
	_ =	sdelay $0x1  }
0x8a: {  	s1 =	srdreg.scid  }
0x8b: {  	s0 =	sand.u32 $0x1, s1  }
0x8c: {  	s14 =	sshll.u32 s0, $0xA;
	s2 =	sadd.s32 s3, s2  }
0x8d: {  	s2 =	sadd.s32 s2, s14  }
0x8e: {  	[smem:$0x3FC4] =	sst s2  }
0x8f: {  	_ = 	snop  }
0x90: {  	s2 =	sld [smem:$0x3FD0];
	_ =	sdelay $0x2  }
0x91: {  	s4 =	simm.s32 $0xA;
	s5 =	simm.s32 $0x10;
	s15 =	sld [smem:$0x3FC9]  }
0x92: {  	[smem:s5], [sflag:s4] =	dma.local [hbm:s2], $0x1  }
0x93: {  	_ =	swait.eq [sflag:s4], $0x1  }
0x94: {  	[sflag:s4] =	ssyncset.done $0x0  }
0x95: {  	[sflag:s4] =	ssyncadd.s32 $0xFFFFFFFF  }
0x96: {  	s16 =	sld [smem:$0x10];
	(tm) =	ssettm $0x1  }
0x97: {  	s17 =	sld [smem:$0x3FFB];
	_ =	sdelay $0x3  }
0x98: {  	_ =	strace s17  }
0x99: {  	s4 =	sld [smem:$0x3FFC];
	_ =	sdelay $0x3  }
0x9a: {  	_ =	strace s4  }
0x9b: {  	s4 =	sld [smem:$0x3FFD];
	_ =	sdelay $0x3  }
0x9c: {  	_ =	strace s4  }
0x9d: {  	_ =	strace $0x8FFFFFFF  }
0x9e: {  	s18 =	sld [smem:$0x3FDB];
	_ =	sdelay $0x1  }
0x9f: {  	s19 =	simm.s32 $_scs_section_size  }
0xa0: {  	s6 =	simm.s32 $_size__tile_overlayer_lowered;
	s7 =	simm.s32 $_tile_overlayer_lowered  }
0xa1: {  	s22 =	simm.s32 $0x1BFF;
	s21 =	sshll.u32 s7, $0x1;
	s4 =	sadd.s32 s19, s18  }
0xa2: {  	s8 =	simm.s32 $0x0;
	s20 =	sshll.u32 s6, $0x1;
	s6 =	sadd.s32 s21, s4  }
0xa3: {  	[timem:s8], [sflag:s22] =	dma.local [hbm:s6], s20  }
0xa4: {  	_ =	swait.ge [sflag:s22], s20  }
0xa5: {  	s5 =	ssub.s32 $0x0, s20;
	[sflag:s22] =	ssyncset.done $0x0  }
0xa6: {  	[sflag:s22] =	ssyncadd.s32 s5;
	_ =	sdelay $0x1  }
0xa7: {  	s23 =	simm.s32 $0x1B8B  }
0xa8: {  	_ =	swait.ge [sflag:s23], $0x1  }
0xa9: {  	[sflag:s23] =	ssyncset.done $0x0  }
0xaa: {  	s25 =	simm.s32 $0x1B8E;
	s24 =	sld [smem:$0x3FFE];
	[sflag:s23] =	ssyncadd.s32 $0xFFFFFFFF  }
0xab: {  	s26 =	simm.s32 $execute0_lowered;
	[smem:$0x3FD2] =	sst s25  }
0xac: {  	s6 =	sshll.u32 s26, $0x1;
	_ =	strace $0x80000046;
	[dreg:$0x1] =	wrdreg $0xFFFFFFFF  }
0xad: {  	s28 =	simm.s32 $_size_execute0_lowered;
	s4 =	sadd.s32 s4, s6;
	[dreg:$0x0] =	wrdreg $0x0  }
0xae: {  	s6 =	sshll.u32 s28, $0x1;
	[dreg:$0x2] =	wrdreg s4  }
0xaf: {  	[dreg:$0x3] =	wrdreg s6  }
0xb0: {  	[dreg:$0x4] =	wrdreg $0xC0  }
0xb1: {  	_ =	task [dreg:s8], $0x5FFFF  }
0xb2: {  	[dreg:$0x1] =	wrdreg $0xFFFFFFFF  }
0xb3: {  	[dreg:$0x0] =	wrdreg $0x60  }
0xb4: {  	[dreg:$0x2] =	wrdreg s15  }
0xb5: {  	[dreg:$0x3] =	wrdreg s24  }
0xb6: {  	[dreg:$0x4] =	wrdreg s16  }
0xb7: {  	[dreg:$0x5] =	wrdreg $0x9  }
0xb8: {  	_ =	task.clear_ibuf [dreg:s8], $0x6FFFF;
	_ =	strace $0x90000046  }
0xb9: {  	s29 =	simm.s32 $0x9;
	_ =	strace $0x80000048  }
0xba: {  	_ =	swait.ge [sflag:s29], $0x1  }
0xbb: {  	[sflag:s29] =	ssyncadd.s32 $0xFFFFFFFF  }
0xbc: {  	_ =	strace $0x90000048  }
0xbd: {  	_ =	sfence  }
0xbe: {  	s30 =	sld [smem:$0x0];
	_ =	sdelay $0x2  }
0xbf: {  	s31 =	sshll.u32 s1, $0xD;
	s1 =	sshrl.u32 s1, $0x2  }
0xc0: {  	s3 =	sand.u32 $0x4000, s31;
	s1 =	sadd.s32 s1, s30  }
0xc1: {  	s0 =	sor.u32 s3, s0;
	s1 =	sshll.u32 s1, $0x11  }
0xc2: {  	s0 =	sor.u32 s1, s0  }
0xc3: {  	s0 =	sadd.s32 $0x8F2B, s0  }
0xc4: {  	[sflag:s0] =	ssyncadd.remote.s32 $0x1  }
0xc5: {  	_ =	sfence.sel $0xFFFF  }
0xc6: {  	[dreg:$0x0] =	wrdreg $0xFFFFFFFF;
	(pc) =	sbr.abs _section_cstart, $3  }
0xc7: {  	[dreg:$0x1] =	wrdreg $0xFFFFFFFF  }
0xc8: {  	_ =	task.clear_ibuf [dreg:s8], $0x2FFFF;
	_ =	strace $0x9FFFFFFF  }
0xc9: {  	(tm) =	ssettm $0x7FFFFFFF  }
tec
execute0_lowered:
.L_overlay_start_1:
0x0: {  	(tag) =	ssettag $0x1  }
0x1: {  	s1 =	rddreg [dreg:$0x0]  }
0x2: {  	s0 =	srdreg.scid;
	s3 =	stileid.u32  }
0x3: {  	s2 =	rddreg [dreg:$0x1];
	s26 =	simm.s32 $0x80;
	s28 =	simm.s32 $0x100  }
0x4: {  	s29 =	simm.s32 $0x180;
	s30 =	simm.s32 $0x200;
	s31 =	simm.s32 $0x3  }
0x5: {  	s0 =	sand.u32 $0x1, s0;
	s4 =	sshll.u32 s3, $0x1;
	s3 =	rddreg [dreg:$0x2]  }
0x6: {  	s10 =	sadd.s32 $0x600, s2;
	s5 =	sor.u32 s0, s4;
	s4 =	simm.s32 $0x0  }
0x7: {  	s8 =	sshll.u32 s0, $0x9;
	s0 =	ssub.s32 $0x2, s0;
	s6 =	sshll.u32 s5, $0x9  }
0x8: {  	[smem:$0x7FF] =	sst s4;
	s15 =	sshll.u32 s5, $0x8;
	s5 =	sshll.u32 s5, $0xE  }
0x9: {  	s25 =	sshrl.u32 s0, $0x1;
	_ =	strace $0x80000047;
	[dreg:$0xc] =	wrdreg s26  }
0xa: {  	s7 =	sand.u32 $0x3C00, s6;
	s9 =	sand.u32 $0x3800, s6;
	[dreg:$0xd] =	wrdreg s28  }
0xb: {  	s11 =	sor.u32 $0x100, s6;
	s6 =	sor.u32 $0x180, s6;
	[dreg:$0xe] =	wrdreg s29  }
0xc: {  	s5 =	sadd.s32 s1, s5;
	[dreg:$0xf] =	wrdreg s30;
	s7 =	sor.u32 s8, s7  }
0xd: {  	s8 =	sand.u32 $0x300, s15;
	s13 =	sshrl.u32 s11, $0x1;
	s17 =	sshrl.u32 s6, $0x1  }
0xe: {  	[dreg:$0x10] =	wrdreg s5;
	s20 =	sadd.s32 $0x1000, s5;
	s21 =	sshll.u32 s11, $0x5  }
0xf: {  	s23 =	sshll.u32 s6, $0x5;
	s7 =	sshrl.u32 s7, $0x3;
	s8 =	sor.u32 s8, s9  }
0x10: {  	s16 =	sand.u32 $0x380, s13;
	s13 =	sand.u32 $0x380, s17;
	[dreg:$0x9] =	wrdreg s20  }
0x11: {  	s22 =	sadd.s32 s1, s21;
	s24 =	sadd.s32 s1, s23;
	s7 =	sadd.s32 s7, s2  }
0x12: {  	s8 =	sshrl.u32 s8, $0x3;
	s2 =	sadd.s32 $0x680, s2;
	[dreg:$0xa] =	wrdreg s22  }
0x13: {  	[dreg:$0xb] =	wrdreg s24;
	s12 =	sadd.s32 s10, s8;
	s8 =	sadd.s32 s8, s2  }
0x14: {  	s19 =	sadd.s32 $0xE00, s7;
	[dreg:$0x4] =	wrdreg s12;
	s12 =	sor.u32 s9, s16  }
0x15: {  	s9 =	sor.u32 s9, s13;
	[dreg:$0x5] =	wrdreg s8;
	s12 =	sshrl.u32 s12, $0x3  }
0x16: {  	v2 =	vlaneseq.u32;
	[dreg:$0x8] =	wrdreg s19;
	s9 =	sshrl.u32 s9, $0x3;
	s18 =	sadd.s32 s10, s12  }
0x17: {  	vm0 =	vmmov $0xffff;
	v1 =	vshrl.u32 v2, $0x3;
	s0 =	ssub.s32 s0, s25;
	s2 =	sadd.s32 s9, s2;
	[dreg:$0x6] =	wrdreg s18  }
0x18: {  	v0 =	vand.u32 $0x7, v2;
	v2 =	vor.u32 $0x8, v2;
	v1 =	vmul.u32 $0x8, v1;
	s6 =	sadd.s32 $0x100, s3;
	s5 =	smax.u32 s0, $0x1;
	[dreg:$0x7] =	wrdreg s2  }
.LBB2_1:
0x19: {  	[dreg:$0x11] =	wrdreg s5  }
0x1a: {  	s26 =	rddreg [dreg:$0x4]  }
0x1b: {  	s7 =	rddreg [dreg:$0x5]  }
0x1c: {  	s30 =	rddreg [dreg:$0xc]  }
0x1d: {  	s11 =	rddreg [dreg:$0x6]  }
0x1e: {  	s12 =	rddreg [dreg:$0xd]  }
0x1f: {  	[tilespmem:s4], [sflag:$0x1] =	stream.linear.gather [hbm4b:s26+s4], $0x80, $0x38;
	[tilespmem:$0x18400] =	vst v63  }
0x20: {  	s8 =	rddreg [dreg:$0x7]  }
0x21: {  	[tilespmem:s30], [sflag:$0x1] =	stream.linear.gather [hbm4b:s7+s4], $0x80, $0x38;
	[tilespmem:$0x18400] =	vst v63  }
0x22: {  	s9 =	rddreg [dreg:$0xe]  }
0x23: {  	[tilespmem:s12], [sflag:$0x1] =	stream.linear.gather [hbm4b:s11+s4], $0x80, $0x38;
	[tilespmem:$0x18400] =	vst v63  }
0x24: {  	s10 =	rddreg [dreg:$0x8]  }
0x25: {  	[tilespmem:s9], [sflag:$0x1] =	stream.linear.gather [hbm4b:s8+s4], $0x80, $0x38;
	[tilespmem:$0x18400] =	vst v63  }
0x26: {  	s13 =	rddreg [dreg:$0xf];
	s14 =	simm.s32 $0x2  }
0x27: {  	[tilespmem:s13], [sflag:$0x2] =	stream.linear.gather [hbm4b:s10+s4], $0x200, $0x38;
	[tilespmem:$0x18400] =	vst v63  }
0x28: {  	_ =	swait.ge [sflag:s14], $0x200  }
0x29: {  	[sflag:s14] =	ssyncset.done $0x0  }
0x2a: {  	s0 =	simm.s32 $0x400;
	s15 =	rddreg [dreg:$0x10];
	[sflag:s14] =	ssyncadd.s32 $0xFFFFFE00  }
0x2b: {  	[tilespmem:s0], [sflag:$0x3] =	stream.linear.gather [hbm4b:s15+s4], $0x8000, $0x38;
	[tilespmem:$0x18400] =	vst v63  }
0x2c: {  	v3 =	vld [tilespmem:$0x200];
	_ =	sdelay $0x4  }
0x2d: {  	v4 =	vshll.u32 v3, $0x1  }
0x2e: {  	v3 =	vand.u32 $0x7, v3;
	v4 =	vand.u32 $0xFFFFFFF0, v4  }
0x2f: {  	v3 =	vor.u32 v3, v4  }
0x30: {  	v4 =	vperm.xlane v3, v0;
	_ =	sdelay $0x1  }
0x31: {  	v3 =	vperm.xlane v3, v2;
	v4 =	vadd.s32 v1, v4;
	_ =	sdelay $0x1  }
0x32: {  	v3 =	vadd.s32 v1, v3;
	_ =	sdelay $0x1  }
0x33: {  	s16 =	simm.s32 $0x8400  }
0x34: {  	[tilespmem:s16], [sflag:$0x4] =	stream.indirect_vreg.gather [hbm4b:s1+s4], $0x80, v4, vm0, $0xb8;
	[tilespmem:$0x18400] =	vst v63  }
0x35: {  	s17 =	simm.s32 $0x8C00  }
0x36: {  	[tilespmem:s17], [sflag:$0x4] =	stream.indirect_vreg.gather [hbm4b:s1+s4], $0x80, v3, vm0, $0xb8;
	[tilespmem:$0x18400] =	vst v63  }
0x37: {  	v3 =	vld [tilespmem:$0x210];
	_ =	sdelay $0x4  }
0x38: {  	v25 =	vshll.u32 v3, $0x1  }
0x39: {  	v3 =	vand.u32 $0x7, v3;
	v4 =	vand.u32 $0xFFFFFFF0, v25  }
0x3a: {  	v3 =	vor.u32 v3, v4  }
0x3b: {  	v4 =	vperm.xlane v3, v0;
	_ =	sdelay $0x1  }
0x3c: {  	v3 =	vperm.xlane v3, v2;
	v4 =	vadd.s32 v1, v4;
	_ =	sdelay $0x1  }
0x3d: {  	v3 =	vadd.s32 v1, v3;
	_ =	sdelay $0x1  }
0x3e: {  	s18 =	simm.s32 $0x9400  }
0x3f: {  	[tilespmem:s18], [sflag:$0x4] =	stream.indirect_vreg.gather [hbm4b:s1+s4], $0x80, v4, vm0, $0xb8;
	[tilespmem:$0x18400] =	vst v63  }
0x40: {  	s19 =	simm.s32 $0x9C00  }
0x41: {  	[tilespmem:s19], [sflag:$0x4] =	stream.indirect_vreg.gather [hbm4b:s1+s4], $0x80, v3, vm0, $0xb8;
	[tilespmem:$0x18400] =	vst v63  }
0x42: {  	v3 =	vld [tilespmem:$0x220];
	_ =	sdelay $0x4  }
0x43: {  	v26 =	vshll.u32 v3, $0x1  }
0x44: {  	v3 =	vand.u32 $0x7, v3;
	v4 =	vand.u32 $0xFFFFFFF0, v26  }
0x45: {  	v3 =	vor.u32 v3, v4  }
0x46: {  	v4 =	vperm.xlane v3, v0;
	_ =	sdelay $0x1  }
0x47: {  	v3 =	vperm.xlane v3, v2;
	v4 =	vadd.s32 v1, v4;
	_ =	sdelay $0x1  }
0x48: {  	v3 =	vadd.s32 v1, v3;
	_ =	sdelay $0x1  }
0x49: {  	s20 =	simm.s32 $0xA400  }
0x4a: {  	[tilespmem:s20], [sflag:$0x4] =	stream.indirect_vreg.gather [hbm4b:s1+s4], $0x80, v4, vm0, $0xb8;
	[tilespmem:$0x18400] =	vst v63  }
0x4b: {  	s21 =	simm.s32 $0xAC00  }
0x4c: {  	[tilespmem:s21], [sflag:$0x4] =	stream.indirect_vreg.gather [hbm4b:s1+s4], $0x80, v3, vm0, $0xb8;
	[tilespmem:$0x18400] =	vst v63  }
0x4d: {  	v3 =	vld [tilespmem:$0x230];
	_ =	sdelay $0x4  }
0x4e: {  	v27 =	vshll.u32 v3, $0x1  }
0x4f: {  	v3 =	vand.u32 $0x7, v3;
	v4 =	vand.u32 $0xFFFFFFF0, v27  }
0x50: {  	v3 =	vor.u32 v3, v4  }
0x51: {  	v4 =	vperm.xlane v3, v0;
	_ =	sdelay $0x1  }
0x52: {  	v3 =	vperm.xlane v3, v2;
	v4 =	vadd.s32 v1, v4;
	_ =	sdelay $0x1  }
0x53: {  	v3 =	vadd.s32 v1, v3;
	_ =	sdelay $0x1  }
0x54: {  	s22 =	simm.s32 $0xB400  }
0x55: {  	[tilespmem:s22], [sflag:$0x4] =	stream.indirect_vreg.gather [hbm4b:s1+s4], $0x80, v4, vm0, $0xb8;
	[tilespmem:$0x18400] =	vst v63  }
0x56: {  	s23 =	simm.s32 $0xBC00  }
0x57: {  	[tilespmem:s23], [sflag:$0x4] =	stream.indirect_vreg.gather [hbm4b:s1+s4], $0x80, v3, vm0, $0xb8;
	[tilespmem:$0x18400] =	vst v63  }
0x58: {  	v3 =	vld [tilespmem:$0x240];
	_ =	sdelay $0x4  }
0x59: {  	v28 =	vshll.u32 v3, $0x1  }
0x5a: {  	v3 =	vand.u32 $0x7, v3;
	v4 =	vand.u32 $0xFFFFFFF0, v28  }
0x5b: {  	v3 =	vor.u32 v3, v4  }
0x5c: {  	v4 =	vperm.xlane v3, v0;
	_ =	sdelay $0x1  }
0x5d: {  	v3 =	vperm.xlane v3, v2;
	v4 =	vadd.s32 v1, v4;
	_ =	sdelay $0x1  }
0x5e: {  	v3 =	vadd.s32 v1, v3;
	_ =	sdelay $0x1  }
0x5f: {  	s24 =	simm.s32 $0xC400  }
0x60: {  	[tilespmem:s24], [sflag:$0x4] =	stream.indirect_vreg.gather [hbm4b:s1+s4], $0x80, v4, vm0, $0xb8;
	[tilespmem:$0x18400] =	vst v63  }
0x61: {  	s25 =	simm.s32 $0xCC00  }
0x62: {  	[tilespmem:s25], [sflag:$0x4] =	stream.indirect_vreg.gather [hbm4b:s1+s4], $0x80, v3, vm0, $0xb8;
	[tilespmem:$0x18400] =	vst v63  }
0x63: {  	v3 =	vld [tilespmem:$0x250];
	_ =	sdelay $0x4  }
0x64: {  	v29 =	vshll.u32 v3, $0x1  }
0x65: {  	v3 =	vand.u32 $0x7, v3;
	v4 =	vand.u32 $0xFFFFFFF0, v29  }
0x66: {  	v3 =	vor.u32 v3, v4  }
0x67: {  	v4 =	vperm.xlane v3, v0;
	_ =	sdelay $0x1  }
0x68: {  	v3 =	vperm.xlane v3, v2;
	v4 =	vadd.s32 v1, v4;
	_ =	sdelay $0x1  }
0x69: {  	v3 =	vadd.s32 v1, v3;
	_ =	sdelay $0x1  }
0x6a: {  	s26 =	simm.s32 $0xD400  }
0x6b: {  	[tilespmem:s26], [sflag:$0x4] =	stream.indirect_vreg.gather [hbm4b:s1+s4], $0x80, v4, vm0, $0xb8;
	[tilespmem:$0x18400] =	vst v63  }
0x6c: {  	s28 =	simm.s32 $0xDC00  }
0x6d: {  	[tilespmem:s28], [sflag:$0x4] =	stream.indirect_vreg.gather [hbm4b:s1+s4], $0x80, v3, vm0, $0xb8;
	[tilespmem:$0x18400] =	vst v63  }
0x6e: {  	v3 =	vld [tilespmem:$0x260];
	_ =	sdelay $0x4  }
0x6f: {  	v30 =	vshll.u32 v3, $0x1  }
0x70: {  	v3 =	vand.u32 $0x7, v3;
	v4 =	vand.u32 $0xFFFFFFF0, v30  }
0x71: {  	v3 =	vor.u32 v3, v4  }
0x72: {  	v4 =	vperm.xlane v3, v0;
	_ =	sdelay $0x1  }
0x73: {  	v3 =	vperm.xlane v3, v2;
	v4 =	vadd.s32 v1, v4;
	_ =	sdelay $0x1  }
0x74: {  	v3 =	vadd.s32 v1, v3;
	_ =	sdelay $0x1  }
0x75: {  	s29 =	simm.s32 $0xE400  }
0x76: {  	[tilespmem:s29], [sflag:$0x4] =	stream.indirect_vreg.gather [hbm4b:s1+s4], $0x80, v4, vm0, $0xb8;
	[tilespmem:$0x18400] =	vst v63  }
0x77: {  	s30 =	simm.s32 $0xEC00  }
0x78: {  	[tilespmem:s30], [sflag:$0x4] =	stream.indirect_vreg.gather [hbm4b:s1+s4], $0x80, v3, vm0, $0xb8;
	[tilespmem:$0x18400] =	vst v63  }
0x79: {  	v3 =	vld [tilespmem:$0x270];
	_ =	sdelay $0x4  }
0x7a: {  	v31 =	vshll.u32 v3, $0x1  }
0x7b: {  	v3 =	vand.u32 $0x7, v3;
	v4 =	vand.u32 $0xFFFFFFF0, v31  }
0x7c: {  	v3 =	vor.u32 v3, v4  }
0x7d: {  	v4 =	vperm.xlane v3, v0;
	_ =	sdelay $0x1  }
0x7e: {  	v3 =	vperm.xlane v3, v2;
	v4 =	vadd.s32 v1, v4;
	_ =	sdelay $0x1  }
0x7f: {  	v3 =	vadd.s32 v1, v3;
	_ =	sdelay $0x1  }
0x80: {  	s0 =	simm.s32 $0xF400  }
0x81: {  	[tilespmem:s0], [sflag:$0x4] =	stream.indirect_vreg.gather [hbm4b:s1+s4], $0x80, v4, vm0, $0xb8;
	[tilespmem:$0x18400] =	vst v63  }
0x82: {  	s5 =	simm.s32 $0xFC00  }
0x83: {  	[tilespmem:s5], [sflag:$0x4] =	stream.indirect_vreg.gather [hbm4b:s1+s4], $0x80, v3, vm0, $0xb8;
	[tilespmem:$0x18400] =	vst v63  }
0x84: {  	s7 =	simm.s32 $0x10400;
	s8 =	simm.s32 $0x1;
	s2 =	rddreg [dreg:$0x9]  }
0x85: {  	[tilespmem:s7], [sflag:$0x5] =	stream.linear.gather [hbm4b:s2+s4], $0x8000, $0x38;
	[tilespmem:$0x18400] =	vst v63  }
0x86: {  	_ =	swait.ge [sflag:s8], $0x80  }
0x87: {  	[sflag:s8] =	ssyncset.done $0x0  }
0x88: {  	[sflag:s8] =	ssyncadd.s32 $0xFFFFFF80  }
0x89: {  	_ =	swait.ge [sflag:s8], $0x80  }
0x8a: {  	[sflag:s8] =	ssyncset.done $0x0  }
0x8b: {  	[sflag:s8] =	ssyncadd.s32 $0xFFFFFF80  }
0x8c: {  	_ =	swait.ge [sflag:s8], $0x80  }
0x8d: {  	[sflag:s8] =	ssyncset.done $0x0  }
0x8e: {  	[sflag:s8] =	ssyncadd.s32 $0xFFFFFF80  }
0x8f: {  	_ =	swait.ge [sflag:s8], $0x80  }
0x90: {  	[sflag:s8] =	ssyncset.done $0x0  }
0x91: {  	[sflag:s8] =	ssyncadd.s32 $0xFFFFFF80  }
0x92: {  	_ =	swait.ge [sflag:s31], $0x8000  }
0x93: {  	[sflag:s31] =	ssyncset.done $0x0  }
0x94: {  	[sflag:s31] =	ssyncadd.s32 $0xFFFF8000  }
0x95: {  	v3 =	vld [tilespmem:$0x0];
	_ =	sdelay $0x4  }
0x96: {  	v32 =	vshll.u32 v3, $0x2  }
0x97: {  	v3 =	vand.u32 $0x7, v3;
	v4 =	vand.u32 $0xFFFFFFE0, v32  }
0x98: {  	v3 =	vor.u32 v3, v4  }
0x99: {  	v4 =	vperm.xlane v3, v0;
	_ =	sdelay $0x1  }
0x9a: {  	v3 =	vperm.xlane v3, v2;
	v4 =	vadd.s32 v1, v4;
	_ =	sdelay $0x1  }
0x9b: {  	v3 =	vadd.s32 v1, v3;
	_ =	sdelay $0x1  }
0x9c: {  	s0 =	simm.s32 $0x400  }
0x9d: {  	[hbm4b:s3+s4] =	stream.indirect_vreg.scatter [tilespmem:s0], [sflag:$0x6], $0x80, v4, vm0, $0xb8;
	[tilespmem:$0x18400] =	vst v63  }
0x9e: {  	s2 =	simm.s32 $0xC00  }
0x9f: {  	[hbm4b:s3+s4] =	stream.indirect_vreg.scatter [tilespmem:s2], [sflag:$0x6], $0x80, v3, vm0, $0xb8;
	[tilespmem:$0x18400] =	vst v63  }
0xa0: {  	v3 =	vld [tilespmem:$0x10];
	_ =	sdelay $0x4  }
0xa1: {  	v33 =	vshll.u32 v3, $0x2  }
0xa2: {  	v3 =	vand.u32 $0x7, v3;
	v4 =	vand.u32 $0xFFFFFFE0, v33  }
0xa3: {  	v3 =	vor.u32 v3, v4  }
0xa4: {  	v4 =	vperm.xlane v3, v0;
	_ =	sdelay $0x1  }
0xa5: {  	v3 =	vperm.xlane v3, v2;
	v4 =	vadd.s32 v1, v4;
	_ =	sdelay $0x1  }
0xa6: {  	v3 =	vadd.s32 v1, v3;
	_ =	sdelay $0x1  }
0xa7: {  	s9 =	simm.s32 $0x1400  }
0xa8: {  	[hbm4b:s3+s4] =	stream.indirect_vreg.scatter [tilespmem:s9], [sflag:$0x6], $0x80, v4, vm0, $0xb8;
	[tilespmem:$0x18400] =	vst v63  }
0xa9: {  	s10 =	simm.s32 $0x1C00  }
0xaa: {  	[hbm4b:s3+s4] =	stream.indirect_vreg.scatter [tilespmem:s10], [sflag:$0x6], $0x80, v3, vm0, $0xb8;
	[tilespmem:$0x18400] =	vst v63  }
0xab: {  	v3 =	vld [tilespmem:$0x20];
	_ =	sdelay $0x4  }
0xac: {  	v34 =	vshll.u32 v3, $0x2  }
0xad: {  	v3 =	vand.u32 $0x7, v3;
	v4 =	vand.u32 $0xFFFFFFE0, v34  }
0xae: {  	v3 =	vor.u32 v3, v4  }
0xaf: {  	v4 =	vperm.xlane v3, v0;
	_ =	sdelay $0x1  }
0xb0: {  	v3 =	vperm.xlane v3, v2;
	v4 =	vadd.s32 v1, v4;
	_ =	sdelay $0x1  }
0xb1: {  	v3 =	vadd.s32 v1, v3;
	_ =	sdelay $0x1  }
0xb2: {  	s11 =	simm.s32 $0x2400  }
0xb3: {  	[hbm4b:s3+s4] =	stream.indirect_vreg.scatter [tilespmem:s11], [sflag:$0x6], $0x80, v4, vm0, $0xb8;
	[tilespmem:$0x18400] =	vst v63  }
0xb4: {  	s22 =	simm.s32 $0x2C00  }
0xb5: {  	[hbm4b:s3+s4] =	stream.indirect_vreg.scatter [tilespmem:s22], [sflag:$0x6], $0x80, v3, vm0, $0xb8;
	[tilespmem:$0x18400] =	vst v63  }
0xb6: {  	v3 =	vld [tilespmem:$0x30];
	_ =	sdelay $0x4  }
0xb7: {  	v35 =	vshll.u32 v3, $0x2  }
0xb8: {  	v3 =	vand.u32 $0x7, v3;
	v4 =	vand.u32 $0xFFFFFFE0, v35  }
0xb9: {  	v3 =	vor.u32 v3, v4  }
0xba: {  	v4 =	vperm.xlane v3, v0;
	_ =	sdelay $0x1  }
0xbb: {  	v3 =	vperm.xlane v3, v2;
	v4 =	vadd.s32 v1, v4;
	_ =	sdelay $0x1  }
0xbc: {  	v3 =	vadd.s32 v1, v3;
	_ =	sdelay $0x1  }
0xbd: {  	s25 =	simm.s32 $0x3400  }
0xbe: {  	[hbm4b:s3+s4] =	stream.indirect_vreg.scatter [tilespmem:s25], [sflag:$0x6], $0x80, v4, vm0, $0xb8;
	[tilespmem:$0x18400] =	vst v63  }
0xbf: {  	s26 =	simm.s32 $0x3C00  }
0xc0: {  	[hbm4b:s3+s4] =	stream.indirect_vreg.scatter [tilespmem:s26], [sflag:$0x6], $0x80, v3, vm0, $0xb8;
	[tilespmem:$0x18400] =	vst v63  }
0xc1: {  	v3 =	vld [tilespmem:$0x40];
	_ =	sdelay $0x4  }
0xc2: {  	v36 =	vshll.u32 v3, $0x2  }
0xc3: {  	v3 =	vand.u32 $0x7, v3;
	v4 =	vand.u32 $0xFFFFFFE0, v36  }
0xc4: {  	v3 =	vor.u32 v3, v4  }
0xc5: {  	v4 =	vperm.xlane v3, v0;
	_ =	sdelay $0x1  }
0xc6: {  	v3 =	vperm.xlane v3, v2;
	v4 =	vadd.s32 v1, v4;
	_ =	sdelay $0x1  }
0xc7: {  	v3 =	vadd.s32 v1, v3;
	_ =	sdelay $0x1  }
0xc8: {  	s28 =	simm.s32 $0x4400  }
0xc9: {  	[hbm4b:s3+s4] =	stream.indirect_vreg.scatter [tilespmem:s28], [sflag:$0x6], $0x80, v4, vm0, $0xb8;
	[tilespmem:$0x18400] =	vst v63  }
0xca: {  	s29 =	simm.s32 $0x4C00  }
0xcb: {  	[hbm4b:s3+s4] =	stream.indirect_vreg.scatter [tilespmem:s29], [sflag:$0x6], $0x80, v3, vm0, $0xb8;
	[tilespmem:$0x18400] =	vst v63  }
0xcc: {  	v3 =	vld [tilespmem:$0x50];
	_ =	sdelay $0x4  }
0xcd: {  	v37 =	vshll.u32 v3, $0x2  }
0xce: {  	v3 =	vand.u32 $0x7, v3;
	v4 =	vand.u32 $0xFFFFFFE0, v37  }
0xcf: {  	v3 =	vor.u32 v3, v4  }
0xd0: {  	v4 =	vperm.xlane v3, v0;
	_ =	sdelay $0x1  }
0xd1: {  	v3 =	vperm.xlane v3, v2;
	v4 =	vadd.s32 v1, v4;
	_ =	sdelay $0x1  }
0xd2: {  	v3 =	vadd.s32 v1, v3;
	_ =	sdelay $0x1  }
0xd3: {  	s30 =	simm.s32 $0x5400  }
0xd4: {  	[hbm4b:s3+s4] =	stream.indirect_vreg.scatter [tilespmem:s30], [sflag:$0x6], $0x80, v4, vm0, $0xb8;
	[tilespmem:$0x18400] =	vst v63  }
0xd5: {  	s9 =	simm.s32 $0x5C00  }
0xd6: {  	[hbm4b:s3+s4] =	stream.indirect_vreg.scatter [tilespmem:s9], [sflag:$0x6], $0x80, v3, vm0, $0xb8;
	[tilespmem:$0x18400] =	vst v63  }
0xd7: {  	v3 =	vld [tilespmem:$0x60];
	_ =	sdelay $0x4  }
0xd8: {  	v38 =	vshll.u32 v3, $0x2  }
0xd9: {  	v3 =	vand.u32 $0x7, v3;
	v4 =	vand.u32 $0xFFFFFFE0, v38  }
0xda: {  	v3 =	vor.u32 v3, v4  }
0xdb: {  	v4 =	vperm.xlane v3, v0;
	_ =	sdelay $0x1  }
0xdc: {  	v3 =	vperm.xlane v3, v2;
	v4 =	vadd.s32 v1, v4;
	_ =	sdelay $0x1  }
0xdd: {  	v3 =	vadd.s32 v1, v3;
	_ =	sdelay $0x1  }
0xde: {  	s10 =	simm.s32 $0x6400  }
0xdf: {  	[hbm4b:s3+s4] =	stream.indirect_vreg.scatter [tilespmem:s10], [sflag:$0x6], $0x80, v4, vm0, $0xb8;
	[tilespmem:$0x18400] =	vst v63  }
0xe0: {  	s22 =	simm.s32 $0x6C00  }
0xe1: {  	[hbm4b:s3+s4] =	stream.indirect_vreg.scatter [tilespmem:s22], [sflag:$0x6], $0x80, v3, vm0, $0xb8;
	[tilespmem:$0x18400] =	vst v63  }
0xe2: {  	v3 =	vld [tilespmem:$0x70];
	_ =	sdelay $0x4  }
0xe3: {  	v39 =	vshll.u32 v3, $0x2  }
0xe4: {  	v3 =	vand.u32 $0x7, v3;
	v4 =	vand.u32 $0xFFFFFFE0, v39  }
0xe5: {  	v3 =	vor.u32 v3, v4  }
0xe6: {  	v4 =	vperm.xlane v3, v0;
	_ =	sdelay $0x1  }
0xe7: {  	v3 =	vperm.xlane v3, v2;
	v4 =	vadd.s32 v1, v4;
	_ =	sdelay $0x1  }
0xe8: {  	v3 =	vadd.s32 v1, v3;
	_ =	sdelay $0x1  }
0xe9: {  	s30 =	simm.s32 $0x7400  }
0xea: {  	[hbm4b:s3+s4] =	stream.indirect_vreg.scatter [tilespmem:s30], [sflag:$0x6], $0x80, v4, vm0, $0xb8;
	[tilespmem:$0x18400] =	vst v63  }
0xeb: {  	s2 =	simm.s32 $0x6;
	s22 =	simm.s32 $0x7C00  }
0xec: {  	[hbm4b:s3+s4] =	stream.indirect_vreg.scatter [tilespmem:s22], [sflag:$0x6], $0x80, v3, vm0, $0xb8;
	[tilespmem:$0x18400] =	vst v63  }
0xed: {  	_ =	swait.ge [sflag:s2], $0x8000  }
0xee: {  	[sflag:s2] =	ssyncset.done $0x0  }
0xef: {  	[sflag:s2] =	ssyncadd.s32 $0xFFFF8000  }
0xf0: {  	v3 =	vld [tilespmem:$0x280];
	_ =	sdelay $0x4  }
0xf1: {  	v40 =	vshll.u32 v3, $0x1  }
0xf2: {  	v3 =	vand.u32 $0x7, v3;
	v4 =	vand.u32 $0xFFFFFFF0, v40  }
0xf3: {  	v3 =	vor.u32 v3, v4  }
0xf4: {  	v4 =	vperm.xlane v3, v0;
	_ =	sdelay $0x1  }
0xf5: {  	v3 =	vperm.xlane v3, v2;
	v4 =	vadd.s32 v1, v4;
	_ =	sdelay $0x1  }
0xf6: {  	v3 =	vadd.s32 v1, v3;
	_ =	sdelay $0x2  }
0xf7: {  	[tilespmem:s0], [sflag:$0x3] =	stream.indirect_vreg.gather [hbm4b:s1+s4], $0x80, v4, vm0, $0xb8;
	[tilespmem:$0x18400] =	vst v63  }
0xf8: {  	s23 =	simm.s32 $0xC00  }
0xf9: {  	[tilespmem:s23], [sflag:$0x3] =	stream.indirect_vreg.gather [hbm4b:s1+s4], $0x80, v3, vm0, $0xb8;
	[tilespmem:$0x18400] =	vst v63  }
0xfa: {  	v3 =	vld [tilespmem:$0x290];
	_ =	sdelay $0x4  }
0xfb: {  	v41 =	vshll.u32 v3, $0x1  }
0xfc: {  	v3 =	vand.u32 $0x7, v3;
	v4 =	vand.u32 $0xFFFFFFF0, v41  }
0xfd: {  	v3 =	vor.u32 v3, v4  }
0xfe: {  	v4 =	vperm.xlane v3, v0;
	_ =	sdelay $0x1  }
0xff: {  	v3 =	vperm.xlane v3, v2;
	v4 =	vadd.s32 v1, v4;
	_ =	sdelay $0x1  }
0x100: {  	v3 =	vadd.s32 v1, v3;
	_ =	sdelay $0x1  }
0x101: {  	s12 =	simm.s32 $0x1400  }
0x102: {  	[tilespmem:s12], [sflag:$0x3] =	stream.indirect_vreg.gather [hbm4b:s1+s4], $0x80, v4, vm0, $0xb8;
	[tilespmem:$0x18400] =	vst v63  }
0x103: {  	s24 =	simm.s32 $0x1C00  }
0x104: {  	[tilespmem:s24], [sflag:$0x3] =	stream.indirect_vreg.gather [hbm4b:s1+s4], $0x80, v3, vm0, $0xb8;
	[tilespmem:$0x18400] =	vst v63  }
0x105: {  	v3 =	vld [tilespmem:$0x2A0];
	_ =	sdelay $0x4  }
0x106: {  	v42 =	vshll.u32 v3, $0x1  }
0x107: {  	v3 =	vand.u32 $0x7, v3;
	v4 =	vand.u32 $0xFFFFFFF0, v42  }
0x108: {  	v3 =	vor.u32 v3, v4  }
0x109: {  	v4 =	vperm.xlane v3, v0;
	_ =	sdelay $0x1  }
0x10a: {  	v3 =	vperm.xlane v3, v2;
	v4 =	vadd.s32 v1, v4;
	_ =	sdelay $0x1  }
0x10b: {  	v3 =	vadd.s32 v1, v3;
	_ =	sdelay $0x1  }
0x10c: {  	s11 =	simm.s32 $0x2400  }
0x10d: {  	[tilespmem:s11], [sflag:$0x3] =	stream.indirect_vreg.gather [hbm4b:s1+s4], $0x80, v4, vm0, $0xb8;
	[tilespmem:$0x18400] =	vst v63  }
0x10e: {  	s7 =	simm.s32 $0x2C00  }
0x10f: {  	[tilespmem:s7], [sflag:$0x3] =	stream.indirect_vreg.gather [hbm4b:s1+s4], $0x80, v3, vm0, $0xb8;
	[tilespmem:$0x18400] =	vst v63  }
0x110: {  	v3 =	vld [tilespmem:$0x2B0];
	_ =	sdelay $0x4  }
0x111: {  	v43 =	vshll.u32 v3, $0x1  }
0x112: {  	v3 =	vand.u32 $0x7, v3;
	v4 =	vand.u32 $0xFFFFFFF0, v43  }
0x113: {  	v3 =	vor.u32 v3, v4  }
0x114: {  	v4 =	vperm.xlane v3, v0;
	_ =	sdelay $0x1  }
0x115: {  	v3 =	vperm.xlane v3, v2;
	v4 =	vadd.s32 v1, v4;
	_ =	sdelay $0x1  }
0x116: {  	v3 =	vadd.s32 v1, v3;
	_ =	sdelay $0x1  }
0x117: {  	s25 =	simm.s32 $0x3400  }
0x118: {  	[tilespmem:s25], [sflag:$0x3] =	stream.indirect_vreg.gather [hbm4b:s1+s4], $0x80, v4, vm0, $0xb8;
	[tilespmem:$0x18400] =	vst v63  }
0x119: {  	s5 =	simm.s32 $0x3C00  }
0x11a: {  	[tilespmem:s5], [sflag:$0x3] =	stream.indirect_vreg.gather [hbm4b:s1+s4], $0x80, v3, vm0, $0xb8;
	[tilespmem:$0x18400] =	vst v63  }
0x11b: {  	v3 =	vld [tilespmem:$0x2C0];
	_ =	sdelay $0x4  }
0x11c: {  	v44 =	vshll.u32 v3, $0x1  }
0x11d: {  	v3 =	vand.u32 $0x7, v3;
	v4 =	vand.u32 $0xFFFFFFF0, v44  }
0x11e: {  	v3 =	vor.u32 v3, v4  }
0x11f: {  	v4 =	vperm.xlane v3, v0;
	_ =	sdelay $0x1  }
0x120: {  	v3 =	vperm.xlane v3, v2;
	v4 =	vadd.s32 v1, v4;
	_ =	sdelay $0x1  }
0x121: {  	v3 =	vadd.s32 v1, v3;
	_ =	sdelay $0x1  }
0x122: {  	s26 =	simm.s32 $0x4400  }
0x123: {  	[tilespmem:s26], [sflag:$0x3] =	stream.indirect_vreg.gather [hbm4b:s1+s4], $0x80, v4, vm0, $0xb8;
	[tilespmem:$0x18400] =	vst v63  }
0x124: {  	s8 =	simm.s32 $0x4C00  }
0x125: {  	[tilespmem:s8], [sflag:$0x3] =	stream.indirect_vreg.gather [hbm4b:s1+s4], $0x80, v3, vm0, $0xb8;
	[tilespmem:$0x18400] =	vst v63  }
0x126: {  	v3 =	vld [tilespmem:$0x2D0];
	_ =	sdelay $0x4  }
0x127: {  	v45 =	vshll.u32 v3, $0x1  }
0x128: {  	v3 =	vand.u32 $0x7, v3;
	v4 =	vand.u32 $0xFFFFFFF0, v45  }
0x129: {  	v3 =	vor.u32 v3, v4  }
0x12a: {  	v4 =	vperm.xlane v3, v0;
	_ =	sdelay $0x1  }
0x12b: {  	v3 =	vperm.xlane v3, v2;
	v4 =	vadd.s32 v1, v4;
	_ =	sdelay $0x1  }
0x12c: {  	v3 =	vadd.s32 v1, v3;
	_ =	sdelay $0x1  }
0x12d: {  	s28 =	simm.s32 $0x5400  }
0x12e: {  	[tilespmem:s28], [sflag:$0x3] =	stream.indirect_vreg.gather [hbm4b:s1+s4], $0x80, v4, vm0, $0xb8;
	[tilespmem:$0x18400] =	vst v63  }
0x12f: {  	s9 =	simm.s32 $0x5C00  }
0x130: {  	[tilespmem:s9], [sflag:$0x3] =	stream.indirect_vreg.gather [hbm4b:s1+s4], $0x80, v3, vm0, $0xb8;
	[tilespmem:$0x18400] =	vst v63  }
0x131: {  	v3 =	vld [tilespmem:$0x2E0];
	_ =	sdelay $0x4  }
0x132: {  	v46 =	vshll.u32 v3, $0x1  }
0x133: {  	v3 =	vand.u32 $0x7, v3;
	v4 =	vand.u32 $0xFFFFFFF0, v46  }
0x134: {  	v3 =	vor.u32 v3, v4  }
0x135: {  	v4 =	vperm.xlane v3, v0;
	_ =	sdelay $0x1  }
0x136: {  	v3 =	vperm.xlane v3, v2;
	v4 =	vadd.s32 v1, v4;
	_ =	sdelay $0x1  }
0x137: {  	v3 =	vadd.s32 v1, v3;
	_ =	sdelay $0x1  }
0x138: {  	s29 =	simm.s32 $0x6400  }
0x139: {  	[tilespmem:s29], [sflag:$0x3] =	stream.indirect_vreg.gather [hbm4b:s1+s4], $0x80, v4, vm0, $0xb8;
	[tilespmem:$0x18400] =	vst v63  }
0x13a: {  	s10 =	simm.s32 $0x6C00  }
0x13b: {  	[tilespmem:s10], [sflag:$0x3] =	stream.indirect_vreg.gather [hbm4b:s1+s4], $0x80, v3, vm0, $0xb8;
	[tilespmem:$0x18400] =	vst v63  }
0x13c: {  	v3 =	vld [tilespmem:$0x2F0];
	_ =	sdelay $0x4  }
0x13d: {  	v47 =	vshll.u32 v3, $0x1  }
0x13e: {  	v3 =	vand.u32 $0x7, v3;
	v4 =	vand.u32 $0xFFFFFFF0, v47  }
0x13f: {  	v3 =	vor.u32 v3, v4  }
0x140: {  	v4 =	vperm.xlane v3, v0;
	_ =	sdelay $0x1  }
0x141: {  	v3 =	vperm.xlane v3, v2;
	v4 =	vadd.s32 v1, v4;
	_ =	sdelay $0x1  }
0x142: {  	v3 =	vadd.s32 v1, v3;
	_ =	sdelay $0x1  }
0x143: {  	s30 =	simm.s32 $0x7400  }
0x144: {  	[tilespmem:s30], [sflag:$0x3] =	stream.indirect_vreg.gather [hbm4b:s1+s4], $0x80, v4, vm0, $0xb8;
	[tilespmem:$0x18400] =	vst v63  }
0x145: {  	s22 =	simm.s32 $0x7C00;
	s0 =	simm.s32 $0x4  }
0x146: {  	[tilespmem:s22], [sflag:$0x3] =	stream.indirect_vreg.gather [hbm4b:s1+s4], $0x80, v3, vm0, $0xb8;
	[tilespmem:$0x18400] =	vst v63  }
0x147: {  	_ =	swait.ge [sflag:s0], $0x8000  }
0x148: {  	[sflag:s0] =	ssyncset.done $0x0  }
0x149: {  	[sflag:s0] =	ssyncadd.s32 $0xFFFF8000  }
0x14a: {  	v3 =	vld [tilespmem:$0x0];
	_ =	sdelay $0x4  }
0x14b: {  	v48 =	vshll.u32 v3, $0x2  }
0x14c: {  	v3 =	vand.u32 $0x7, v3;
	v4 =	vand.u32 $0xFFFFFFE0, v48  }
0x14d: {  	v3 =	vor.u32 v3, v4  }
0x14e: {  	v4 =	vperm.xlane v3, v0;
	_ =	sdelay $0x1  }
0x14f: {  	v3 =	vperm.xlane v3, v2;
	v4 =	vadd.s32 v1, v4;
	_ =	sdelay $0x1  }
0x150: {  	v3 =	vadd.s32 v1, v3;
	_ =	sdelay $0x1  }
0x151: {  	s24 =	simm.s32 $0x8400  }
0x152: {  	[hbm4b:s6+s4] =	stream.indirect_vreg.scatter [tilespmem:s24], [sflag:$0x7], $0x80, v4, vm0, $0xb8;
	[tilespmem:$0x18400] =	vst v63  }
0x153: {  	s15 =	simm.s32 $0x8C00  }
0x154: {  	[hbm4b:s6+s4] =	stream.indirect_vreg.scatter [tilespmem:s15], [sflag:$0x7], $0x80, v3, vm0, $0xb8;
	[tilespmem:$0x18400] =	vst v63  }
0x155: {  	v3 =	vld [tilespmem:$0x10];
	_ =	sdelay $0x4  }
0x156: {  	v49 =	vshll.u32 v3, $0x2  }
0x157: {  	v3 =	vand.u32 $0x7, v3;
	v4 =	vand.u32 $0xFFFFFFE0, v49  }
0x158: {  	v3 =	vor.u32 v3, v4  }
0x159: {  	v4 =	vperm.xlane v3, v0;
	_ =	sdelay $0x1  }
0x15a: {  	v3 =	vperm.xlane v3, v2;
	v4 =	vadd.s32 v1, v4;
	_ =	sdelay $0x1  }
0x15b: {  	v3 =	vadd.s32 v1, v3;
	_ =	sdelay $0x1  }
0x15c: {  	s25 =	simm.s32 $0x9400  }
0x15d: {  	[hbm4b:s6+s4] =	stream.indirect_vreg.scatter [tilespmem:s25], [sflag:$0x7], $0x80, v4, vm0, $0xb8;
	[tilespmem:$0x18400] =	vst v63  }
0x15e: {  	s16 =	simm.s32 $0x9C00  }
0x15f: {  	[hbm4b:s6+s4] =	stream.indirect_vreg.scatter [tilespmem:s16], [sflag:$0x7], $0x80, v3, vm0, $0xb8;
	[tilespmem:$0x18400] =	vst v63  }
0x160: {  	v3 =	vld [tilespmem:$0x20];
	_ =	sdelay $0x4  }
0x161: {  	v50 =	vshll.u32 v3, $0x2  }
0x162: {  	v3 =	vand.u32 $0x7, v3;
	v4 =	vand.u32 $0xFFFFFFE0, v50  }
0x163: {  	v3 =	vor.u32 v3, v4  }
0x164: {  	v4 =	vperm.xlane v3, v0;
	_ =	sdelay $0x1  }
0x165: {  	v3 =	vperm.xlane v3, v2;
	v4 =	vadd.s32 v1, v4;
	_ =	sdelay $0x1  }
0x166: {  	v3 =	vadd.s32 v1, v3;
	_ =	sdelay $0x1  }
0x167: {  	s28 =	simm.s32 $0xA400  }
0x168: {  	[hbm4b:s6+s4] =	stream.indirect_vreg.scatter [tilespmem:s28], [sflag:$0x7], $0x80, v4, vm0, $0xb8;
	[tilespmem:$0x18400] =	vst v63  }
0x169: {  	s17 =	simm.s32 $0xAC00  }
0x16a: {  	[hbm4b:s6+s4] =	stream.indirect_vreg.scatter [tilespmem:s17], [sflag:$0x7], $0x80, v3, vm0, $0xb8;
	[tilespmem:$0x18400] =	vst v63  }
0x16b: {  	v3 =	vld [tilespmem:$0x30];
	_ =	sdelay $0x4  }
0x16c: {  	v51 =	vshll.u32 v3, $0x2  }
0x16d: {  	v3 =	vand.u32 $0x7, v3;
	v4 =	vand.u32 $0xFFFFFFE0, v51  }
0x16e: {  	v3 =	vor.u32 v3, v4  }
0x16f: {  	v4 =	vperm.xlane v3, v0;
	_ =	sdelay $0x1  }
0x170: {  	v3 =	vperm.xlane v3, v2;
	v4 =	vadd.s32 v1, v4;
	_ =	sdelay $0x1  }
0x171: {  	v3 =	vadd.s32 v1, v3;
	_ =	sdelay $0x1  }
0x172: {  	s29 =	simm.s32 $0xB400  }
0x173: {  	[hbm4b:s6+s4] =	stream.indirect_vreg.scatter [tilespmem:s29], [sflag:$0x7], $0x80, v4, vm0, $0xb8;
	[tilespmem:$0x18400] =	vst v63  }
0x174: {  	s18 =	simm.s32 $0xBC00  }
0x175: {  	[hbm4b:s6+s4] =	stream.indirect_vreg.scatter [tilespmem:s18], [sflag:$0x7], $0x80, v3, vm0, $0xb8;
	[tilespmem:$0x18400] =	vst v63  }
0x176: {  	v3 =	vld [tilespmem:$0x40];
	_ =	sdelay $0x4  }
0x177: {  	v52 =	vshll.u32 v3, $0x2  }
0x178: {  	v3 =	vand.u32 $0x7, v3;
	v4 =	vand.u32 $0xFFFFFFE0, v52  }
0x179: {  	v3 =	vor.u32 v3, v4  }
0x17a: {  	v4 =	vperm.xlane v3, v0;
	_ =	sdelay $0x1  }
0x17b: {  	v3 =	vperm.xlane v3, v2;
	v4 =	vadd.s32 v1, v4;
	_ =	sdelay $0x1  }
0x17c: {  	v3 =	vadd.s32 v1, v3;
	_ =	sdelay $0x1  }
0x17d: {  	s9 =	simm.s32 $0xC400  }
0x17e: {  	[hbm4b:s6+s4] =	stream.indirect_vreg.scatter [tilespmem:s9], [sflag:$0x7], $0x80, v4, vm0, $0xb8;
	[tilespmem:$0x18400] =	vst v63  }
0x17f: {  	s19 =	simm.s32 $0xCC00  }
0x180: {  	[hbm4b:s6+s4] =	stream.indirect_vreg.scatter [tilespmem:s19], [sflag:$0x7], $0x80, v3, vm0, $0xb8;
	[tilespmem:$0x18400] =	vst v63  }
0x181: {  	v3 =	vld [tilespmem:$0x50];
	_ =	sdelay $0x4  }
0x182: {  	v53 =	vshll.u32 v3, $0x2  }
0x183: {  	v3 =	vand.u32 $0x7, v3;
	v4 =	vand.u32 $0xFFFFFFE0, v53  }
0x184: {  	v3 =	vor.u32 v3, v4  }
0x185: {  	v4 =	vperm.xlane v3, v0;
	_ =	sdelay $0x1  }
0x186: {  	v3 =	vperm.xlane v3, v2;
	v4 =	vadd.s32 v1, v4;
	_ =	sdelay $0x1  }
0x187: {  	v3 =	vadd.s32 v1, v3;
	_ =	sdelay $0x1  }
0x188: {  	s11 =	simm.s32 $0xD400  }
0x189: {  	[hbm4b:s6+s4] =	stream.indirect_vreg.scatter [tilespmem:s11], [sflag:$0x7], $0x80, v4, vm0, $0xb8;
	[tilespmem:$0x18400] =	vst v63  }
0x18a: {  	s20 =	simm.s32 $0xDC00  }
0x18b: {  	[hbm4b:s6+s4] =	stream.indirect_vreg.scatter [tilespmem:s20], [sflag:$0x7], $0x80, v3, vm0, $0xb8;
	[tilespmem:$0x18400] =	vst v63  }
0x18c: {  	v3 =	vld [tilespmem:$0x60];
	_ =	sdelay $0x4  }
0x18d: {  	v54 =	vshll.u32 v3, $0x2  }
0x18e: {  	v3 =	vand.u32 $0x7, v3;
	v4 =	vand.u32 $0xFFFFFFE0, v54  }
0x18f: {  	v3 =	vor.u32 v3, v4  }
0x190: {  	v4 =	vperm.xlane v3, v0;
	_ =	sdelay $0x1  }
0x191: {  	v3 =	vperm.xlane v3, v2;
	v4 =	vadd.s32 v1, v4;
	_ =	sdelay $0x1  }
0x192: {  	v3 =	vadd.s32 v1, v3;
	_ =	sdelay $0x1  }
0x193: {  	s12 =	simm.s32 $0xE400  }
0x194: {  	[hbm4b:s6+s4] =	stream.indirect_vreg.scatter [tilespmem:s12], [sflag:$0x7], $0x80, v4, vm0, $0xb8;
	[tilespmem:$0x18400] =	vst v63  }
0x195: {  	s21 =	simm.s32 $0xEC00  }
0x196: {  	[hbm4b:s6+s4] =	stream.indirect_vreg.scatter [tilespmem:s21], [sflag:$0x7], $0x80, v3, vm0, $0xb8;
	[tilespmem:$0x18400] =	vst v63  }
0x197: {  	v3 =	vld [tilespmem:$0x70];
	_ =	sdelay $0x4  }
0x198: {  	v55 =	vshll.u32 v3, $0x2  }
0x199: {  	v3 =	vand.u32 $0x7, v3;
	v4 =	vand.u32 $0xFFFFFFE0, v55  }
0x19a: {  	v3 =	vor.u32 v3, v4  }
0x19b: {  	v4 =	vperm.xlane v3, v0;
	_ =	sdelay $0x1  }
0x19c: {  	v3 =	vperm.xlane v3, v2;
	v4 =	vadd.s32 v1, v4;
	_ =	sdelay $0x1  }
0x19d: {  	v3 =	vadd.s32 v1, v3;
	_ =	sdelay $0x1  }
0x19e: {  	s14 =	simm.s32 $0xF400  }
0x19f: {  	[hbm4b:s6+s4] =	stream.indirect_vreg.scatter [tilespmem:s14], [sflag:$0x7], $0x80, v4, vm0, $0xb8;
	[tilespmem:$0x18400] =	vst v63  }
0x1a0: {  	s13 =	simm.s32 $0xFC00;
	s28 =	simm.s32 $0x7  }
0x1a1: {  	[hbm4b:s6+s4] =	stream.indirect_vreg.scatter [tilespmem:s13], [sflag:$0x7], $0x80, v3, vm0, $0xb8;
	[tilespmem:$0x18400] =	vst v63  }
0x1a2: {  	_ =	swait.ge [sflag:s28], $0x8000  }
0x1a3: {  	[sflag:s28] =	ssyncset.done $0x0  }
0x1a4: {  	s29 =	simm.s32 $0x5;
	s15 =	rddreg [dreg:$0xa];
	[sflag:s28] =	ssyncadd.s32 $0xFFFF8000  }
0x1a5: {  	[tilespmem:s24], [sflag:$0x4] =	stream.linear.gather [hbm4b:s15+s4], $0x8000, $0x38;
	[tilespmem:$0x18400] =	vst v63  }
0x1a6: {  	_ =	swait.ge [sflag:s29], $0x8000  }
0x1a7: {  	[sflag:s29] =	ssyncset.done $0x0  }
0x1a8: {  	[sflag:s29] =	ssyncadd.s32 $0xFFFF8000  }
0x1a9: {  	v3 =	vld [tilespmem:$0x80];
	_ =	sdelay $0x4  }
0x1aa: {  	v56 =	vshll.u32 v3, $0x2  }
0x1ab: {  	v3 =	vand.u32 $0x7, v3;
	v4 =	vand.u32 $0xFFFFFFE0, v56  }
0x1ac: {  	v3 =	vor.u32 v3, v4  }
0x1ad: {  	v4 =	vperm.xlane v3, v0;
	_ =	sdelay $0x1  }
0x1ae: {  	v3 =	vperm.xlane v3, v2;
	v4 =	vadd.s32 v1, v4;
	_ =	sdelay $0x1  }
0x1af: {  	v3 =	vadd.s32 v1, v3;
	_ =	sdelay $0x1  }
0x1b0: {  	s7 =	simm.s32 $0x10400  }
0x1b1: {  	[hbm4b:s3+s4] =	stream.indirect_vreg.scatter [tilespmem:s7], [sflag:$0x8], $0x80, v4, vm0, $0xb8;
	[tilespmem:$0x18400] =	vst v63  }
0x1b2: {  	s25 =	simm.s32 $0x10C00  }
0x1b3: {  	[hbm4b:s3+s4] =	stream.indirect_vreg.scatter [tilespmem:s25], [sflag:$0x8], $0x80, v3, vm0, $0xb8;
	[tilespmem:$0x18400] =	vst v63  }
0x1b4: {  	v3 =	vld [tilespmem:$0x90];
	_ =	sdelay $0x4  }
0x1b5: {  	v57 =	vshll.u32 v3, $0x2  }
0x1b6: {  	v3 =	vand.u32 $0x7, v3;
	v4 =	vand.u32 $0xFFFFFFE0, v57  }
0x1b7: {  	v3 =	vor.u32 v3, v4  }
0x1b8: {  	v4 =	vperm.xlane v3, v0;
	_ =	sdelay $0x1  }
0x1b9: {  	v3 =	vperm.xlane v3, v2;
	v4 =	vadd.s32 v1, v4;
	_ =	sdelay $0x1  }
0x1ba: {  	v3 =	vadd.s32 v1, v3;
	_ =	sdelay $0x1  }
0x1bb: {  	s12 =	simm.s32 $0x11400  }
0x1bc: {  	[hbm4b:s3+s4] =	stream.indirect_vreg.scatter [tilespmem:s12], [sflag:$0x8], $0x80, v4, vm0, $0xb8;
	[tilespmem:$0x18400] =	vst v63  }
0x1bd: {  	s16 =	simm.s32 $0x11C00  }
0x1be: {  	[hbm4b:s3+s4] =	stream.indirect_vreg.scatter [tilespmem:s16], [sflag:$0x8], $0x80, v3, vm0, $0xb8;
	[tilespmem:$0x18400] =	vst v63  }
0x1bf: {  	v3 =	vld [tilespmem:$0xA0];
	_ =	sdelay $0x4  }
0x1c0: {  	v58 =	vshll.u32 v3, $0x2  }
0x1c1: {  	v3 =	vand.u32 $0x7, v3;
	v4 =	vand.u32 $0xFFFFFFE0, v58  }
0x1c2: {  	v3 =	vor.u32 v3, v4  }
0x1c3: {  	v4 =	vperm.xlane v3, v0;
	_ =	sdelay $0x1  }
0x1c4: {  	v3 =	vperm.xlane v3, v2;
	v4 =	vadd.s32 v1, v4;
	_ =	sdelay $0x1  }
0x1c5: {  	v3 =	vadd.s32 v1, v3;
	_ =	sdelay $0x1  }
0x1c6: {  	s17 =	simm.s32 $0x12400  }
0x1c7: {  	[hbm4b:s3+s4] =	stream.indirect_vreg.scatter [tilespmem:s17], [sflag:$0x8], $0x80, v4, vm0, $0xb8;
	[tilespmem:$0x18400] =	vst v63  }
0x1c8: {  	s18 =	simm.s32 $0x12C00  }
0x1c9: {  	[hbm4b:s3+s4] =	stream.indirect_vreg.scatter [tilespmem:s18], [sflag:$0x8], $0x80, v3, vm0, $0xb8;
	[tilespmem:$0x18400] =	vst v63  }
0x1ca: {  	v3 =	vld [tilespmem:$0xB0];
	_ =	sdelay $0x4  }
0x1cb: {  	v59 =	vshll.u32 v3, $0x2  }
0x1cc: {  	v3 =	vand.u32 $0x7, v3;
	v4 =	vand.u32 $0xFFFFFFE0, v59  }
0x1cd: {  	v3 =	vor.u32 v3, v4  }
0x1ce: {  	v4 =	vperm.xlane v3, v0;
	_ =	sdelay $0x1  }
0x1cf: {  	v3 =	vperm.xlane v3, v2;
	v4 =	vadd.s32 v1, v4;
	_ =	sdelay $0x1  }
0x1d0: {  	v3 =	vadd.s32 v1, v3;
	_ =	sdelay $0x1  }
0x1d1: {  	s19 =	simm.s32 $0x13400  }
0x1d2: {  	[hbm4b:s3+s4] =	stream.indirect_vreg.scatter [tilespmem:s19], [sflag:$0x8], $0x80, v4, vm0, $0xb8;
	[tilespmem:$0x18400] =	vst v63  }
0x1d3: {  	s20 =	simm.s32 $0x13C00  }
0x1d4: {  	[hbm4b:s3+s4] =	stream.indirect_vreg.scatter [tilespmem:s20], [sflag:$0x8], $0x80, v3, vm0, $0xb8;
	[tilespmem:$0x18400] =	vst v63  }
0x1d5: {  	v3 =	vld [tilespmem:$0xC0];
	_ =	sdelay $0x4  }
0x1d6: {  	v60 =	vshll.u32 v3, $0x2  }
0x1d7: {  	v3 =	vand.u32 $0x7, v3;
	v4 =	vand.u32 $0xFFFFFFE0, v60  }
0x1d8: {  	v3 =	vor.u32 v3, v4  }
0x1d9: {  	v4 =	vperm.xlane v3, v0;
	_ =	sdelay $0x1  }
0x1da: {  	v3 =	vperm.xlane v3, v2;
	v4 =	vadd.s32 v1, v4;
	_ =	sdelay $0x1  }
0x1db: {  	v3 =	vadd.s32 v1, v3;
	_ =	sdelay $0x1  }
0x1dc: {  	s21 =	simm.s32 $0x14400  }
0x1dd: {  	[hbm4b:s3+s4] =	stream.indirect_vreg.scatter [tilespmem:s21], [sflag:$0x8], $0x80, v4, vm0, $0xb8;
	[tilespmem:$0x18400] =	vst v63  }
0x1de: {  	s22 =	simm.s32 $0x14C00  }
0x1df: {  	[hbm4b:s3+s4] =	stream.indirect_vreg.scatter [tilespmem:s22], [sflag:$0x8], $0x80, v3, vm0, $0xb8;
	[tilespmem:$0x18400] =	vst v63  }
0x1e0: {  	v3 =	vld [tilespmem:$0xD0];
	_ =	sdelay $0x4  }
0x1e1: {  	v61 =	vshll.u32 v3, $0x2  }
0x1e2: {  	v3 =	vand.u32 $0x7, v3;
	v4 =	vand.u32 $0xFFFFFFE0, v61  }
0x1e3: {  	v3 =	vor.u32 v3, v4  }
0x1e4: {  	v4 =	vperm.xlane v3, v0;
	_ =	sdelay $0x1  }
0x1e5: {  	v3 =	vperm.xlane v3, v2;
	v4 =	vadd.s32 v1, v4;
	_ =	sdelay $0x1  }
0x1e6: {  	v3 =	vadd.s32 v1, v3;
	_ =	sdelay $0x1  }
0x1e7: {  	s23 =	simm.s32 $0x15400  }
0x1e8: {  	[hbm4b:s3+s4] =	stream.indirect_vreg.scatter [tilespmem:s23], [sflag:$0x8], $0x80, v4, vm0, $0xb8;
	[tilespmem:$0x18400] =	vst v63  }
0x1e9: {  	s24 =	simm.s32 $0x15C00  }
0x1ea: {  	[hbm4b:s3+s4] =	stream.indirect_vreg.scatter [tilespmem:s24], [sflag:$0x8], $0x80, v3, vm0, $0xb8;
	[tilespmem:$0x18400] =	vst v63  }
0x1eb: {  	v3 =	vld [tilespmem:$0xE0];
	_ =	sdelay $0x4  }
0x1ec: {  	v62 =	vshll.u32 v3, $0x2  }
0x1ed: {  	v3 =	vand.u32 $0x7, v3;
	v4 =	vand.u32 $0xFFFFFFE0, v62  }
0x1ee: {  	v3 =	vor.u32 v3, v4  }
0x1ef: {  	v4 =	vperm.xlane v3, v0;
	_ =	sdelay $0x1  }
0x1f0: {  	v3 =	vperm.xlane v3, v2;
	v4 =	vadd.s32 v1, v4;
	_ =	sdelay $0x1  }
0x1f1: {  	v3 =	vadd.s32 v1, v3;
	_ =	sdelay $0x1  }
0x1f2: {  	s15 =	simm.s32 $0x16400  }
0x1f3: {  	[hbm4b:s3+s4] =	stream.indirect_vreg.scatter [tilespmem:s15], [sflag:$0x8], $0x80, v4, vm0, $0xb8;
	[tilespmem:$0x18400] =	vst v63  }
0x1f4: {  	s23 =	simm.s32 $0x16C00  }
0x1f5: {  	[hbm4b:s3+s4] =	stream.indirect_vreg.scatter [tilespmem:s23], [sflag:$0x8], $0x80, v3, vm0, $0xb8;
	[tilespmem:$0x18400] =	vst v63  }
0x1f6: {  	v3 =	vld [tilespmem:$0xF0];
	_ =	sdelay $0x4  }
0x1f7: {  	v63 =	vshll.u32 v3, $0x2  }
0x1f8: {  	v3 =	vand.u32 $0x7, v3;
	v4 =	vand.u32 $0xFFFFFFE0, v63  }
0x1f9: {  	v3 =	vor.u32 v3, v4  }
0x1fa: {  	v4 =	vperm.xlane v3, v0;
	_ =	sdelay $0x1  }
0x1fb: {  	v3 =	vperm.xlane v3, v2;
	v4 =	vadd.s32 v1, v4;
	_ =	sdelay $0x1  }
0x1fc: {  	v3 =	vadd.s32 v1, v3;
	_ =	sdelay $0x1  }
0x1fd: {  	s22 =	simm.s32 $0x17400  }
0x1fe: {  	[hbm4b:s3+s4] =	stream.indirect_vreg.scatter [tilespmem:s22], [sflag:$0x8], $0x80, v4, vm0, $0xb8;
	[tilespmem:$0x18400] =	vst v63  }
0x1ff: {  	s5 =	simm.s32 $0x8;
	s23 =	simm.s32 $0x17C00  }
0x200: {  	[hbm4b:s3+s4] =	stream.indirect_vreg.scatter [tilespmem:s23], [sflag:$0x8], $0x80, v3, vm0, $0xb8;
	[tilespmem:$0x18400] =	vst v63  }
0x201: {  	_ =	swait.ge [sflag:s5], $0x8000  }
0x202: {  	[sflag:s5] =	ssyncset.done $0x0  }
0x203: {  	[sflag:s5] =	ssyncadd.s32 $0xFFFF8000  }
0x204: {  	v3 =	vld [tilespmem:$0x300];
	_ =	sdelay $0x4  }
0x205: {  	v8 =	vshll.u32 v3, $0x1  }
0x206: {  	v3 =	vand.u32 $0x7, v3;
	v4 =	vand.u32 $0xFFFFFFF0, v8  }
0x207: {  	v3 =	vor.u32 v3, v4  }
0x208: {  	v4 =	vperm.xlane v3, v0;
	_ =	sdelay $0x1  }
0x209: {  	v3 =	vperm.xlane v3, v2;
	v4 =	vadd.s32 v1, v4;
	_ =	sdelay $0x1  }
0x20a: {  	v3 =	vadd.s32 v1, v3;
	_ =	sdelay $0x2  }
0x20b: {  	[tilespmem:s7], [sflag:$0x5] =	stream.indirect_vreg.gather [hbm4b:s1+s4], $0x80, v4, vm0, $0xb8;
	[tilespmem:$0x18400] =	vst v63  }
0x20c: {  	_ = 	snop  }
0x20d: {  	[tilespmem:s25], [sflag:$0x5] =	stream.indirect_vreg.gather [hbm4b:s1+s4], $0x80, v3, vm0, $0xb8;
	[tilespmem:$0x18400] =	vst v63  }
0x20e: {  	v3 =	vld [tilespmem:$0x310];
	_ =	sdelay $0x4  }
0x20f: {  	v9 =	vshll.u32 v3, $0x1  }
0x210: {  	v3 =	vand.u32 $0x7, v3;
	v4 =	vand.u32 $0xFFFFFFF0, v9  }
0x211: {  	v3 =	vor.u32 v3, v4  }
0x212: {  	v4 =	vperm.xlane v3, v0;
	_ =	sdelay $0x1  }
0x213: {  	v3 =	vperm.xlane v3, v2;
	v4 =	vadd.s32 v1, v4;
	_ =	sdelay $0x1  }
0x214: {  	v3 =	vadd.s32 v1, v3;
	_ =	sdelay $0x2  }
0x215: {  	[tilespmem:s12], [sflag:$0x5] =	stream.indirect_vreg.gather [hbm4b:s1+s4], $0x80, v4, vm0, $0xb8;
	[tilespmem:$0x18400] =	vst v63  }
0x216: {  	s16 =	simm.s32 $0x11C00  }
0x217: {  	[tilespmem:s16], [sflag:$0x5] =	stream.indirect_vreg.gather [hbm4b:s1+s4], $0x80, v3, vm0, $0xb8;
	[tilespmem:$0x18400] =	vst v63  }
0x218: {  	v3 =	vld [tilespmem:$0x320];
	_ =	sdelay $0x4  }
0x219: {  	v10 =	vshll.u32 v3, $0x1  }
0x21a: {  	v3 =	vand.u32 $0x7, v3;
	v4 =	vand.u32 $0xFFFFFFF0, v10  }
0x21b: {  	v3 =	vor.u32 v3, v4  }
0x21c: {  	v4 =	vperm.xlane v3, v0;
	_ =	sdelay $0x1  }
0x21d: {  	v3 =	vperm.xlane v3, v2;
	v4 =	vadd.s32 v1, v4;
	_ =	sdelay $0x1  }
0x21e: {  	v3 =	vadd.s32 v1, v3;
	_ =	sdelay $0x1  }
0x21f: {  	s9 =	simm.s32 $0x12400  }
0x220: {  	[tilespmem:s9], [sflag:$0x5] =	stream.indirect_vreg.gather [hbm4b:s1+s4], $0x80, v4, vm0, $0xb8;
	[tilespmem:$0x18400] =	vst v63  }
0x221: {  	s17 =	simm.s32 $0x12C00  }
0x222: {  	[tilespmem:s17], [sflag:$0x5] =	stream.indirect_vreg.gather [hbm4b:s1+s4], $0x80, v3, vm0, $0xb8;
	[tilespmem:$0x18400] =	vst v63  }
0x223: {  	v3 =	vld [tilespmem:$0x330];
	_ =	sdelay $0x4  }
0x224: {  	v11 =	vshll.u32 v3, $0x1  }
0x225: {  	v3 =	vand.u32 $0x7, v3;
	v4 =	vand.u32 $0xFFFFFFF0, v11  }
0x226: {  	v3 =	vor.u32 v3, v4  }
0x227: {  	v4 =	vperm.xlane v3, v0;
	_ =	sdelay $0x1  }
0x228: {  	v3 =	vperm.xlane v3, v2;
	v4 =	vadd.s32 v1, v4;
	_ =	sdelay $0x1  }
0x229: {  	v3 =	vadd.s32 v1, v3;
	_ =	sdelay $0x1  }
0x22a: {  	s11 =	simm.s32 $0x13400  }
0x22b: {  	[tilespmem:s11], [sflag:$0x5] =	stream.indirect_vreg.gather [hbm4b:s1+s4], $0x80, v4, vm0, $0xb8;
	[tilespmem:$0x18400] =	vst v63  }
0x22c: {  	s18 =	simm.s32 $0x13C00  }
0x22d: {  	[tilespmem:s18], [sflag:$0x5] =	stream.indirect_vreg.gather [hbm4b:s1+s4], $0x80, v3, vm0, $0xb8;
	[tilespmem:$0x18400] =	vst v63  }
0x22e: {  	v3 =	vld [tilespmem:$0x340];
	_ =	sdelay $0x4  }
0x22f: {  	v12 =	vshll.u32 v3, $0x1  }
0x230: {  	v3 =	vand.u32 $0x7, v3;
	v4 =	vand.u32 $0xFFFFFFF0, v12  }
0x231: {  	v3 =	vor.u32 v3, v4  }
0x232: {  	v4 =	vperm.xlane v3, v0;
	_ =	sdelay $0x1  }
0x233: {  	v3 =	vperm.xlane v3, v2;
	v4 =	vadd.s32 v1, v4;
	_ =	sdelay $0x1  }
0x234: {  	v3 =	vadd.s32 v1, v3;
	_ =	sdelay $0x1  }
0x235: {  	s13 =	simm.s32 $0x14400  }
0x236: {  	[tilespmem:s13], [sflag:$0x5] =	stream.indirect_vreg.gather [hbm4b:s1+s4], $0x80, v4, vm0, $0xb8;
	[tilespmem:$0x18400] =	vst v63  }
0x237: {  	s19 =	simm.s32 $0x14C00  }
0x238: {  	[tilespmem:s19], [sflag:$0x5] =	stream.indirect_vreg.gather [hbm4b:s1+s4], $0x80, v3, vm0, $0xb8;
	[tilespmem:$0x18400] =	vst v63  }
0x239: {  	v3 =	vld [tilespmem:$0x350];
	_ =	sdelay $0x4  }
0x23a: {  	v13 =	vshll.u32 v3, $0x1  }
0x23b: {  	v3 =	vand.u32 $0x7, v3;
	v4 =	vand.u32 $0xFFFFFFF0, v13  }
0x23c: {  	v3 =	vor.u32 v3, v4  }
0x23d: {  	v4 =	vperm.xlane v3, v0;
	_ =	sdelay $0x1  }
0x23e: {  	v3 =	vperm.xlane v3, v2;
	v4 =	vadd.s32 v1, v4;
	_ =	sdelay $0x1  }
0x23f: {  	v3 =	vadd.s32 v1, v3;
	_ =	sdelay $0x1  }
0x240: {  	s14 =	simm.s32 $0x15400  }
0x241: {  	[tilespmem:s14], [sflag:$0x5] =	stream.indirect_vreg.gather [hbm4b:s1+s4], $0x80, v4, vm0, $0xb8;
	[tilespmem:$0x18400] =	vst v63  }
0x242: {  	s20 =	simm.s32 $0x15C00  }
0x243: {  	[tilespmem:s20], [sflag:$0x5] =	stream.indirect_vreg.gather [hbm4b:s1+s4], $0x80, v3, vm0, $0xb8;
	[tilespmem:$0x18400] =	vst v63  }
0x244: {  	v3 =	vld [tilespmem:$0x360];
	_ =	sdelay $0x4  }
0x245: {  	v14 =	vshll.u32 v3, $0x1  }
0x246: {  	v3 =	vand.u32 $0x7, v3;
	v4 =	vand.u32 $0xFFFFFFF0, v14  }
0x247: {  	v3 =	vor.u32 v3, v4  }
0x248: {  	v4 =	vperm.xlane v3, v0;
	_ =	sdelay $0x1  }
0x249: {  	v3 =	vperm.xlane v3, v2;
	v4 =	vadd.s32 v1, v4;
	_ =	sdelay $0x1  }
0x24a: {  	v3 =	vadd.s32 v1, v3;
	_ =	sdelay $0x1  }
0x24b: {  	s21 =	simm.s32 $0x16400  }
0x24c: {  	[tilespmem:s21], [sflag:$0x5] =	stream.indirect_vreg.gather [hbm4b:s1+s4], $0x80, v4, vm0, $0xb8;
	[tilespmem:$0x18400] =	vst v63  }
0x24d: {  	s24 =	simm.s32 $0x16C00  }
0x24e: {  	[tilespmem:s24], [sflag:$0x5] =	stream.indirect_vreg.gather [hbm4b:s1+s4], $0x80, v3, vm0, $0xb8;
	[tilespmem:$0x18400] =	vst v63  }
0x24f: {  	v3 =	vld [tilespmem:$0x370];
	_ =	sdelay $0x4  }
0x250: {  	v15 =	vshll.u32 v3, $0x1  }
0x251: {  	v3 =	vand.u32 $0x7, v3;
	v4 =	vand.u32 $0xFFFFFFF0, v15  }
0x252: {  	v3 =	vor.u32 v3, v4  }
0x253: {  	v4 =	vperm.xlane v3, v0;
	_ =	sdelay $0x1  }
0x254: {  	v3 =	vperm.xlane v3, v2;
	v4 =	vadd.s32 v1, v4;
	_ =	sdelay $0x1  }
0x255: {  	v3 =	vadd.s32 v1, v3;
	_ =	sdelay $0x2  }
0x256: {  	[tilespmem:s22], [sflag:$0x5] =	stream.indirect_vreg.gather [hbm4b:s1+s4], $0x80, v4, vm0, $0xb8;
	[tilespmem:$0x18400] =	vst v63  }
0x257: {  	_ = 	snop  }
0x258: {  	[tilespmem:s23], [sflag:$0x5] =	stream.indirect_vreg.gather [hbm4b:s1+s4], $0x80, v3, vm0, $0xb8;
	[tilespmem:$0x18400] =	vst v63  }
0x259: {  	_ =	swait.ge [sflag:s31], $0x8000  }
0x25a: {  	[sflag:s31] =	ssyncset.done $0x0  }
0x25b: {  	[sflag:s31] =	ssyncadd.s32 $0xFFFF8000  }
0x25c: {  	v3 =	vld [tilespmem:$0x80];
	_ =	sdelay $0x4  }
0x25d: {  	v16 =	vshll.u32 v3, $0x2  }
0x25e: {  	v3 =	vand.u32 $0x7, v3;
	v4 =	vand.u32 $0xFFFFFFE0, v16  }
0x25f: {  	v3 =	vor.u32 v3, v4  }
0x260: {  	v4 =	vperm.xlane v3, v0;
	_ =	sdelay $0x1  }
0x261: {  	v3 =	vperm.xlane v3, v2;
	v4 =	vadd.s32 v1, v4;
	_ =	sdelay $0x1  }
0x262: {  	v3 =	vadd.s32 v1, v3;
	_ =	sdelay $0x1  }
0x263: {  	s7 =	simm.s32 $0x400  }
0x264: {  	[hbm4b:s6+s4] =	stream.indirect_vreg.scatter [tilespmem:s7], [sflag:$0x6], $0x80, v4, vm0, $0xb8;
	[tilespmem:$0x18400] =	vst v63  }
0x265: {  	s20 =	simm.s32 $0xC00  }
0x266: {  	[hbm4b:s6+s4] =	stream.indirect_vreg.scatter [tilespmem:s20], [sflag:$0x6], $0x80, v3, vm0, $0xb8;
	[tilespmem:$0x18400] =	vst v63  }
0x267: {  	v3 =	vld [tilespmem:$0x90];
	_ =	sdelay $0x4  }
0x268: {  	v17 =	vshll.u32 v3, $0x2  }
0x269: {  	v3 =	vand.u32 $0x7, v3;
	v4 =	vand.u32 $0xFFFFFFE0, v17  }
0x26a: {  	v3 =	vor.u32 v3, v4  }
0x26b: {  	v4 =	vperm.xlane v3, v0;
	_ =	sdelay $0x1  }
0x26c: {  	v3 =	vperm.xlane v3, v2;
	v4 =	vadd.s32 v1, v4;
	_ =	sdelay $0x1  }
0x26d: {  	v3 =	vadd.s32 v1, v3;
	_ =	sdelay $0x1  }
0x26e: {  	s24 =	simm.s32 $0x1400  }
0x26f: {  	[hbm4b:s6+s4] =	stream.indirect_vreg.scatter [tilespmem:s24], [sflag:$0x6], $0x80, v4, vm0, $0xb8;
	[tilespmem:$0x18400] =	vst v63  }
0x270: {  	s21 =	simm.s32 $0x1C00  }
0x271: {  	[hbm4b:s6+s4] =	stream.indirect_vreg.scatter [tilespmem:s21], [sflag:$0x6], $0x80, v3, vm0, $0xb8;
	[tilespmem:$0x18400] =	vst v63  }
0x272: {  	v3 =	vld [tilespmem:$0xA0];
	_ =	sdelay $0x4  }
0x273: {  	v18 =	vshll.u32 v3, $0x2  }
0x274: {  	v3 =	vand.u32 $0x7, v3;
	v4 =	vand.u32 $0xFFFFFFE0, v18  }
0x275: {  	v3 =	vor.u32 v3, v4  }
0x276: {  	v4 =	vperm.xlane v3, v0;
	_ =	sdelay $0x1  }
0x277: {  	v3 =	vperm.xlane v3, v2;
	v4 =	vadd.s32 v1, v4;
	_ =	sdelay $0x1  }
0x278: {  	v3 =	vadd.s32 v1, v3;
	_ =	sdelay $0x1  }
0x279: {  	s11 =	simm.s32 $0x2400  }
0x27a: {  	[hbm4b:s6+s4] =	stream.indirect_vreg.scatter [tilespmem:s11], [sflag:$0x6], $0x80, v4, vm0, $0xb8;
	[tilespmem:$0x18400] =	vst v63  }
0x27b: {  	s13 =	simm.s32 $0x2C00  }
0x27c: {  	[hbm4b:s6+s4] =	stream.indirect_vreg.scatter [tilespmem:s13], [sflag:$0x6], $0x80, v3, vm0, $0xb8;
	[tilespmem:$0x18400] =	vst v63  }
0x27d: {  	v3 =	vld [tilespmem:$0xB0];
	_ =	sdelay $0x4  }
0x27e: {  	v19 =	vshll.u32 v3, $0x2  }
0x27f: {  	v3 =	vand.u32 $0x7, v3;
	v4 =	vand.u32 $0xFFFFFFE0, v19  }
0x280: {  	v3 =	vor.u32 v3, v4  }
0x281: {  	v4 =	vperm.xlane v3, v0;
	_ =	sdelay $0x1  }
0x282: {  	v3 =	vperm.xlane v3, v2;
	v4 =	vadd.s32 v1, v4;
	_ =	sdelay $0x1  }
0x283: {  	v3 =	vadd.s32 v1, v3;
	_ =	sdelay $0x1  }
0x284: {  	s14 =	simm.s32 $0x3400  }
0x285: {  	[hbm4b:s6+s4] =	stream.indirect_vreg.scatter [tilespmem:s14], [sflag:$0x6], $0x80, v4, vm0, $0xb8;
	[tilespmem:$0x18400] =	vst v63  }
0x286: {  	s15 =	simm.s32 $0x3C00  }
0x287: {  	[hbm4b:s6+s4] =	stream.indirect_vreg.scatter [tilespmem:s15], [sflag:$0x6], $0x80, v3, vm0, $0xb8;
	[tilespmem:$0x18400] =	vst v63  }
0x288: {  	v3 =	vld [tilespmem:$0xC0];
	_ =	sdelay $0x4  }
0x289: {  	v20 =	vshll.u32 v3, $0x2  }
0x28a: {  	v3 =	vand.u32 $0x7, v3;
	v4 =	vand.u32 $0xFFFFFFE0, v20  }
0x28b: {  	v3 =	vor.u32 v3, v4  }
0x28c: {  	v4 =	vperm.xlane v3, v0;
	_ =	sdelay $0x1  }
0x28d: {  	v3 =	vperm.xlane v3, v2;
	v4 =	vadd.s32 v1, v4;
	_ =	sdelay $0x1  }
0x28e: {  	v3 =	vadd.s32 v1, v3;
	_ =	sdelay $0x1  }
0x28f: {  	s26 =	simm.s32 $0x4400  }
0x290: {  	[hbm4b:s6+s4] =	stream.indirect_vreg.scatter [tilespmem:s26], [sflag:$0x6], $0x80, v4, vm0, $0xb8;
	[tilespmem:$0x18400] =	vst v63  }
0x291: {  	s16 =	simm.s32 $0x4C00  }
0x292: {  	[hbm4b:s6+s4] =	stream.indirect_vreg.scatter [tilespmem:s16], [sflag:$0x6], $0x80, v3, vm0, $0xb8;
	[tilespmem:$0x18400] =	vst v63  }
0x293: {  	v3 =	vld [tilespmem:$0xD0];
	_ =	sdelay $0x4  }
0x294: {  	v21 =	vshll.u32 v3, $0x2  }
0x295: {  	v3 =	vand.u32 $0x7, v3;
	v4 =	vand.u32 $0xFFFFFFE0, v21  }
0x296: {  	v3 =	vor.u32 v3, v4  }
0x297: {  	v4 =	vperm.xlane v3, v0;
	_ =	sdelay $0x1  }
0x298: {  	v3 =	vperm.xlane v3, v2;
	v4 =	vadd.s32 v1, v4;
	_ =	sdelay $0x1  }
0x299: {  	v3 =	vadd.s32 v1, v3;
	_ =	sdelay $0x1  }
0x29a: {  	s8 =	simm.s32 $0x5400  }
0x29b: {  	[hbm4b:s6+s4] =	stream.indirect_vreg.scatter [tilespmem:s8], [sflag:$0x6], $0x80, v4, vm0, $0xb8;
	[tilespmem:$0x18400] =	vst v63  }
0x29c: {  	s17 =	simm.s32 $0x5C00  }
0x29d: {  	[hbm4b:s6+s4] =	stream.indirect_vreg.scatter [tilespmem:s17], [sflag:$0x6], $0x80, v3, vm0, $0xb8;
	[tilespmem:$0x18400] =	vst v63  }
0x29e: {  	v3 =	vld [tilespmem:$0xE0];
	_ =	sdelay $0x4  }
0x29f: {  	v22 =	vshll.u32 v3, $0x2  }
0x2a0: {  	v3 =	vand.u32 $0x7, v3;
	v4 =	vand.u32 $0xFFFFFFE0, v22  }
0x2a1: {  	v3 =	vor.u32 v3, v4  }
0x2a2: {  	v4 =	vperm.xlane v3, v0;
	_ =	sdelay $0x1  }
0x2a3: {  	v3 =	vperm.xlane v3, v2;
	v4 =	vadd.s32 v1, v4;
	_ =	sdelay $0x1  }
0x2a4: {  	v3 =	vadd.s32 v1, v3;
	_ =	sdelay $0x1  }
0x2a5: {  	s18 =	simm.s32 $0x6400  }
0x2a6: {  	[hbm4b:s6+s4] =	stream.indirect_vreg.scatter [tilespmem:s18], [sflag:$0x6], $0x80, v4, vm0, $0xb8;
	[tilespmem:$0x18400] =	vst v63  }
0x2a7: {  	s10 =	simm.s32 $0x6C00  }
0x2a8: {  	[hbm4b:s6+s4] =	stream.indirect_vreg.scatter [tilespmem:s10], [sflag:$0x6], $0x80, v3, vm0, $0xb8;
	[tilespmem:$0x18400] =	vst v63  }
0x2a9: {  	v3 =	vld [tilespmem:$0xF0];
	_ =	sdelay $0x4  }
0x2aa: {  	v23 =	vshll.u32 v3, $0x2  }
0x2ab: {  	v3 =	vand.u32 $0x7, v3;
	v4 =	vand.u32 $0xFFFFFFE0, v23  }
0x2ac: {  	v3 =	vor.u32 v3, v4  }
0x2ad: {  	v4 =	vperm.xlane v3, v0;
	_ =	sdelay $0x1  }
0x2ae: {  	v3 =	vperm.xlane v3, v2;
	v4 =	vadd.s32 v1, v4;
	_ =	sdelay $0x1  }
0x2af: {  	v3 =	vadd.s32 v1, v3;
	_ =	sdelay $0x1  }
0x2b0: {  	s30 =	simm.s32 $0x7400  }
0x2b1: {  	[hbm4b:s6+s4] =	stream.indirect_vreg.scatter [tilespmem:s30], [sflag:$0x6], $0x80, v4, vm0, $0xb8;
	[tilespmem:$0x18400] =	vst v63  }
0x2b2: {  	s19 =	simm.s32 $0x7C00  }
0x2b3: {  	[hbm4b:s6+s4] =	stream.indirect_vreg.scatter [tilespmem:s19], [sflag:$0x6], $0x80, v3, vm0, $0xb8;
	[tilespmem:$0x18400] =	vst v63  }
0x2b4: {  	_ =	swait.ge [sflag:s2], $0x8000  }
0x2b5: {  	[sflag:s2] =	ssyncset.done $0x0  }
0x2b6: {  	s20 =	rddreg [dreg:$0xb];
	[sflag:s2] =	ssyncadd.s32 $0xFFFF8000  }
0x2b7: {  	[tilespmem:s7], [sflag:$0x3] =	stream.linear.gather [hbm4b:s20+s4], $0x8000, $0x38;
	[tilespmem:$0x18400] =	vst v63  }
0x2b8: {  	_ =	swait.ge [sflag:s0], $0x8000  }
0x2b9: {  	[sflag:s0] =	ssyncset.done $0x0  }
0x2ba: {  	[sflag:s0] =	ssyncadd.s32 $0xFFFF8000  }
0x2bb: {  	v3 =	vld [tilespmem:$0x100];
	_ =	sdelay $0x4  }
0x2bc: {  	v24 =	vshll.u32 v3, $0x2  }
0x2bd: {  	v3 =	vand.u32 $0x7, v3;
	v4 =	vand.u32 $0xFFFFFFE0, v24  }
0x2be: {  	v3 =	vor.u32 v3, v4  }
0x2bf: {  	v4 =	vperm.xlane v3, v0;
	_ =	sdelay $0x1  }
0x2c0: {  	v3 =	vperm.xlane v3, v2;
	v4 =	vadd.s32 v1, v4;
	_ =	sdelay $0x1  }
0x2c1: {  	v3 =	vadd.s32 v1, v3;
	_ =	sdelay $0x1  }
0x2c2: {  	s7 =	simm.s32 $0x8400  }
0x2c3: {  	[hbm4b:s3+s4] =	stream.indirect_vreg.scatter [tilespmem:s7], [sflag:$0x7], $0x80, v4, vm0, $0xb8;
	[tilespmem:$0x18400] =	vst v63  }
0x2c4: {  	s13 =	simm.s32 $0x8C00  }
0x2c5: {  	[hbm4b:s3+s4] =	stream.indirect_vreg.scatter [tilespmem:s13], [sflag:$0x7], $0x80, v3, vm0, $0xb8;
	[tilespmem:$0x18400] =	vst v63  }
0x2c6: {  	v3 =	vld [tilespmem:$0x110];
	_ =	sdelay $0x4  }
0x2c7: {  	v25 =	vshll.u32 v3, $0x2  }
0x2c8: {  	v3 =	vand.u32 $0x7, v3;
	v4 =	vand.u32 $0xFFFFFFE0, v25  }
0x2c9: {  	v3 =	vor.u32 v3, v4  }
0x2ca: {  	v4 =	vperm.xlane v3, v0;
	_ =	sdelay $0x1  }
0x2cb: {  	v3 =	vperm.xlane v3, v2;
	v4 =	vadd.s32 v1, v4;
	_ =	sdelay $0x1  }
0x2cc: {  	v3 =	vadd.s32 v1, v3;
	_ =	sdelay $0x1  }
0x2cd: {  	s11 =	simm.s32 $0x9400  }
0x2ce: {  	[hbm4b:s3+s4] =	stream.indirect_vreg.scatter [tilespmem:s11], [sflag:$0x7], $0x80, v4, vm0, $0xb8;
	[tilespmem:$0x18400] =	vst v63  }
0x2cf: {  	s14 =	simm.s32 $0x9C00  }
0x2d0: {  	[hbm4b:s3+s4] =	stream.indirect_vreg.scatter [tilespmem:s14], [sflag:$0x7], $0x80, v3, vm0, $0xb8;
	[tilespmem:$0x18400] =	vst v63  }
0x2d1: {  	v3 =	vld [tilespmem:$0x120];
	_ =	sdelay $0x4  }
0x2d2: {  	v26 =	vshll.u32 v3, $0x2  }
0x2d3: {  	v3 =	vand.u32 $0x7, v3;
	v4 =	vand.u32 $0xFFFFFFE0, v26  }
0x2d4: {  	v3 =	vor.u32 v3, v4  }
0x2d5: {  	v4 =	vperm.xlane v3, v0;
	_ =	sdelay $0x1  }
0x2d6: {  	v3 =	vperm.xlane v3, v2;
	v4 =	vadd.s32 v1, v4;
	_ =	sdelay $0x1  }
0x2d7: {  	v3 =	vadd.s32 v1, v3;
	_ =	sdelay $0x1  }
0x2d8: {  	s26 =	simm.s32 $0xA400  }
0x2d9: {  	[hbm4b:s3+s4] =	stream.indirect_vreg.scatter [tilespmem:s26], [sflag:$0x7], $0x80, v4, vm0, $0xb8;
	[tilespmem:$0x18400] =	vst v63  }
0x2da: {  	s15 =	simm.s32 $0xAC00  }
0x2db: {  	[hbm4b:s3+s4] =	stream.indirect_vreg.scatter [tilespmem:s15], [sflag:$0x7], $0x80, v3, vm0, $0xb8;
	[tilespmem:$0x18400] =	vst v63  }
0x2dc: {  	v3 =	vld [tilespmem:$0x130];
	_ =	sdelay $0x4  }
0x2dd: {  	v27 =	vshll.u32 v3, $0x2  }
0x2de: {  	v3 =	vand.u32 $0x7, v3;
	v4 =	vand.u32 $0xFFFFFFE0, v27  }
0x2df: {  	v3 =	vor.u32 v3, v4  }
0x2e0: {  	v4 =	vperm.xlane v3, v0;
	_ =	sdelay $0x1  }
0x2e1: {  	v3 =	vperm.xlane v3, v2;
	v4 =	vadd.s32 v1, v4;
	_ =	sdelay $0x1  }
0x2e2: {  	v3 =	vadd.s32 v1, v3;
	_ =	sdelay $0x1  }
0x2e3: {  	s30 =	simm.s32 $0xB400  }
0x2e4: {  	[hbm4b:s3+s4] =	stream.indirect_vreg.scatter [tilespmem:s30], [sflag:$0x7], $0x80, v4, vm0, $0xb8;
	[tilespmem:$0x18400] =	vst v63  }
0x2e5: {  	s16 =	simm.s32 $0xBC00  }
0x2e6: {  	[hbm4b:s3+s4] =	stream.indirect_vreg.scatter [tilespmem:s16], [sflag:$0x7], $0x80, v3, vm0, $0xb8;
	[tilespmem:$0x18400] =	vst v63  }
0x2e7: {  	v3 =	vld [tilespmem:$0x140];
	_ =	sdelay $0x4  }
0x2e8: {  	v28 =	vshll.u32 v3, $0x2  }
0x2e9: {  	v3 =	vand.u32 $0x7, v3;
	v4 =	vand.u32 $0xFFFFFFE0, v28  }
0x2ea: {  	v3 =	vor.u32 v3, v4  }
0x2eb: {  	v4 =	vperm.xlane v3, v0;
	_ =	sdelay $0x1  }
0x2ec: {  	v3 =	vperm.xlane v3, v2;
	v4 =	vadd.s32 v1, v4;
	_ =	sdelay $0x1  }
0x2ed: {  	v3 =	vadd.s32 v1, v3;
	_ =	sdelay $0x1  }
0x2ee: {  	s10 =	simm.s32 $0xC400  }
0x2ef: {  	[hbm4b:s3+s4] =	stream.indirect_vreg.scatter [tilespmem:s10], [sflag:$0x7], $0x80, v4, vm0, $0xb8;
	[tilespmem:$0x18400] =	vst v63  }
0x2f0: {  	s17 =	simm.s32 $0xCC00  }
0x2f1: {  	[hbm4b:s3+s4] =	stream.indirect_vreg.scatter [tilespmem:s17], [sflag:$0x7], $0x80, v3, vm0, $0xb8;
	[tilespmem:$0x18400] =	vst v63  }
0x2f2: {  	v3 =	vld [tilespmem:$0x150];
	_ =	sdelay $0x4  }
0x2f3: {  	v29 =	vshll.u32 v3, $0x2  }
0x2f4: {  	v3 =	vand.u32 $0x7, v3;
	v4 =	vand.u32 $0xFFFFFFE0, v29  }
0x2f5: {  	v3 =	vor.u32 v3, v4  }
0x2f6: {  	v4 =	vperm.xlane v3, v0;
	_ =	sdelay $0x1  }
0x2f7: {  	v3 =	vperm.xlane v3, v2;
	v4 =	vadd.s32 v1, v4;
	_ =	sdelay $0x1  }
0x2f8: {  	v3 =	vadd.s32 v1, v3;
	_ =	sdelay $0x1  }
0x2f9: {  	s8 =	simm.s32 $0xD400  }
0x2fa: {  	[hbm4b:s3+s4] =	stream.indirect_vreg.scatter [tilespmem:s8], [sflag:$0x7], $0x80, v4, vm0, $0xb8;
	[tilespmem:$0x18400] =	vst v63  }
0x2fb: {  	s18 =	simm.s32 $0xDC00  }
0x2fc: {  	[hbm4b:s3+s4] =	stream.indirect_vreg.scatter [tilespmem:s18], [sflag:$0x7], $0x80, v3, vm0, $0xb8;
	[tilespmem:$0x18400] =	vst v63  }
0x2fd: {  	v3 =	vld [tilespmem:$0x160];
	_ =	sdelay $0x4  }
0x2fe: {  	v30 =	vshll.u32 v3, $0x2  }
0x2ff: {  	v3 =	vand.u32 $0x7, v3;
	v4 =	vand.u32 $0xFFFFFFE0, v30  }
0x300: {  	v3 =	vor.u32 v3, v4  }
0x301: {  	v4 =	vperm.xlane v3, v0;
	_ =	sdelay $0x1  }
0x302: {  	v3 =	vperm.xlane v3, v2;
	v4 =	vadd.s32 v1, v4;
	_ =	sdelay $0x1  }
0x303: {  	v3 =	vadd.s32 v1, v3;
	_ =	sdelay $0x1  }
0x304: {  	s9 =	simm.s32 $0xE400  }
0x305: {  	[hbm4b:s3+s4] =	stream.indirect_vreg.scatter [tilespmem:s9], [sflag:$0x7], $0x80, v4, vm0, $0xb8;
	[tilespmem:$0x18400] =	vst v63  }
0x306: {  	s19 =	simm.s32 $0xEC00  }
0x307: {  	[hbm4b:s3+s4] =	stream.indirect_vreg.scatter [tilespmem:s19], [sflag:$0x7], $0x80, v3, vm0, $0xb8;
	[tilespmem:$0x18400] =	vst v63  }
0x308: {  	v3 =	vld [tilespmem:$0x170];
	_ =	sdelay $0x4  }
0x309: {  	v31 =	vshll.u32 v3, $0x2  }
0x30a: {  	v3 =	vand.u32 $0x7, v3;
	v4 =	vand.u32 $0xFFFFFFE0, v31  }
0x30b: {  	v3 =	vor.u32 v3, v4  }
0x30c: {  	v4 =	vperm.xlane v3, v0;
	_ =	sdelay $0x1  }
0x30d: {  	v3 =	vperm.xlane v3, v2;
	v4 =	vadd.s32 v1, v4;
	_ =	sdelay $0x1  }
0x30e: {  	v3 =	vadd.s32 v1, v3;
	_ =	sdelay $0x1  }
0x30f: {  	s20 =	simm.s32 $0xF400  }
0x310: {  	[hbm4b:s3+s4] =	stream.indirect_vreg.scatter [tilespmem:s20], [sflag:$0x7], $0x80, v4, vm0, $0xb8;
	[tilespmem:$0x18400] =	vst v63  }
0x311: {  	s21 =	simm.s32 $0xFC00  }
0x312: {  	[hbm4b:s3+s4] =	stream.indirect_vreg.scatter [tilespmem:s21], [sflag:$0x7], $0x80, v3, vm0, $0xb8;
	[tilespmem:$0x18400] =	vst v63  }
0x313: {  	_ =	swait.ge [sflag:s28], $0x8000  }
0x314: {  	[sflag:s28] =	ssyncset.done $0x0  }
0x315: {  	[sflag:s28] =	ssyncadd.s32 $0xFFFF8000  }
0x316: {  	v3 =	vld [tilespmem:$0x380];
	_ =	sdelay $0x4  }
0x317: {  	v32 =	vshll.u32 v3, $0x1  }
0x318: {  	v3 =	vand.u32 $0x7, v3;
	v4 =	vand.u32 $0xFFFFFFF0, v32  }
0x319: {  	v3 =	vor.u32 v3, v4  }
0x31a: {  	v4 =	vperm.xlane v3, v0;
	_ =	sdelay $0x1  }
0x31b: {  	v3 =	vperm.xlane v3, v2;
	v4 =	vadd.s32 v1, v4;
	_ =	sdelay $0x1  }
0x31c: {  	v3 =	vadd.s32 v1, v3;
	_ =	sdelay $0x2  }
0x31d: {  	[tilespmem:s7], [sflag:$0x4] =	stream.indirect_vreg.gather [hbm4b:s1+s4], $0x80, v4, vm0, $0xb8;
	[tilespmem:$0x18400] =	vst v63  }
0x31e: {  	_ = 	snop  }
0x31f: {  	[tilespmem:s13], [sflag:$0x4] =	stream.indirect_vreg.gather [hbm4b:s1+s4], $0x80, v3, vm0, $0xb8;
	[tilespmem:$0x18400] =	vst v63  }
0x320: {  	v3 =	vld [tilespmem:$0x390];
	_ =	sdelay $0x4  }
0x321: {  	v33 =	vshll.u32 v3, $0x1  }
0x322: {  	v3 =	vand.u32 $0x7, v3;
	v4 =	vand.u32 $0xFFFFFFF0, v33  }
0x323: {  	v3 =	vor.u32 v3, v4  }
0x324: {  	v4 =	vperm.xlane v3, v0;
	_ =	sdelay $0x1  }
0x325: {  	v3 =	vperm.xlane v3, v2;
	v4 =	vadd.s32 v1, v4;
	_ =	sdelay $0x1  }
0x326: {  	v3 =	vadd.s32 v1, v3;
	_ =	sdelay $0x2  }
0x327: {  	[tilespmem:s11], [sflag:$0x4] =	stream.indirect_vreg.gather [hbm4b:s1+s4], $0x80, v4, vm0, $0xb8;
	[tilespmem:$0x18400] =	vst v63  }
0x328: {  	_ = 	snop  }
0x329: {  	[tilespmem:s14], [sflag:$0x4] =	stream.indirect_vreg.gather [hbm4b:s1+s4], $0x80, v3, vm0, $0xb8;
	[tilespmem:$0x18400] =	vst v63  }
0x32a: {  	v3 =	vld [tilespmem:$0x3A0];
	_ =	sdelay $0x4  }
0x32b: {  	v34 =	vshll.u32 v3, $0x1  }
0x32c: {  	v3 =	vand.u32 $0x7, v3;
	v4 =	vand.u32 $0xFFFFFFF0, v34  }
0x32d: {  	v3 =	vor.u32 v3, v4  }
0x32e: {  	v4 =	vperm.xlane v3, v0;
	_ =	sdelay $0x1  }
0x32f: {  	v3 =	vperm.xlane v3, v2;
	v4 =	vadd.s32 v1, v4;
	_ =	sdelay $0x1  }
0x330: {  	v3 =	vadd.s32 v1, v3;
	_ =	sdelay $0x2  }
0x331: {  	[tilespmem:s26], [sflag:$0x4] =	stream.indirect_vreg.gather [hbm4b:s1+s4], $0x80, v4, vm0, $0xb8;
	[tilespmem:$0x18400] =	vst v63  }
0x332: {  	_ = 	snop  }
0x333: {  	[tilespmem:s15], [sflag:$0x4] =	stream.indirect_vreg.gather [hbm4b:s1+s4], $0x80, v3, vm0, $0xb8;
	[tilespmem:$0x18400] =	vst v63  }
0x334: {  	v3 =	vld [tilespmem:$0x3B0];
	_ =	sdelay $0x4  }
0x335: {  	v35 =	vshll.u32 v3, $0x1  }
0x336: {  	v3 =	vand.u32 $0x7, v3;
	v4 =	vand.u32 $0xFFFFFFF0, v35  }
0x337: {  	v3 =	vor.u32 v3, v4  }
0x338: {  	v4 =	vperm.xlane v3, v0;
	_ =	sdelay $0x1  }
0x339: {  	v3 =	vperm.xlane v3, v2;
	v4 =	vadd.s32 v1, v4;
	_ =	sdelay $0x1  }
0x33a: {  	v3 =	vadd.s32 v1, v3;
	_ =	sdelay $0x2  }
0x33b: {  	[tilespmem:s30], [sflag:$0x4] =	stream.indirect_vreg.gather [hbm4b:s1+s4], $0x80, v4, vm0, $0xb8;
	[tilespmem:$0x18400] =	vst v63  }
0x33c: {  	_ = 	snop  }
0x33d: {  	[tilespmem:s16], [sflag:$0x4] =	stream.indirect_vreg.gather [hbm4b:s1+s4], $0x80, v3, vm0, $0xb8;
	[tilespmem:$0x18400] =	vst v63  }
0x33e: {  	v3 =	vld [tilespmem:$0x3C0];
	_ =	sdelay $0x4  }
0x33f: {  	v36 =	vshll.u32 v3, $0x1  }
0x340: {  	v3 =	vand.u32 $0x7, v3;
	v4 =	vand.u32 $0xFFFFFFF0, v36  }
0x341: {  	v3 =	vor.u32 v3, v4  }
0x342: {  	v4 =	vperm.xlane v3, v0;
	_ =	sdelay $0x1  }
0x343: {  	v3 =	vperm.xlane v3, v2;
	v4 =	vadd.s32 v1, v4;
	_ =	sdelay $0x1  }
0x344: {  	v3 =	vadd.s32 v1, v3;
	_ =	sdelay $0x2  }
0x345: {  	[tilespmem:s10], [sflag:$0x4] =	stream.indirect_vreg.gather [hbm4b:s1+s4], $0x80, v4, vm0, $0xb8;
	[tilespmem:$0x18400] =	vst v63  }
0x346: {  	_ = 	snop  }
0x347: {  	[tilespmem:s17], [sflag:$0x4] =	stream.indirect_vreg.gather [hbm4b:s1+s4], $0x80, v3, vm0, $0xb8;
	[tilespmem:$0x18400] =	vst v63  }
0x348: {  	v3 =	vld [tilespmem:$0x3D0];
	_ =	sdelay $0x4  }
0x349: {  	v37 =	vshll.u32 v3, $0x1  }
0x34a: {  	v3 =	vand.u32 $0x7, v3;
	v4 =	vand.u32 $0xFFFFFFF0, v37  }
0x34b: {  	v3 =	vor.u32 v3, v4  }
0x34c: {  	v4 =	vperm.xlane v3, v0;
	_ =	sdelay $0x1  }
0x34d: {  	v3 =	vperm.xlane v3, v2;
	v4 =	vadd.s32 v1, v4;
	_ =	sdelay $0x1  }
0x34e: {  	v3 =	vadd.s32 v1, v3;
	_ =	sdelay $0x2  }
0x34f: {  	[tilespmem:s8], [sflag:$0x4] =	stream.indirect_vreg.gather [hbm4b:s1+s4], $0x80, v4, vm0, $0xb8;
	[tilespmem:$0x18400] =	vst v63  }
0x350: {  	_ = 	snop  }
0x351: {  	[tilespmem:s18], [sflag:$0x4] =	stream.indirect_vreg.gather [hbm4b:s1+s4], $0x80, v3, vm0, $0xb8;
	[tilespmem:$0x18400] =	vst v63  }
0x352: {  	v3 =	vld [tilespmem:$0x3E0];
	_ =	sdelay $0x4  }
0x353: {  	v38 =	vshll.u32 v3, $0x1  }
0x354: {  	v3 =	vand.u32 $0x7, v3;
	v4 =	vand.u32 $0xFFFFFFF0, v38  }
0x355: {  	v3 =	vor.u32 v3, v4  }
0x356: {  	v4 =	vperm.xlane v3, v0;
	_ =	sdelay $0x1  }
0x357: {  	v3 =	vperm.xlane v3, v2;
	v4 =	vadd.s32 v1, v4;
	_ =	sdelay $0x1  }
0x358: {  	v3 =	vadd.s32 v1, v3;
	_ =	sdelay $0x2  }
0x359: {  	[tilespmem:s9], [sflag:$0x4] =	stream.indirect_vreg.gather [hbm4b:s1+s4], $0x80, v4, vm0, $0xb8;
	[tilespmem:$0x18400] =	vst v63  }
0x35a: {  	_ = 	snop  }
0x35b: {  	[tilespmem:s19], [sflag:$0x4] =	stream.indirect_vreg.gather [hbm4b:s1+s4], $0x80, v3, vm0, $0xb8;
	[tilespmem:$0x18400] =	vst v63  }
0x35c: {  	v3 =	vld [tilespmem:$0x3F0];
	_ =	sdelay $0x4  }
0x35d: {  	v39 =	vshll.u32 v3, $0x1  }
0x35e: {  	v3 =	vand.u32 $0x7, v3;
	v4 =	vand.u32 $0xFFFFFFF0, v39  }
0x35f: {  	v3 =	vor.u32 v3, v4  }
0x360: {  	v4 =	vperm.xlane v3, v0;
	_ =	sdelay $0x1  }
0x361: {  	v3 =	vperm.xlane v3, v2;
	v4 =	vadd.s32 v1, v4;
	_ =	sdelay $0x1  }
0x362: {  	v3 =	vadd.s32 v1, v3;
	_ =	sdelay $0x2  }
0x363: {  	[tilespmem:s20], [sflag:$0x4] =	stream.indirect_vreg.gather [hbm4b:s1+s4], $0x80, v4, vm0, $0xb8;
	[tilespmem:$0x18400] =	vst v63  }
0x364: {  	_ = 	snop  }
0x365: {  	[tilespmem:s21], [sflag:$0x4] =	stream.indirect_vreg.gather [hbm4b:s1+s4], $0x80, v3, vm0, $0xb8;
	[tilespmem:$0x18400] =	vst v63  }
0x366: {  	_ =	swait.ge [sflag:s29], $0x8000  }
0x367: {  	[sflag:s29] =	ssyncset.done $0x0  }
0x368: {  	[sflag:s29] =	ssyncadd.s32 $0xFFFF8000  }
0x369: {  	v3 =	vld [tilespmem:$0x100];
	_ =	sdelay $0x4  }
0x36a: {  	v40 =	vshll.u32 v3, $0x2  }
0x36b: {  	v3 =	vand.u32 $0x7, v3;
	v4 =	vand.u32 $0xFFFFFFE0, v40  }
0x36c: {  	v3 =	vor.u32 v3, v4  }
0x36d: {  	v4 =	vperm.xlane v3, v0;
	_ =	sdelay $0x1  }
0x36e: {  	v3 =	vperm.xlane v3, v2;
	v4 =	vadd.s32 v1, v4;
	_ =	sdelay $0x1  }
0x36f: {  	v3 =	vadd.s32 v1, v3;
	_ =	sdelay $0x1  }
0x370: {  	s21 =	simm.s32 $0x10400  }
0x371: {  	[hbm4b:s6+s4] =	stream.indirect_vreg.scatter [tilespmem:s21], [sflag:$0x8], $0x80, v4, vm0, $0xb8;
	[tilespmem:$0x18400] =	vst v63  }
0x372: {  	_ = 	snop  }
0x373: {  	[hbm4b:s6+s4] =	stream.indirect_vreg.scatter [tilespmem:s25], [sflag:$0x8], $0x80, v3, vm0, $0xb8;
	[tilespmem:$0x18400] =	vst v63  }
0x374: {  	v3 =	vld [tilespmem:$0x110];
	_ =	sdelay $0x4  }
0x375: {  	v41 =	vshll.u32 v3, $0x2  }
0x376: {  	v3 =	vand.u32 $0x7, v3;
	v4 =	vand.u32 $0xFFFFFFE0, v41  }
0x377: {  	v3 =	vor.u32 v3, v4  }
0x378: {  	v4 =	vperm.xlane v3, v0;
	_ =	sdelay $0x1  }
0x379: {  	v3 =	vperm.xlane v3, v2;
	v4 =	vadd.s32 v1, v4;
	_ =	sdelay $0x1  }
0x37a: {  	v3 =	vadd.s32 v1, v3;
	_ =	sdelay $0x2  }
0x37b: {  	[hbm4b:s6+s4] =	stream.indirect_vreg.scatter [tilespmem:s12], [sflag:$0x8], $0x80, v4, vm0, $0xb8;
	[tilespmem:$0x18400] =	vst v63  }
0x37c: {  	s29 =	simm.s32 $0x11C00  }
0x37d: {  	[hbm4b:s6+s4] =	stream.indirect_vreg.scatter [tilespmem:s29], [sflag:$0x8], $0x80, v3, vm0, $0xb8;
	[tilespmem:$0x18400] =	vst v63  }
0x37e: {  	v3 =	vld [tilespmem:$0x120];
	_ =	sdelay $0x4  }
0x37f: {  	v42 =	vshll.u32 v3, $0x2  }
0x380: {  	v3 =	vand.u32 $0x7, v3;
	v4 =	vand.u32 $0xFFFFFFE0, v42  }
0x381: {  	v3 =	vor.u32 v3, v4  }
0x382: {  	v4 =	vperm.xlane v3, v0;
	_ =	sdelay $0x1  }
0x383: {  	v3 =	vperm.xlane v3, v2;
	v4 =	vadd.s32 v1, v4;
	_ =	sdelay $0x1  }
0x384: {  	v3 =	vadd.s32 v1, v3;
	_ =	sdelay $0x1  }
0x385: {  	s20 =	simm.s32 $0x12400  }
0x386: {  	[hbm4b:s6+s4] =	stream.indirect_vreg.scatter [tilespmem:s20], [sflag:$0x8], $0x80, v4, vm0, $0xb8;
	[tilespmem:$0x18400] =	vst v63  }
0x387: {  	s21 =	simm.s32 $0x12C00  }
0x388: {  	[hbm4b:s6+s4] =	stream.indirect_vreg.scatter [tilespmem:s21], [sflag:$0x8], $0x80, v3, vm0, $0xb8;
	[tilespmem:$0x18400] =	vst v63  }
0x389: {  	v3 =	vld [tilespmem:$0x130];
	_ =	sdelay $0x4  }
0x38a: {  	v43 =	vshll.u32 v3, $0x2  }
0x38b: {  	v3 =	vand.u32 $0x7, v3;
	v4 =	vand.u32 $0xFFFFFFE0, v43  }
0x38c: {  	v3 =	vor.u32 v3, v4  }
0x38d: {  	v4 =	vperm.xlane v3, v0;
	_ =	sdelay $0x1  }
0x38e: {  	v3 =	vperm.xlane v3, v2;
	v4 =	vadd.s32 v1, v4;
	_ =	sdelay $0x1  }
0x38f: {  	v3 =	vadd.s32 v1, v3;
	_ =	sdelay $0x1  }
0x390: {  	s25 =	simm.s32 $0x13400  }
0x391: {  	[hbm4b:s6+s4] =	stream.indirect_vreg.scatter [tilespmem:s25], [sflag:$0x8], $0x80, v4, vm0, $0xb8;
	[tilespmem:$0x18400] =	vst v63  }
0x392: {  	s29 =	simm.s32 $0x13C00  }
0x393: {  	[hbm4b:s6+s4] =	stream.indirect_vreg.scatter [tilespmem:s29], [sflag:$0x8], $0x80, v3, vm0, $0xb8;
	[tilespmem:$0x18400] =	vst v63  }
0x394: {  	v3 =	vld [tilespmem:$0x140];
	_ =	sdelay $0x4  }
0x395: {  	v44 =	vshll.u32 v3, $0x2  }
0x396: {  	v3 =	vand.u32 $0x7, v3;
	v4 =	vand.u32 $0xFFFFFFE0, v44  }
0x397: {  	v3 =	vor.u32 v3, v4  }
0x398: {  	v4 =	vperm.xlane v3, v0;
	_ =	sdelay $0x1  }
0x399: {  	v3 =	vperm.xlane v3, v2;
	v4 =	vadd.s32 v1, v4;
	_ =	sdelay $0x1  }
0x39a: {  	v3 =	vadd.s32 v1, v3;
	_ =	sdelay $0x1  }
0x39b: {  	s20 =	simm.s32 $0x14400  }
0x39c: {  	[hbm4b:s6+s4] =	stream.indirect_vreg.scatter [tilespmem:s20], [sflag:$0x8], $0x80, v4, vm0, $0xb8;
	[tilespmem:$0x18400] =	vst v63  }
0x39d: {  	s21 =	simm.s32 $0x14C00  }
0x39e: {  	[hbm4b:s6+s4] =	stream.indirect_vreg.scatter [tilespmem:s21], [sflag:$0x8], $0x80, v3, vm0, $0xb8;
	[tilespmem:$0x18400] =	vst v63  }
0x39f: {  	v3 =	vld [tilespmem:$0x150];
	_ =	sdelay $0x4  }
0x3a0: {  	v45 =	vshll.u32 v3, $0x2  }
0x3a1: {  	v3 =	vand.u32 $0x7, v3;
	v4 =	vand.u32 $0xFFFFFFE0, v45  }
0x3a2: {  	v3 =	vor.u32 v3, v4  }
0x3a3: {  	v4 =	vperm.xlane v3, v0;
	_ =	sdelay $0x1  }
0x3a4: {  	v3 =	vperm.xlane v3, v2;
	v4 =	vadd.s32 v1, v4;
	_ =	sdelay $0x1  }
0x3a5: {  	v3 =	vadd.s32 v1, v3;
	_ =	sdelay $0x1  }
0x3a6: {  	s25 =	simm.s32 $0x15400  }
0x3a7: {  	[hbm4b:s6+s4] =	stream.indirect_vreg.scatter [tilespmem:s25], [sflag:$0x8], $0x80, v4, vm0, $0xb8;
	[tilespmem:$0x18400] =	vst v63  }
0x3a8: {  	s29 =	simm.s32 $0x15C00  }
0x3a9: {  	[hbm4b:s6+s4] =	stream.indirect_vreg.scatter [tilespmem:s29], [sflag:$0x8], $0x80, v3, vm0, $0xb8;
	[tilespmem:$0x18400] =	vst v63  }
0x3aa: {  	v3 =	vld [tilespmem:$0x160];
	_ =	sdelay $0x4  }
0x3ab: {  	v46 =	vshll.u32 v3, $0x2  }
0x3ac: {  	v3 =	vand.u32 $0x7, v3;
	v4 =	vand.u32 $0xFFFFFFE0, v46  }
0x3ad: {  	v3 =	vor.u32 v3, v4  }
0x3ae: {  	v4 =	vperm.xlane v3, v0;
	_ =	sdelay $0x1  }
0x3af: {  	v3 =	vperm.xlane v3, v2;
	v4 =	vadd.s32 v1, v4;
	_ =	sdelay $0x1  }
0x3b0: {  	v3 =	vadd.s32 v1, v3;
	_ =	sdelay $0x1  }
0x3b1: {  	s20 =	simm.s32 $0x16400  }
0x3b2: {  	[hbm4b:s6+s4] =	stream.indirect_vreg.scatter [tilespmem:s20], [sflag:$0x8], $0x80, v4, vm0, $0xb8;
	[tilespmem:$0x18400] =	vst v63  }
0x3b3: {  	s21 =	simm.s32 $0x16C00  }
0x3b4: {  	[hbm4b:s6+s4] =	stream.indirect_vreg.scatter [tilespmem:s21], [sflag:$0x8], $0x80, v3, vm0, $0xb8;
	[tilespmem:$0x18400] =	vst v63  }
0x3b5: {  	v3 =	vld [tilespmem:$0x170];
	_ =	sdelay $0x4  }
0x3b6: {  	v47 =	vshll.u32 v3, $0x2  }
0x3b7: {  	v3 =	vand.u32 $0x7, v3;
	v4 =	vand.u32 $0xFFFFFFE0, v47  }
0x3b8: {  	v3 =	vor.u32 v3, v4  }
0x3b9: {  	v4 =	vperm.xlane v3, v0;
	_ =	sdelay $0x1  }
0x3ba: {  	v3 =	vperm.xlane v3, v2;
	v4 =	vadd.s32 v1, v4;
	_ =	sdelay $0x1  }
0x3bb: {  	v3 =	vadd.s32 v1, v3;
	_ =	sdelay $0x2  }
0x3bc: {  	[hbm4b:s6+s4] =	stream.indirect_vreg.scatter [tilespmem:s22], [sflag:$0x8], $0x80, v4, vm0, $0xb8;
	[tilespmem:$0x18400] =	vst v63  }
0x3bd: {  	_ = 	snop  }
0x3be: {  	[hbm4b:s6+s4] =	stream.indirect_vreg.scatter [tilespmem:s23], [sflag:$0x8], $0x80, v3, vm0, $0xb8;
	[tilespmem:$0x18400] =	vst v63  }
0x3bf: {  	_ =	swait.ge [sflag:s31], $0x8000  }
0x3c0: {  	[sflag:s31] =	ssyncset.done $0x0  }
0x3c1: {  	[sflag:s31] =	ssyncadd.s32 $0xFFFF8000  }
0x3c2: {  	v3 =	vld [tilespmem:$0x180];
	_ =	sdelay $0x4  }
0x3c3: {  	v48 =	vshll.u32 v3, $0x2  }
0x3c4: {  	v3 =	vand.u32 $0x7, v3;
	v4 =	vand.u32 $0xFFFFFFE0, v48  }
0x3c5: {  	v3 =	vor.u32 v3, v4  }
0x3c6: {  	v4 =	vperm.xlane v3, v0;
	_ =	sdelay $0x1  }
0x3c7: {  	v3 =	vperm.xlane v3, v2;
	v4 =	vadd.s32 v1, v4;
	_ =	sdelay $0x1  }
0x3c8: {  	v3 =	vadd.s32 v1, v3;
	_ =	sdelay $0x1  }
0x3c9: {  	s23 =	simm.s32 $0x400  }
0x3ca: {  	[hbm4b:s3+s4] =	stream.indirect_vreg.scatter [tilespmem:s23], [sflag:$0x6], $0x80, v4, vm0, $0xb8;
	[tilespmem:$0x18400] =	vst v63  }
0x3cb: {  	s25 =	simm.s32 $0xC00  }
0x3cc: {  	[hbm4b:s3+s4] =	stream.indirect_vreg.scatter [tilespmem:s25], [sflag:$0x6], $0x80, v3, vm0, $0xb8;
	[tilespmem:$0x18400] =	vst v63  }
0x3cd: {  	v3 =	vld [tilespmem:$0x190];
	_ =	sdelay $0x4  }
0x3ce: {  	v49 =	vshll.u32 v3, $0x2  }
0x3cf: {  	v3 =	vand.u32 $0x7, v3;
	v4 =	vand.u32 $0xFFFFFFE0, v49  }
0x3d0: {  	v3 =	vor.u32 v3, v4  }
0x3d1: {  	v4 =	vperm.xlane v3, v0;
	_ =	sdelay $0x1  }
0x3d2: {  	v3 =	vperm.xlane v3, v2;
	v4 =	vadd.s32 v1, v4;
	_ =	sdelay $0x1  }
0x3d3: {  	v3 =	vadd.s32 v1, v3;
	_ =	sdelay $0x2  }
0x3d4: {  	[hbm4b:s3+s4] =	stream.indirect_vreg.scatter [tilespmem:s24], [sflag:$0x6], $0x80, v4, vm0, $0xb8;
	[tilespmem:$0x18400] =	vst v63  }
0x3d5: {  	s29 =	simm.s32 $0x1C00  }
0x3d6: {  	[hbm4b:s3+s4] =	stream.indirect_vreg.scatter [tilespmem:s29], [sflag:$0x6], $0x80, v3, vm0, $0xb8;
	[tilespmem:$0x18400] =	vst v63  }
0x3d7: {  	v3 =	vld [tilespmem:$0x1A0];
	_ =	sdelay $0x4  }
0x3d8: {  	v50 =	vshll.u32 v3, $0x2  }
0x3d9: {  	v3 =	vand.u32 $0x7, v3;
	v4 =	vand.u32 $0xFFFFFFE0, v50  }
0x3da: {  	v3 =	vor.u32 v3, v4  }
0x3db: {  	v4 =	vperm.xlane v3, v0;
	_ =	sdelay $0x1  }
0x3dc: {  	v3 =	vperm.xlane v3, v2;
	v4 =	vadd.s32 v1, v4;
	_ =	sdelay $0x1  }
0x3dd: {  	v3 =	vadd.s32 v1, v3;
	_ =	sdelay $0x1  }
0x3de: {  	s20 =	simm.s32 $0x2400  }
0x3df: {  	[hbm4b:s3+s4] =	stream.indirect_vreg.scatter [tilespmem:s20], [sflag:$0x6], $0x80, v4, vm0, $0xb8;
	[tilespmem:$0x18400] =	vst v63  }
0x3e0: {  	s21 =	simm.s32 $0x2C00  }
0x3e1: {  	[hbm4b:s3+s4] =	stream.indirect_vreg.scatter [tilespmem:s21], [sflag:$0x6], $0x80, v3, vm0, $0xb8;
	[tilespmem:$0x18400] =	vst v63  }
0x3e2: {  	v3 =	vld [tilespmem:$0x1B0];
	_ =	sdelay $0x4  }
0x3e3: {  	v51 =	vshll.u32 v3, $0x2  }
0x3e4: {  	v3 =	vand.u32 $0x7, v3;
	v4 =	vand.u32 $0xFFFFFFE0, v51  }
0x3e5: {  	v3 =	vor.u32 v3, v4  }
0x3e6: {  	v4 =	vperm.xlane v3, v0;
	_ =	sdelay $0x1  }
0x3e7: {  	v3 =	vperm.xlane v3, v2;
	v4 =	vadd.s32 v1, v4;
	_ =	sdelay $0x1  }
0x3e8: {  	v3 =	vadd.s32 v1, v3;
	_ =	sdelay $0x1  }
0x3e9: {  	s22 =	simm.s32 $0x3400  }
0x3ea: {  	[hbm4b:s3+s4] =	stream.indirect_vreg.scatter [tilespmem:s22], [sflag:$0x6], $0x80, v4, vm0, $0xb8;
	[tilespmem:$0x18400] =	vst v63  }
0x3eb: {  	s23 =	simm.s32 $0x3C00  }
0x3ec: {  	[hbm4b:s3+s4] =	stream.indirect_vreg.scatter [tilespmem:s23], [sflag:$0x6], $0x80, v3, vm0, $0xb8;
	[tilespmem:$0x18400] =	vst v63  }
0x3ed: {  	v3 =	vld [tilespmem:$0x1C0];
	_ =	sdelay $0x4  }
0x3ee: {  	v52 =	vshll.u32 v3, $0x2  }
0x3ef: {  	v3 =	vand.u32 $0x7, v3;
	v4 =	vand.u32 $0xFFFFFFE0, v52  }
0x3f0: {  	v3 =	vor.u32 v3, v4  }
0x3f1: {  	v4 =	vperm.xlane v3, v0;
	_ =	sdelay $0x1  }
0x3f2: {  	v3 =	vperm.xlane v3, v2;
	v4 =	vadd.s32 v1, v4;
	_ =	sdelay $0x1  }
0x3f3: {  	v3 =	vadd.s32 v1, v3;
	_ =	sdelay $0x1  }
0x3f4: {  	s24 =	simm.s32 $0x4400  }
0x3f5: {  	[hbm4b:s3+s4] =	stream.indirect_vreg.scatter [tilespmem:s24], [sflag:$0x6], $0x80, v4, vm0, $0xb8;
	[tilespmem:$0x18400] =	vst v63  }
0x3f6: {  	s25 =	simm.s32 $0x4C00  }
0x3f7: {  	[hbm4b:s3+s4] =	stream.indirect_vreg.scatter [tilespmem:s25], [sflag:$0x6], $0x80, v3, vm0, $0xb8;
	[tilespmem:$0x18400] =	vst v63  }
0x3f8: {  	v3 =	vld [tilespmem:$0x1D0];
	_ =	sdelay $0x4  }
0x3f9: {  	v53 =	vshll.u32 v3, $0x2  }
0x3fa: {  	v3 =	vand.u32 $0x7, v3;
	v4 =	vand.u32 $0xFFFFFFE0, v53  }
0x3fb: {  	v3 =	vor.u32 v3, v4  }
0x3fc: {  	v4 =	vperm.xlane v3, v0;
	_ =	sdelay $0x1  }
0x3fd: {  	v3 =	vperm.xlane v3, v2;
	v4 =	vadd.s32 v1, v4;
	_ =	sdelay $0x1  }
0x3fe: {  	v3 =	vadd.s32 v1, v3;
	_ =	sdelay $0x1  }
0x3ff: {  	s29 =	simm.s32 $0x5400  }
0x400: {  	[hbm4b:s3+s4] =	stream.indirect_vreg.scatter [tilespmem:s29], [sflag:$0x6], $0x80, v4, vm0, $0xb8;
	[tilespmem:$0x18400] =	vst v63  }
0x401: {  	s20 =	simm.s32 $0x5C00  }
0x402: {  	[hbm4b:s3+s4] =	stream.indirect_vreg.scatter [tilespmem:s20], [sflag:$0x6], $0x80, v3, vm0, $0xb8;
	[tilespmem:$0x18400] =	vst v63  }
0x403: {  	v3 =	vld [tilespmem:$0x1E0];
	_ =	sdelay $0x4  }
0x404: {  	v54 =	vshll.u32 v3, $0x2  }
0x405: {  	v3 =	vand.u32 $0x7, v3;
	v4 =	vand.u32 $0xFFFFFFE0, v54  }
0x406: {  	v3 =	vor.u32 v3, v4  }
0x407: {  	v4 =	vperm.xlane v3, v0;
	_ =	sdelay $0x1  }
0x408: {  	v3 =	vperm.xlane v3, v2;
	v4 =	vadd.s32 v1, v4;
	_ =	sdelay $0x1  }
0x409: {  	v3 =	vadd.s32 v1, v3;
	_ =	sdelay $0x1  }
0x40a: {  	s21 =	simm.s32 $0x6400  }
0x40b: {  	[hbm4b:s3+s4] =	stream.indirect_vreg.scatter [tilespmem:s21], [sflag:$0x6], $0x80, v4, vm0, $0xb8;
	[tilespmem:$0x18400] =	vst v63  }
0x40c: {  	s22 =	simm.s32 $0x6C00  }
0x40d: {  	[hbm4b:s3+s4] =	stream.indirect_vreg.scatter [tilespmem:s22], [sflag:$0x6], $0x80, v3, vm0, $0xb8;
	[tilespmem:$0x18400] =	vst v63  }
0x40e: {  	v3 =	vld [tilespmem:$0x1F0];
	_ =	sdelay $0x4  }
0x40f: {  	v55 =	vshll.u32 v3, $0x2  }
0x410: {  	v3 =	vand.u32 $0x7, v3;
	v4 =	vand.u32 $0xFFFFFFE0, v55  }
0x411: {  	v3 =	vor.u32 v3, v4  }
0x412: {  	v4 =	vperm.xlane v3, v0;
	_ =	sdelay $0x1  }
0x413: {  	v3 =	vperm.xlane v3, v2;
	v4 =	vadd.s32 v1, v4;
	_ =	sdelay $0x1  }
0x414: {  	v3 =	vadd.s32 v1, v3;
	_ =	sdelay $0x1  }
0x415: {  	s23 =	simm.s32 $0x7400  }
0x416: {  	[hbm4b:s3+s4] =	stream.indirect_vreg.scatter [tilespmem:s23], [sflag:$0x6], $0x80, v4, vm0, $0xb8;
	[tilespmem:$0x18400] =	vst v63  }
0x417: {  	s24 =	simm.s32 $0x7C00  }
0x418: {  	[hbm4b:s3+s4] =	stream.indirect_vreg.scatter [tilespmem:s24], [sflag:$0x6], $0x80, v3, vm0, $0xb8;
	[tilespmem:$0x18400] =	vst v63  }
0x419: {  	_ =	swait.ge [sflag:s0], $0x8000  }
0x41a: {  	[sflag:s0] =	ssyncset.done $0x0  }
0x41b: {  	[sflag:s0] =	ssyncadd.s32 $0xFFFF8000  }
0x41c: {  	v3 =	vld [tilespmem:$0x180];
	_ =	sdelay $0x4  }
0x41d: {  	v56 =	vshll.u32 v3, $0x2  }
0x41e: {  	v3 =	vand.u32 $0x7, v3;
	v4 =	vand.u32 $0xFFFFFFE0, v56  }
0x41f: {  	v3 =	vor.u32 v3, v4  }
0x420: {  	v4 =	vperm.xlane v3, v0;
	_ =	sdelay $0x1  }
0x421: {  	v3 =	vperm.xlane v3, v2;
	v4 =	vadd.s32 v1, v4;
	_ =	sdelay $0x1  }
0x422: {  	v3 =	vadd.s32 v1, v3;
	_ =	sdelay $0x1  }
0x423: {  	s7 =	simm.s32 $0x8400  }
0x424: {  	[hbm4b:s6+s4] =	stream.indirect_vreg.scatter [tilespmem:s7], [sflag:$0x7], $0x80, v4, vm0, $0xb8;
	[tilespmem:$0x18400] =	vst v63  }
0x425: {  	s25 =	simm.s32 $0x8C00  }
0x426: {  	[hbm4b:s6+s4] =	stream.indirect_vreg.scatter [tilespmem:s25], [sflag:$0x7], $0x80, v3, vm0, $0xb8;
	[tilespmem:$0x18400] =	vst v63  }
0x427: {  	v3 =	vld [tilespmem:$0x190];
	_ =	sdelay $0x4  }
0x428: {  	v57 =	vshll.u32 v3, $0x2  }
0x429: {  	v3 =	vand.u32 $0x7, v3;
	v4 =	vand.u32 $0xFFFFFFE0, v57  }
0x42a: {  	v3 =	vor.u32 v3, v4  }
0x42b: {  	v4 =	vperm.xlane v3, v0;
	_ =	sdelay $0x1  }
0x42c: {  	v3 =	vperm.xlane v3, v2;
	v4 =	vadd.s32 v1, v4;
	_ =	sdelay $0x1  }
0x42d: {  	v3 =	vadd.s32 v1, v3;
	_ =	sdelay $0x1  }
0x42e: {  	s11 =	simm.s32 $0x9400  }
0x42f: {  	[hbm4b:s6+s4] =	stream.indirect_vreg.scatter [tilespmem:s11], [sflag:$0x7], $0x80, v4, vm0, $0xb8;
	[tilespmem:$0x18400] =	vst v63  }
0x430: {  	s13 =	simm.s32 $0x9C00  }
0x431: {  	[hbm4b:s6+s4] =	stream.indirect_vreg.scatter [tilespmem:s13], [sflag:$0x7], $0x80, v3, vm0, $0xb8;
	[tilespmem:$0x18400] =	vst v63  }
0x432: {  	v3 =	vld [tilespmem:$0x1A0];
	_ =	sdelay $0x4  }
0x433: {  	v58 =	vshll.u32 v3, $0x2  }
0x434: {  	v3 =	vand.u32 $0x7, v3;
	v4 =	vand.u32 $0xFFFFFFE0, v58  }
0x435: {  	v3 =	vor.u32 v3, v4  }
0x436: {  	v4 =	vperm.xlane v3, v0;
	_ =	sdelay $0x1  }
0x437: {  	v3 =	vperm.xlane v3, v2;
	v4 =	vadd.s32 v1, v4;
	_ =	sdelay $0x1  }
0x438: {  	v3 =	vadd.s32 v1, v3;
	_ =	sdelay $0x1  }
0x439: {  	s26 =	simm.s32 $0xA400  }
0x43a: {  	[hbm4b:s6+s4] =	stream.indirect_vreg.scatter [tilespmem:s26], [sflag:$0x7], $0x80, v4, vm0, $0xb8;
	[tilespmem:$0x18400] =	vst v63  }
0x43b: {  	s14 =	simm.s32 $0xAC00  }
0x43c: {  	[hbm4b:s6+s4] =	stream.indirect_vreg.scatter [tilespmem:s14], [sflag:$0x7], $0x80, v3, vm0, $0xb8;
	[tilespmem:$0x18400] =	vst v63  }
0x43d: {  	v3 =	vld [tilespmem:$0x1B0];
	_ =	sdelay $0x4  }
0x43e: {  	v59 =	vshll.u32 v3, $0x2  }
0x43f: {  	v3 =	vand.u32 $0x7, v3;
	v4 =	vand.u32 $0xFFFFFFE0, v59  }
0x440: {  	v3 =	vor.u32 v3, v4  }
0x441: {  	v4 =	vperm.xlane v3, v0;
	_ =	sdelay $0x1  }
0x442: {  	v3 =	vperm.xlane v3, v2;
	v4 =	vadd.s32 v1, v4;
	_ =	sdelay $0x1  }
0x443: {  	v3 =	vadd.s32 v1, v3;
	_ =	sdelay $0x1  }
0x444: {  	s30 =	simm.s32 $0xB400  }
0x445: {  	[hbm4b:s6+s4] =	stream.indirect_vreg.scatter [tilespmem:s30], [sflag:$0x7], $0x80, v4, vm0, $0xb8;
	[tilespmem:$0x18400] =	vst v63  }
0x446: {  	s15 =	simm.s32 $0xBC00  }
0x447: {  	[hbm4b:s6+s4] =	stream.indirect_vreg.scatter [tilespmem:s15], [sflag:$0x7], $0x80, v3, vm0, $0xb8;
	[tilespmem:$0x18400] =	vst v63  }
0x448: {  	v3 =	vld [tilespmem:$0x1C0];
	_ =	sdelay $0x4  }
0x449: {  	v60 =	vshll.u32 v3, $0x2  }
0x44a: {  	v3 =	vand.u32 $0x7, v3;
	v4 =	vand.u32 $0xFFFFFFE0, v60  }
0x44b: {  	v3 =	vor.u32 v3, v4  }
0x44c: {  	v4 =	vperm.xlane v3, v0;
	_ =	sdelay $0x1  }
0x44d: {  	v3 =	vperm.xlane v3, v2;
	v4 =	vadd.s32 v1, v4;
	_ =	sdelay $0x1  }
0x44e: {  	v3 =	vadd.s32 v1, v3;
	_ =	sdelay $0x1  }
0x44f: {  	s29 =	simm.s32 $0xC400  }
0x450: {  	[hbm4b:s6+s4] =	stream.indirect_vreg.scatter [tilespmem:s29], [sflag:$0x7], $0x80, v4, vm0, $0xb8;
	[tilespmem:$0x18400] =	vst v63  }
0x451: {  	s16 =	simm.s32 $0xCC00  }
0x452: {  	[hbm4b:s6+s4] =	stream.indirect_vreg.scatter [tilespmem:s16], [sflag:$0x7], $0x80, v3, vm0, $0xb8;
	[tilespmem:$0x18400] =	vst v63  }
0x453: {  	v3 =	vld [tilespmem:$0x1D0];
	_ =	sdelay $0x4  }
0x454: {  	v61 =	vshll.u32 v3, $0x2  }
0x455: {  	v3 =	vand.u32 $0x7, v3;
	v4 =	vand.u32 $0xFFFFFFE0, v61  }
0x456: {  	v3 =	vor.u32 v3, v4  }
0x457: {  	v4 =	vperm.xlane v3, v0;
	_ =	sdelay $0x1  }
0x458: {  	v3 =	vperm.xlane v3, v2;
	v4 =	vadd.s32 v1, v4;
	_ =	sdelay $0x1  }
0x459: {  	v3 =	vadd.s32 v1, v3;
	_ =	sdelay $0x1  }
0x45a: {  	s10 =	simm.s32 $0xD400  }
0x45b: {  	[hbm4b:s6+s4] =	stream.indirect_vreg.scatter [tilespmem:s10], [sflag:$0x7], $0x80, v4, vm0, $0xb8;
	[tilespmem:$0x18400] =	vst v63  }
0x45c: {  	s17 =	simm.s32 $0xDC00  }
0x45d: {  	[hbm4b:s6+s4] =	stream.indirect_vreg.scatter [tilespmem:s17], [sflag:$0x7], $0x80, v3, vm0, $0xb8;
	[tilespmem:$0x18400] =	vst v63  }
0x45e: {  	v3 =	vld [tilespmem:$0x1E0];
	_ =	sdelay $0x4  }
0x45f: {  	v62 =	vshll.u32 v3, $0x2  }
0x460: {  	v3 =	vand.u32 $0x7, v3;
	v4 =	vand.u32 $0xFFFFFFE0, v62  }
0x461: {  	v3 =	vor.u32 v3, v4  }
0x462: {  	v4 =	vperm.xlane v3, v0;
	_ =	sdelay $0x1  }
0x463: {  	v3 =	vperm.xlane v3, v2;
	v4 =	vadd.s32 v1, v4;
	_ =	sdelay $0x1  }
0x464: {  	v3 =	vadd.s32 v1, v3;
	_ =	sdelay $0x1  }
0x465: {  	s8 =	simm.s32 $0xE400  }
0x466: {  	[hbm4b:s6+s4] =	stream.indirect_vreg.scatter [tilespmem:s8], [sflag:$0x7], $0x80, v4, vm0, $0xb8;
	[tilespmem:$0x18400] =	vst v63  }
0x467: {  	s9 =	simm.s32 $0xEC00  }
0x468: {  	[hbm4b:s6+s4] =	stream.indirect_vreg.scatter [tilespmem:s9], [sflag:$0x7], $0x80, v3, vm0, $0xb8;
	[tilespmem:$0x18400] =	vst v63  }
0x469: {  	v3 =	vld [tilespmem:$0x1F0];
	_ =	sdelay $0x4  }
0x46a: {  	v63 =	vshll.u32 v3, $0x2  }
0x46b: {  	v3 =	vand.u32 $0x7, v3;
	v4 =	vand.u32 $0xFFFFFFE0, v63  }
0x46c: {  	v3 =	vor.u32 v3, v4  }
0x46d: {  	v4 =	vperm.xlane v3, v0;
	_ =	sdelay $0x1  }
0x46e: {  	v3 =	vperm.xlane v3, v2;
	v4 =	vadd.s32 v1, v4;
	_ =	sdelay $0x1  }
0x46f: {  	v3 =	vadd.s32 v1, v3;
	_ =	sdelay $0x1  }
0x470: {  	s18 =	simm.s32 $0xF400  }
0x471: {  	[hbm4b:s6+s4] =	stream.indirect_vreg.scatter [tilespmem:s18], [sflag:$0x7], $0x80, v4, vm0, $0xb8;
	[tilespmem:$0x18400] =	vst v63  }
0x472: {  	s19 =	simm.s32 $0xFC00  }
0x473: {  	[hbm4b:s6+s4] =	stream.indirect_vreg.scatter [tilespmem:s19], [sflag:$0x7], $0x80, v3, vm0, $0xb8;
	[tilespmem:$0x18400] =	vst v63  }
0x474: {  	_ =	swait.ge [sflag:s5], $0x8000  }
0x475: {  	[sflag:s5] =	ssyncset.done $0x0  }
0x476: {  	s30 =	rddreg [dreg:$0x11];
	[sflag:s5] =	ssyncadd.s32 $0xFFFF8000  }
0x477: {  	p0 =	sne.s32 s30, $0x1;
	_ =	swait.ge [sflag:s2], $0x8000  }
.Ltmp0:
0x478: {  	[sflag:s2] =	ssyncset.done $0x0;
	(pc) =	sbr.rel @p0 .LBB2_1-.Ltmp0, $4  }
0x479: {  	[sflag:s2] =	ssyncadd.s32 $0xFFFF8000  }
0x47a: {  	_ =	swait.ge [sflag:s28], $0x8000  }
0x47b: {  	[sflag:s28] =	ssyncset.done $0x0  }
0x47c: {  	s5 =	sadd.s32 $0xFFFFFFFF, s30;
	[sflag:s28] =	ssyncadd.s32 $0xFFFF8000  }
0x47d: {  	_ =	sfence.sel $0x180000  }
0x47e: {  	[bflag:$0x0] =	sbarrier.arrive $0xFFFF  }
0x47f: {  	_ =	strace $0x90000047  }
0x480: {  	s0 =	stileid.u32;
	[bflag:$0x2] =	sbarrier.arrive $0xFFFF  }
0x481: {  	p0 =	sne.s32 s0, $0x0;
	s0 =	rddreg [dreg:$0x3]  }
0x482: {  	s0 =	sadd.s32 @!p0 $0x100000, s0  }
0x483: {  	[sflag:s0] =	ssyncadd.tile.s32 @!p0 $0x1;
	_ =	shalt  }
.Lfunc_end2:
_tile_overlayer_lowered:
.L_overlay_start_2:
0x484: {  	(tag) =	ssettag $0x2  }
0x485: {  	s0 =	rddreg [dreg:$0x0];
	s2 =	stileid.u32  }
0x486: {  	s1 =	rddreg [dreg:$0x1];
	p0 =	sne.s32 s2, $0x0  }
0x487: {  	s3 =	rddreg [dreg:$0x2];
	[bflag:$0x3] =	sbarrier.arrive $0xFFFF;
	s2 =	simm.s32 @!p0 $0x1C09  }
0x488: {  	[timem:s3], [sflag:s2] =	dma.local @!p0 [hbm:s0], s1  }
0x489: {  	s0 =	simm.s32 @!p0 $0x9  }
0x48a: {  	_ =	swait.ge @!p0 [sflag:s0], s1  }
0x48b: {  	s1 =	ssub.s32 @!p0 $0x0, s1;
	[sflag:s0] =	ssyncset.done @!p0 $0x0  }
0x48c: {  	[sflag:s0] =	ssyncadd.s32 @!p0 s1  }
0x48d: {  	[bflag:$0x3] =	sbarrier.arrive $0xFFFF  }
0x48e: {  	_ =	shalt  }

</sc_bundles>
